<compile_context>
chip_gen: v7x
topology: tpu7x:2x2x1
jax: 0.10.2.dev20260603
libtpu: 0.0.44.dev20260713+nightly
codegen_flags: <defaults>
</compile_context>

<pallas_src>
import functools

import jax
import jax.numpy as jnp
from jax import lax
from jax.experimental import pallas as pl
from jax.experimental.pallas import tpu as pltpu
from jax.experimental.pallas import tpu_sc as plsc

_PERM = []
for _p in range(128):
    _c, _l = divmod(_p, 16)
    if _l < 4:
        _h, _j = _l, 0
    elif _l < 8:
        _h, _j = 7 - _l, 1
    elif _l < 12:
        _h, _j = _l - 8, 2
    else:
        _h, _j = 15 - _l, 3
    _PERM.append(_h * 32 + _c * 4 + _j)

NC = 2
NS = 16
NW = NC * NS
H = 4
HD = 32
INV_SQRT_HD = 1.0 / (HD ** 0.5)
EB = 80


def _node_body(x, wn1, bn1, wn2, bn2, wq, bq, wk, bk, wv, bv,
               h_o, q_o, k_o, v_o):
    xx = x[...]
    t = jnp.maximum(
        jnp.dot(xx, wn1[...], preferred_element_type=jnp.float32) + bn1[...],
        0.0)
    h = jnp.dot(t, wn2[...], preferred_element_type=jnp.float32) + bn2[...]
    h_o[...] = h
    q_o[...] = jnp.dot(h, wq[...], preferred_element_type=jnp.float32) + bq[...]
    k_o[...] = jnp.dot(h, wk[...], preferred_element_type=jnp.float32) + bk[...]
    v_o[...] = jnp.dot(h, wv[...], preferred_element_type=jnp.float32) + bv[...]


def _node_phase(nf, wn1, bn1, wn2, bn2, wq, bq, wk, bk, wv, bv):
    n = nf.shape[0]
    nb = 2000
    grid = (n // nb,)
    row_spec = pl.BlockSpec((nb, 128), lambda i: (i, 0))
    w_spec = pl.BlockSpec((128, 128), lambda i: (0, 0))
    b_spec = pl.BlockSpec((1, 128), lambda i: (0, 0))
    out = jax.ShapeDtypeStruct((n, 128), jnp.float32)
    return pl.pallas_call(
        _node_body,
        grid=grid,
        in_specs=[pl.BlockSpec((nb, 128), lambda i: (i, 0)),
                  w_spec, b_spec, w_spec, b_spec,
                  w_spec, b_spec, w_spec, b_spec, w_spec, b_spec],
        out_specs=[row_spec, row_spec, row_spec, row_spec],
        out_shape=[out, out, out, out],
    )(nf, wn1, bn1, wn2, bn2, wq, bq, wk, bk, wv, bv)


def _edge_phase(ef, we1, be1, we2, be2, wea, bea):
    e = ef.shape[0]
    eb = 8000
    wea_p = jnp.pad(wea, ((0, 0), (0, 16 - H)))
    bea_p = jnp.pad(bea, (0, 16 - H)).reshape(1, 16)
    be2r = be2.reshape(1, 128)
    grid = (e // eb,)
    return pl.pallas_call(
        _edge_kernel_body_wrapper,
        grid=grid,
        in_specs=[pl.BlockSpec((eb, 16), lambda i: (i, 0)),
                  pl.BlockSpec((16, 128), lambda i: (0, 0)),
                  pl.BlockSpec((1, 128), lambda i: (0, 0)),
                  pl.BlockSpec((128, 128), lambda i: (0, 0)),
                  pl.BlockSpec((1, 128), lambda i: (0, 0)),
                  pl.BlockSpec((128, 16), lambda i: (0, 0)),
                  pl.BlockSpec((1, 16), lambda i: (0, 0))],
        out_specs=pl.BlockSpec((eb, 16), lambda i: (i, 0)),
        out_shape=jax.ShapeDtypeStruct((e, 16), jnp.float32),
    )(ef, we1, be1, we2, be2r, wea_p, bea_p)


def _edge_kernel_body_wrapper(ef, we1, be1, we2, be2r, wea_p, bea_p, se_o):
    wea2 = jnp.dot(we2[...], wea_p[...], preferred_element_type=jnp.float32)
    bea2 = (jnp.dot(be2r[...], wea_p[...], preferred_element_type=jnp.float32)
            + bea_p[...])
    t = jnp.maximum(
        jnp.dot(ef[...], we1[...], preferred_element_type=jnp.float32)
        + be1[...], 0.0)
    se_o[...] = (jnp.dot(t, wea2, preferred_element_type=jnp.float32)
                 + bea2)


def _round_up(x, m):
    return ((x + m - 1) // m) * m


def _sc_scores(q, k, se, src, dst):
    n = q.shape[0]
    e = src.shape[0]
    epw = e // NW
    nblk = epw // EB
    npad = _round_up(n, 8 * NS)
    rows_per_tile = npad // NS
    mesh = plsc.VectorSubcoreMesh(core_axis_name="c", subcore_axis_name="s")

    @functools.partial(
        pl.kernel,
        mesh=mesh,
        out_type=[jax.ShapeDtypeStruct((e, 16), jnp.float32),
                  jax.ShapeDtypeStruct((NC, npad, 128), jnp.float32)],
        scratch_types=[
            pltpu.VMEM((EB,), jnp.int32),
            pltpu.VMEM((EB,), jnp.int32),
            pltpu.VMEM((EB, 128), jnp.float32),
            pltpu.VMEM((EB, 128), jnp.float32),
            pltpu.VMEM((EB, 16), jnp.float32),
            pltpu.VMEM((EB, 128), jnp.float32),
            pltpu.VMEM_SHARED((npad, 128), jnp.float32),
            pltpu.SemaphoreType.DMA,
            pltpu.SemaphoreType.DMA,
        ],
    )
    def scores_kernel(q_hbm, k_hbm, se_hbm, src_hbm, dst_hbm,
                      ex_hbm, den_hbm,
                      srcv, dstv, qv, kv, sev, stgw, den_sh,
                      sem_q, sem_k):
        c = lax.axis_index("c")
        s = lax.axis_index("s")
        wid = s * NC + c

        def zrow(t, _):
            i = t // 8
            j = t % 8
            stgw[i, pl.ds(j * 16, 16)] = jnp.zeros((16,), jnp.float32)
            return 0
        lax.fori_loop(0, EB * 8, zrow, 0)
        off = 0
        while off < rows_per_tile:
            cnt = min(EB, rows_per_tile - off)
            pltpu.sync_copy(
                stgw.at[pl.ds(0, cnt)],
                den_sh.at[pl.ds(s * rows_per_tile + off, cnt)])
            off += cnt
        plsc.subcore_barrier()

        lanes = lax.iota(jnp.int32, 16)
        live = lanes < H

        def blk(b, _):
            base = wid * epw + b * EB
            pltpu.sync_copy(src_hbm.at[pl.ds(base, EB)], srcv)
            pltpu.sync_copy(dst_hbm.at[pl.ds(base, EB)], dstv)
            cq = pltpu.async_copy(q_hbm.at[srcv], qv, sem_q)
            ck = pltpu.async_copy(k_hbm.at[dstv], kv, sem_k)
            pltpu.sync_copy(se_hbm.at[pl.ds(base, EB)], sev)
            cq.wait()
            ck.wait()

            def edge(ei, _):
                serow = sev[ei]
                acc = qv[ei, pl.ds(0, 16)] * kv[ei, pl.ds(0, 16)]
                for ch in range(1, 8):
                    acc = acc + (qv[ei, pl.ds(ch * 16, 16)]
                                 * kv[ei, pl.ds(ch * 16, 16)])
                s1 = acc + lax.rev(acc, (0,))
                row = serow
                for h in range(H):
                    sc_h = s1[h] + s1[h + 8]
                    row = row + jnp.where(lanes == h, sc_h * INV_SQRT_HD, 0.0)
                exrow = jnp.where(live, jnp.exp(row), 0.0)
                sev[ei] = exrow
                stgw[ei, pl.ds(0, 16)] = exrow
                return 0
            lax.fori_loop(0, EB, edge, 0)

            pltpu.sync_copy(sev, ex_hbm.at[pl.ds(base, EB)])
            pltpu.sync_copy(stgw, den_sh.at[srcv], add=True)
            return 0
        lax.fori_loop(0, nblk, blk, 0)

        plsc.subcore_barrier()
        pltpu.sync_copy(
            den_sh.at[pl.ds(s * rows_per_tile, rows_per_tile)],
            den_hbm.at[c, pl.ds(s * rows_per_tile, rows_per_tile)])

    return scores_kernel(q, k, se, src, dst)


def _vd_body(v, d0, d1, vd_o):
    vd_o[:, 0:128] = v[...]
    den = d0[...] + d1[...]
    vd_o[:, 128:144] = den[:, 0:16]
    vd_o[:, 144:256] = jnp.zeros_like(vd_o[:, 144:256])


def _vd_phase(v, d0, d1):
    n = v.shape[0]
    nb = 2000
    grid = (n // nb,)
    return pl.pallas_call(
        _vd_body,
        grid=grid,
        in_specs=[pl.BlockSpec((nb, 128), lambda i: (i, 0)),
                  pl.BlockSpec((nb, 128), lambda i: (i, 0)),
                  pl.BlockSpec((nb, 128), lambda i: (i, 0))],
        out_specs=pl.BlockSpec((nb, 256), lambda i: (i, 0)),
        out_shape=jax.ShapeDtypeStruct((n, 256), jnp.float32),
    )(v, d0, d1)


def _sc_aggregate(vd, ex, src, dst):
    n = vd.shape[0]
    e = src.shape[0]
    epw = e // NW
    nblk = epw // EB
    npad = _round_up(n, 8 * NS)
    rows_per_tile = npad // NS
    mesh = plsc.VectorSubcoreMesh(core_axis_name="c", subcore_axis_name="s")

    @functools.partial(
        pl.kernel,
        mesh=mesh,
        out_type=[jax.ShapeDtypeStruct((e, 16), jnp.float32),
                  jax.ShapeDtypeStruct((NC, npad, 128), jnp.float32)],
        scratch_types=[
            pltpu.VMEM((EB,), jnp.int32),
            pltpu.VMEM((EB,), jnp.int32),
            pltpu.VMEM((EB, 256), jnp.float32),
            pltpu.VMEM((EB, 128), jnp.float32),
            pltpu.VMEM((EB, 16), jnp.float32),
            pltpu.VMEM_SHARED((npad, 128), jnp.float32),
            pltpu.SemaphoreType.DMA,
        ],
    )
    def agg_kernel(vd_hbm, ex_hbm, src_hbm, dst_hbm,
                   attn_hbm, outp_hbm,
                   srcv, dstv, vv, wv, exv, out_sh,
                   sem_v):
        c = lax.axis_index("c")
        s = lax.axis_index("s")
        wid = s * NC + c

        def zrow(t, _):
            i = t // 8
            j = t % 8
            wv[i, pl.ds(j * 16, 16)] = jnp.zeros((16,), jnp.float32)
            return 0
        lax.fori_loop(0, EB * 8, zrow, 0)
        off = 0
        while off < rows_per_tile:
            cnt = min(EB, rows_per_tile - off)
            pltpu.sync_copy(
                wv.at[pl.ds(0, cnt)],
                out_sh.at[pl.ds(s * rows_per_tile + off, cnt)])
            off += cnt
        plsc.subcore_barrier()

        lanes = lax.iota(jnp.int32, 16)
        live = lanes < H

        def blk(b, _):
            base = wid * epw + b * EB
            pltpu.sync_copy(src_hbm.at[pl.ds(base, EB)], srcv)
            pltpu.sync_copy(dst_hbm.at[pl.ds(base, EB)], dstv)
            cv = pltpu.async_copy(vd_hbm.at[srcv], vv, sem_v)
            pltpu.sync_copy(ex_hbm.at[pl.ds(base, EB)], exv)
            cv.wait()

            def edge(ei, _):
                exr = exv[ei]
                dr = vv[ei, pl.ds(128, 16)]
                arow = jnp.where(live, exr / dr, 0.0)
                exv[ei] = arow
                for h in range(H):
                    a = jnp.broadcast_to(arow[h], (16,))
                    wv[ei, pl.ds(2 * h * 16, 16)] = (
                        vv[ei, pl.ds(2 * h * 16, 16)] * a)
                    wv[ei, pl.ds((2 * h + 1) * 16, 16)] = (
                        vv[ei, pl.ds((2 * h + 1) * 16, 16)] * a)
                return 0
            lax.fori_loop(0, EB, edge, 0)
            pltpu.sync_copy(exv, attn_hbm.at[pl.ds(base, EB)])

            pltpu.sync_copy(wv, out_sh.at[dstv], add=True)
            return 0
        lax.fori_loop(0, nblk, blk, 0)

        plsc.subcore_barrier()
        pltpu.sync_copy(
            out_sh.at[pl.ds(s * rows_per_tile, rows_per_tile)],
            outp_hbm.at[c, pl.ds(s * rows_per_tile, rows_per_tile)])

    return agg_kernel(vd, ex, src, dst)


def _final_body(o0, o1, h, wout, bout, out_o):
    acc = o0[...] + o1[...]
    out_o[...] = (jnp.dot(acc, wout[...], preferred_element_type=jnp.float32)
                  + bout[...] + h[...])


def _final_phase(o0, o1, h, wout, bout):
    n = h.shape[0]
    nb = 2000
    grid = (n // nb,)
    row_spec = pl.BlockSpec((nb, 128), lambda i: (i, 0))
    return pl.pallas_call(
        _final_body,
        grid=grid,
        in_specs=[row_spec, row_spec, row_spec,
                  pl.BlockSpec((128, 128), lambda i: (0, 0)),
                  pl.BlockSpec((1, 128), lambda i: (0, 0))],
        out_specs=row_spec,
        out_shape=jax.ShapeDtypeStruct((n, 128), jnp.float32),
    )(o0, o1, h, wout, bout)


def kernel(node_feat, edge_index, edge_feat, ball_progress,
           Wn1, bn1, Wn2, bn2, We1, be1, We2, be2,
           WQ, bQ, WK, bK, WV, bV, Wea, bea, Wout, bout):
    src = edge_index[0]
    dst = edge_index[1]

    perm = jnp.asarray(_PERM, jnp.int32)
    WQp = WQ[:, perm]
    bQp = bQ[perm]
    WKp = WK[:, perm]
    bKp = bK[perm]

    h, q, k, v = _node_phase(
        node_feat, Wn1, bn1.reshape(1, -1), Wn2, bn2.reshape(1, -1),
        WQp, bQp.reshape(1, -1), WKp, bKp.reshape(1, -1),
        WV, bV.reshape(1, -1))
    se = _edge_phase(edge_feat, We1, be1.reshape(1, -1), We2, be2, Wea, bea)

    n = node_feat.shape[0]
    ex, den = _sc_scores(q, k, se, src, dst)
    vd = _vd_phase(v, den[0, :n], den[1, :n])
    attn_p, outp = _sc_aggregate(vd, ex, src, dst)

    out = _final_phase(outp[0, :n], outp[1, :n], h, Wout, bout.reshape(1, -1))
    return out, attn_p[:, :H]

# --- scband reference (transcript-rebuilt; emitter-appended) ---
"""Pipeline reference for scband-multi-head-graph-attention-26001732010507 (READ-ONLY COPY).

The authoritative reference and input builder live on the scoring server;
editing this copy changes nothing except your own understanding.
"""

import jax, jax.numpy as jnp
import numpy as np

N = 10000
E = 320000
NODE_IN = 128
EDGE_IN = 16
HID = 128
H = 4
HD = HID // H


def setup_inputs(seed: int = 0) -> dict:
    key = jax.random.key(seed)
    ks = jax.random.split(key, 24)
    s = 0.05
    inp = {}
    inp['node_feat'] = jax.random.normal(ks[0], (N, NODE_IN), jnp.float32)
    inp['edge_index'] = jax.random.randint(ks[1], (2, E), 0, N, jnp.int32)
    inp['edge_feat'] = jax.random.normal(ks[2], (E, EDGE_IN), jnp.float32)
    inp['ball_progress'] = jax.random.uniform(ks[3], (N,), jnp.float32)
    # node encoder
    inp['Wn1'] = jax.random.normal(ks[4], (NODE_IN, HID), jnp.float32) * s
    inp['bn1'] = jnp.zeros((HID,), jnp.float32)
    inp['Wn2'] = jax.random.normal(ks[5], (HID, HID), jnp.float32) * s
    inp['bn2'] = jnp.zeros((HID,), jnp.float32)
    # edge encoder
    inp['We1'] = jax.random.normal(ks[6], (EDGE_IN, HID), jnp.float32) * s
    inp['be1'] = jnp.zeros((HID,), jnp.float32)
    inp['We2'] = jax.random.normal(ks[7], (HID, HID), jnp.float32) * s
    inp['be2'] = jnp.zeros((HID,), jnp.float32)
    # attention projections
    inp['WQ'] = jax.random.normal(ks[8], (HID, HID), jnp.float32) * s
    inp['bQ'] = jnp.zeros((HID,), jnp.float32)
    inp['WK'] = jax.random.normal(ks[9], (HID, HID), jnp.float32) * s
    inp['bK'] = jnp.zeros((HID,), jnp.float32)
    inp['WV'] = jax.random.normal(ks[10], (HID, HID), jnp.float32) * s
    inp['bV'] = jnp.zeros((HID,), jnp.float32)
    inp['Wea'] = jax.random.normal(ks[11], (HID, H), jnp.float32) * s
    inp['bea'] = jnp.zeros((H,), jnp.float32)
    inp['Wout'] = jax.random.normal(ks[12], (HID, HID), jnp.float32) * s
    inp['bout'] = jnp.zeros((HID,), jnp.float32)
    return inp


def reference(node_feat, edge_index, edge_feat, ball_progress,
              Wn1, bn1, Wn2, bn2, We1, be1, We2, be2,
              WQ, bQ, WK, bK, WV, bV, Wea, bea, Wout, bout):
    n = node_feat.shape[0]
    h = jax.nn.relu(node_feat @ Wn1 + bn1) @ Wn2 + bn2
    e = jax.nn.relu(edge_feat @ We1 + be1) @ We2 + be2
    Q = (h @ WQ + bQ).reshape(n, H, HD)
    K = (h @ WK + bK).reshape(n, H, HD)
    V = (h @ WV + bV).reshape(n, H, HD)
    src = edge_index[0]
    dst = edge_index[1]
    scores = (Q[src] * K[dst]).sum(axis=-1) / (HD ** 0.5)  # [E, H]
    scores = scores + (e @ Wea + bea)
    # segment softmax over edges grouped by src node (per head)
    m = jax.ops.segment_max(scores, src, num_segments=n)  # [n, H]
    m = jnp.where(jnp.isfinite(m), m, 0.0)
    m = jax.lax.stop_gradient(m)
    ex = jnp.exp(scores - m[src])
    denom = jax.ops.segment_sum(ex, src, num_segments=n)  # [n, H]
    attn_weights = ex / denom[src]
    weighted_V = V[src] * attn_weights[..., None]  # [E, H, HD]
    out = jax.ops.segment_sum(weighted_V, dst, num_segments=n)  # [n, H, HD]
    out = out.reshape(n, HID) @ Wout + bout
    return (out + h, attn_weights)

if __name__ == "__main__":
    import jax
    _d = setup_inputs()
    print(jax.jit(kernel)(*tuple(_d.values())))

</pallas_src>

<mosaic_0001>
#map = affine_map<(d0, d1) -> (0, 0)>
#map1 = affine_map<(d0, d1) -> (0)>
#map2 = affine_map<(d0, d1) -> (0, 0, 0)>
module attributes {stable_mosaic.version = 14 : i64} {
  func.func @scores_kernel(%arg0: i32, %arg1: i32, %arg2: memref<10000x128xf32, #tpu.memory_space<hbm>>, %arg3: memref<10000x128xf32, #tpu.memory_space<hbm>>, %arg4: memref<320000x16xf32, #tpu.memory_space<hbm>>, %arg5: memref<320000xi32, #tpu.memory_space<hbm>>, %arg6: memref<320000xi32, #tpu.memory_space<hbm>>, %arg7: memref<320000x16xf32, #tpu.memory_space<hbm>>, %arg8: memref<2x10112x128xf32, #tpu.memory_space<hbm>>, %arg9: memref<80xi32, #tpu.memory_space<vmem>>, %arg10: memref<80xi32, #tpu.memory_space<vmem>>, %arg11: memref<80x128xf32, #tpu.memory_space<vmem>>, %arg12: memref<80x128xf32, #tpu.memory_space<vmem>>, %arg13: memref<80x16xf32, #tpu.memory_space<vmem>>, %arg14: memref<80x128xf32, #tpu.memory_space<vmem>>, %arg15: memref<10112x128xf32, #tpu.memory_space<vmem_shared>>, %arg16: memref<!tpu.dma_semaphore, #tpu.memory_space<semaphore_mem>>, %arg17: memref<!tpu.dma_semaphore, #tpu.memory_space<semaphore_mem>>) attributes {dimension_semantics = [#tpu.dimension_semantics<core_parallel>, #tpu.dimension_semantics<subcore_parallel>], iteration_bounds = array<i64: 2, 16>, scalar_prefetch = 0 : i64, scratch_operands = 9 : i64, tpu.core_type = #tpu.core_type<sc_vector_subcore>, window_params = [{transform_indices = #map}, {transform_indices = #map}, {transform_indices = #map}, {transform_indices = #map1}, {transform_indices = #map1}, {transform_indices = #map}, {transform_indices = #map2}]} {
    %mul3A = arith.constant 2 : i32
    %mul3A_0 = arith.muli %arg1, %mul3A : i32
    %add3A = arith.addi %mul3A_0, %arg0 : i32
    %scan3A = arith.constant 0 : i32
    %scan3A_1 = arith.constant 0 : i32
    %scan3A_2 = arith.constant 640 : i32
    %scan3A_3 = arith.addi %scan3A_1, %scan3A_2 : i32
    %scan3A_4 = arith.constant 1 : i32
    %scan3A_5 = scf.for %scan3A_53 = %scan3A_1 to %scan3A_3 step %scan3A_4 iter_args(%scan3A_54 = %scan3A) -> (i32)  : i32 {
      %jit3A = arith.constant 8 : i32
      %div3A = arith.divsi %scan3A_53, %jit3A : i32
      %sign3A = arith.constant 0 : i32
      %sign3A_55 = arith.cmpi sgt, %scan3A_53, %sign3A : i32
      %sign3A_56 = arith.extui %sign3A_55 : i1 to i32
      %sign3A_57 = arith.constant 0 : i32
      %sign3A_58 = arith.cmpi slt, %scan3A_53, %sign3A_57 : i32
      %sign3A_59 = arith.extui %sign3A_58 : i1 to i32
      %sign3A_60 = arith.subi %sign3A_56, %sign3A_59 : i32
      %sign3A_61 = arith.constant 0 : i32
      %sign3A_62 = arith.cmpi sgt, %jit3A, %sign3A_61 : i32
      %sign3A_63 = arith.extui %sign3A_62 : i1 to i32
      %sign3A_64 = arith.constant 0 : i32
      %sign3A_65 = arith.cmpi slt, %jit3A, %sign3A_64 : i32
      %sign3A_66 = arith.extui %sign3A_65 : i1 to i32
      %sign3A_67 = arith.subi %sign3A_63, %sign3A_66 : i32
      %ne3A = arith.cmpi ne, %sign3A_60, %sign3A_67 : i32
      %rem3A = arith.remsi %scan3A_53, %jit3A : i32
      %ne3A_68 = arith.constant 0 : i32
      %ne3A_69 = arith.cmpi ne, %rem3A, %ne3A_68 : i32
      %and3A = arith.andi %ne3A, %ne3A_69 : i1
      %sub3A = arith.constant 1 : i32
      %sub3A_70 = arith.subi %div3A, %sub3A : i32
      %select_n3A = arith.select %and3A, %sub3A_70, %div3A : i32
      %jit3A_71 = arith.constant 8 : i32
      %eq3A = arith.constant 0 : i32
      %eq3A_72 = arith.cmpi eq, %jit3A_71, %eq3A : i32
      %jit3A_73 = arith.constant 1 : i32
      %select_n3A_74 = arith.select %eq3A_72, %jit3A_73, %jit3A_71 : i32
      %rem3A_75 = arith.remsi %scan3A_53, %select_n3A_74 : i32
      %ne3A_76 = arith.constant 0 : i32
      %ne3A_77 = arith.cmpi ne, %rem3A_75, %ne3A_76 : i32
      %lt3A_78 = arith.constant 0 : i32
      %lt3A_79 = arith.cmpi slt, %rem3A_75, %lt3A_78 : i32
      %lt3A_80 = arith.constant 0 : i32
      %lt3A_81 = arith.cmpi slt, %select_n3A_74, %lt3A_80 : i32
      %ne3A_82 = arith.xori %lt3A_79, %lt3A_81 : i1
      %and3A_83 = arith.andi %ne3A_82, %ne3A_77 : i1
      %add3A_84 = arith.addi %rem3A_75, %select_n3A_74 : i32
      %select_n3A_85 = arith.select %and3A_83, %add3A_84, %rem3A_75 : i32
      %broadcast_in_dim3A = arith.constant 0.000000e+00 : f32
      %broadcast_in_dim3A_86 = vector.broadcast %broadcast_in_dim3A : f32 to vector<16xf32>
      %mul3A_87 = arith.constant 16 : i32
      %mul3A_88 = arith.muli %select_n3A_85, %mul3A_87 : i32
      %swap3A = arith.index_cast %select_n3A : i32 to index
      %swap3A_89 = arith.index_cast %mul3A_88 : i32 to index
      %swap3A_90 = tpu.vector_load %arg14[%swap3A, %swap3A_89] {strides = array<i32>} : memref<80x128xf32, #tpu.memory_space<vmem>>, vector<1x16xf32>,
      %swap3A_91 = vector.shape_cast %swap3A_90 : vector<1x16xf32> to vector<16xf32>
      %swap3A_92 = vector.shape_cast %broadcast_in_dim3A_86 : vector<16xf32> to vector<1x16xf32>
      tpu.vector_store %arg14[%swap3A, %swap3A_89], %swap3A_92 {strides = array<i32>} : memref<80x128xf32, #tpu.memory_space<vmem>>, vector<1x16xf32>,
      %scan3A_93 = arith.constant 0 : i32
      scf.yield %scan3A_93 : i32
    }
    %scan3A_6 = arith.constant 640 : i32
    %mul3A_7 = arith.constant 632 : i32
    %mul3A_8 = arith.muli %arg1, %mul3A_7 : i32
    %add3A_9 = arith.constant 0 : i32
    %add3A_10 = arith.addi %mul3A_8, %add3A_9 : i32
    "tpu.region"() ({
      %run_scoped3A = tpu.sem_alloc : memref<!tpu.dma_semaphore, #tpu.memory_space<semaphore_mem>>
      %dma_start3A = arith.constant 0 : i32
      %dma_start3A_53 = arith.constant 0 : i32
      %dma_start3A_54 = tpu.memref_slice %arg14[%dma_start3A, %dma_start3A_53] : memref<80x128xf32, #tpu.memory_space<vmem>> -> memref<80x128xf32, #tpu.memory_space<vmem>>
      %dma_start3A_55 = arith.constant 0 : i32
      %dma_start3A_56 = tpu.memref_slice %arg15[%add3A_10, %dma_start3A_55] : memref<10112x128xf32, #tpu.memory_space<vmem_shared>> -> memref<80x128xf32, #tpu.memory_space<vmem_shared>>
      %dma_start3A_57 = arith.constant 0 : i32
      %dma_start3A_58 = tpu.memref_slice %arg15[%add3A_10, %dma_start3A_57] : memref<10112x128xf32, #tpu.memory_space<vmem_shared>> -> memref<80x128xf32, #tpu.memory_space<vmem_shared>>
      %dma_start3A_59 = arith.constant 0 : i32
      %dma_start3A_60 = arith.constant 0 : i32
      %dma_start3A_61 = tpu.memref_slice %arg14[%dma_start3A_59, %dma_start3A_60] : memref<80x128xf32, #tpu.memory_space<vmem>> -> memref<80x128xf32, #tpu.memory_space<vmem>>
      tpu.enqueue_dma source(%dma_start3A_61 : memref<80x128xf32, #tpu.memory_space<vmem>>) target(%dma_start3A_58 : memref<80x128xf32, #tpu.memory_space<vmem_shared>>) target_semaphore(%run_scoped3A : memref<!tpu.dma_semaphore, #tpu.memory_space<semaphore_mem>>)
      %dma_wait3A = arith.constant 0 : i32
      %dma_wait3A_62 = arith.constant 0 : i32
      %dma_wait3A_63 = tpu.memref_slice %arg14[%dma_wait3A, %dma_wait3A_62] : memref<80x128xf32, #tpu.memory_space<vmem>> -> memref<80x128xf32, #tpu.memory_space<vmem>>
      %dma_wait3A_64 = arith.constant 0 : i32
      %dma_wait3A_65 = tpu.memref_slice %arg15[%add3A_10, %dma_wait3A_64] : memref<10112x128xf32, #tpu.memory_space<vmem_shared>> -> memref<80x128xf32, #tpu.memory_space<vmem_shared>>
      %dma_wait3A_66 = arith.constant 0 : i32
      %dma_wait3A_67 = tpu.memref_slice %arg15[%add3A_10, %dma_wait3A_66] : memref<10112x128xf32, #tpu.memory_space<vmem_shared>> -> memref<80x128xf32, #tpu.memory_space<vmem_shared>>
      %dma_wait3A_68 = arith.constant 0 : i32
      %dma_wait3A_69 = arith.constant 0 : i32
      %dma_wait3A_70 = tpu.memref_slice %arg14[%dma_wait3A_68, %dma_wait3A_69] : memref<80x128xf32, #tpu.memory_space<vmem>> -> memref<80x128xf32, #tpu.memory_space<vmem>>
      tpu.wait_dma2 semaphore(%run_scoped3A : memref<!tpu.dma_semaphore, #tpu.memory_space<semaphore_mem>>) src(%dma_wait3A_70 : memref<80x128xf32, #tpu.memory_space<vmem>>) dst(%dma_wait3A_67 : memref<80x128xf32, #tpu.memory_space<vmem_shared>>)
      tpu.yield
    }) : () -> ()
    %mul3A_11 = arith.constant 632 : i32
    %mul3A_12 = arith.muli %arg1, %mul3A_11 : i32
    %add3A_13 = arith.constant 80 : i32
    %add3A_14 = arith.addi %mul3A_12, %add3A_13 : i32
    "tpu.region"() ({
      %run_scoped3A = tpu.sem_alloc : memref<!tpu.dma_semaphore, #tpu.memory_space<semaphore_mem>>
      %dma_start3A = arith.constant 0 : i32
      %dma_start3A_53 = arith.constant 0 : i32
      %dma_start3A_54 = tpu.memref_slice %arg14[%dma_start3A, %dma_start3A_53] : memref<80x128xf32, #tpu.memory_space<vmem>> -> memref<80x128xf32, #tpu.memory_space<vmem>>
      %dma_start3A_55 = arith.constant 0 : i32
      %dma_start3A_56 = tpu.memref_slice %arg15[%add3A_14, %dma_start3A_55] : memref<10112x128xf32, #tpu.memory_space<vmem_shared>> -> memref<80x128xf32, #tpu.memory_space<vmem_shared>>
      %dma_start3A_57 = arith.constant 0 : i32
      %dma_start3A_58 = tpu.memref_slice %arg15[%add3A_14, %dma_start3A_57] : memref<10112x128xf32, #tpu.memory_space<vmem_shared>> -> memref<80x128xf32, #tpu.memory_space<vmem_shared>>
      %dma_start3A_59 = arith.constant 0 : i32
      %dma_start3A_60 = arith.constant 0 : i32
      %dma_start3A_61 = tpu.memref_slice %arg14[%dma_start3A_59, %dma_start3A_60] : memref<80x128xf32, #tpu.memory_space<vmem>> -> memref<80x128xf32, #tpu.memory_space<vmem>>
      tpu.enqueue_dma source(%dma_start3A_61 : memref<80x128xf32, #tpu.memory_space<vmem>>) target(%dma_start3A_58 : memref<80x128xf32, #tpu.memory_space<vmem_shared>>) target_semaphore(%run_scoped3A : memref<!tpu.dma_semaphore, #tpu.memory_space<semaphore_mem>>)
      %dma_wait3A = arith.constant 0 : i32
      %dma_wait3A_62 = arith.constant 0 : i32
      %dma_wait3A_63 = tpu.memref_slice %arg14[%dma_wait3A, %dma_wait3A_62] : memref<80x128xf32, #tpu.memory_space<vmem>> -> memref<80x128xf32, #tpu.memory_space<vmem>>
      %dma_wait3A_64 = arith.constant 0 : i32
      %dma_wait3A_65 = tpu.memref_slice %arg15[%add3A_14, %dma_wait3A_64] : memref<10112x128xf32, #tpu.memory_space<vmem_shared>> -> memref<80x128xf32, #tpu.memory_space<vmem_shared>>
      %dma_wait3A_66 = arith.constant 0 : i32
      %dma_wait3A_67 = tpu.memref_slice %arg15[%add3A_14, %dma_wait3A_66] : memref<10112x128xf32, #tpu.memory_space<vmem_shared>> -> memref<80x128xf32, #tpu.memory_space<vmem_shared>>
      %dma_wait3A_68 = arith.constant 0 : i32
      %dma_wait3A_69 = arith.constant 0 : i32
      %dma_wait3A_70 = tpu.memref_slice %arg14[%dma_wait3A_68, %dma_wait3A_69] : memref<80x128xf32, #tpu.memory_space<vmem>> -> memref<80x128xf32, #tpu.memory_space<vmem>>
      tpu.wait_dma2 semaphore(%run_scoped3A : memref<!tpu.dma_semaphore, #tpu.memory_space<semaphore_mem>>) src(%dma_wait3A_70 : memref<80x128xf32, #tpu.memory_space<vmem>>) dst(%dma_wait3A_67 : memref<80x128xf32, #tpu.memory_space<vmem_shared>>)
      tpu.yield
    }) : () -> ()
    %mul3A_15 = arith.constant 632 : i32
    %mul3A_16 = arith.muli %arg1, %mul3A_15 : i32
    %add3A_17 = arith.constant 160 : i32
    %add3A_18 = arith.addi %mul3A_16, %add3A_17 : i32
    "tpu.region"() ({
      %run_scoped3A = tpu.sem_alloc : memref<!tpu.dma_semaphore, #tpu.memory_space<semaphore_mem>>
      %dma_start3A = arith.constant 0 : i32
      %dma_start3A_53 = arith.constant 0 : i32
      %dma_start3A_54 = tpu.memref_slice %arg14[%dma_start3A, %dma_start3A_53] : memref<80x128xf32, #tpu.memory_space<vmem>> -> memref<80x128xf32, #tpu.memory_space<vmem>>
      %dma_start3A_55 = arith.constant 0 : i32
      %dma_start3A_56 = tpu.memref_slice %arg15[%add3A_18, %dma_start3A_55] : memref<10112x128xf32, #tpu.memory_space<vmem_shared>> -> memref<80x128xf32, #tpu.memory_space<vmem_shared>>
      %dma_start3A_57 = arith.constant 0 : i32
      %dma_start3A_58 = tpu.memref_slice %arg15[%add3A_18, %dma_start3A_57] : memref<10112x128xf32, #tpu.memory_space<vmem_shared>> -> memref<80x128xf32, #tpu.memory_space<vmem_shared>>
      %dma_start3A_59 = arith.constant 0 : i32
      %dma_start3A_60 = arith.constant 0 : i32
      %dma_start3A_61 = tpu.memref_slice %arg14[%dma_start3A_59, %dma_start3A_60] : memref<80x128xf32, #tpu.memory_space<vmem>> -> memref<80x128xf32, #tpu.memory_space<vmem>>
      tpu.enqueue_dma source(%dma_start3A_61 : memref<80x128xf32, #tpu.memory_space<vmem>>) target(%dma_start3A_58 : memref<80x128xf32, #tpu.memory_space<vmem_shared>>) target_semaphore(%run_scoped3A : memref<!tpu.dma_semaphore, #tpu.memory_space<semaphore_mem>>)
      %dma_wait3A = arith.constant 0 : i32
      %dma_wait3A_62 = arith.constant 0 : i32
      %dma_wait3A_63 = tpu.memref_slice %arg14[%dma_wait3A, %dma_wait3A_62] : memref<80x128xf32, #tpu.memory_space<vmem>> -> memref<80x128xf32, #tpu.memory_space<vmem>>
      %dma_wait3A_64 = arith.constant 0 : i32
      %dma_wait3A_65 = tpu.memref_slice %arg15[%add3A_18, %dma_wait3A_64] : memref<10112x128xf32, #tpu.memory_space<vmem_shared>> -> memref<80x128xf32, #tpu.memory_space<vmem_shared>>
      %dma_wait3A_66 = arith.constant 0 : i32
      %dma_wait3A_67 = tpu.memref_slice %arg15[%add3A_18, %dma_wait3A_66] : memref<10112x128xf32, #tpu.memory_space<vmem_shared>> -> memref<80x128xf32, #tpu.memory_space<vmem_shared>>
      %dma_wait3A_68 = arith.constant 0 : i32
      %dma_wait3A_69 = arith.constant 0 : i32
      %dma_wait3A_70 = tpu.memref_slice %arg14[%dma_wait3A_68, %dma_wait3A_69] : memref<80x128xf32, #tpu.memory_space<vmem>> -> memref<80x128xf32, #tpu.memory_space<vmem>>
      tpu.wait_dma2 semaphore(%run_scoped3A : memref<!tpu.dma_semaphore, #tpu.memory_space<semaphore_mem>>) src(%dma_wait3A_70 : memref<80x128xf32, #tpu.memory_space<vmem>>) dst(%dma_wait3A_67 : memref<80x128xf32, #tpu.memory_space<vmem_shared>>)
      tpu.yield
    }) : () -> ()
    %mul3A_19 = arith.constant 632 : i32
    %mul3A_20 = arith.muli %arg1, %mul3A_19 : i32
    %add3A_21 = arith.constant 240 : i32
    %add3A_22 = arith.addi %mul3A_20, %add3A_21 : i32
    "tpu.region"() ({
      %run_scoped3A = tpu.sem_alloc : memref<!tpu.dma_semaphore, #tpu.memory_space<semaphore_mem>>
      %dma_start3A = arith.constant 0 : i32
      %dma_start3A_53 = arith.constant 0 : i32
      %dma_start3A_54 = tpu.memref_slice %arg14[%dma_start3A, %dma_start3A_53] : memref<80x128xf32, #tpu.memory_space<vmem>> -> memref<80x128xf32, #tpu.memory_space<vmem>>
      %dma_start3A_55 = arith.constant 0 : i32
      %dma_start3A_56 = tpu.memref_slice %arg15[%add3A_22, %dma_start3A_55] : memref<10112x128xf32, #tpu.memory_space<vmem_shared>> -> memref<80x128xf32, #tpu.memory_space<vmem_shared>>
      %dma_start3A_57 = arith.constant 0 : i32
      %dma_start3A_58 = tpu.memref_slice %arg15[%add3A_22, %dma_start3A_57] : memref<10112x128xf32, #tpu.memory_space<vmem_shared>> -> memref<80x128xf32, #tpu.memory_space<vmem_shared>>
      %dma_start3A_59 = arith.constant 0 : i32
      %dma_start3A_60 = arith.constant 0 : i32
      %dma_start3A_61 = tpu.memref_slice %arg14[%dma_start3A_59, %dma_start3A_60] : memref<80x128xf32, #tpu.memory_space<vmem>> -> memref<80x128xf32, #tpu.memory_space<vmem>>
      tpu.enqueue_dma source(%dma_start3A_61 : memref<80x128xf32, #tpu.memory_space<vmem>>) target(%dma_start3A_58 : memref<80x128xf32, #tpu.memory_space<vmem_shared>>) target_semaphore(%run_scoped3A : memref<!tpu.dma_semaphore, #tpu.memory_space<semaphore_mem>>)
      %dma_wait3A = arith.constant 0 : i32
      %dma_wait3A_62 = arith.constant 0 : i32
      %dma_wait3A_63 = tpu.memref_slice %arg14[%dma_wait3A, %dma_wait3A_62] : memref<80x128xf32, #tpu.memory_space<vmem>> -> memref<80x128xf32, #tpu.memory_space<vmem>>
      %dma_wait3A_64 = arith.constant 0 : i32
      %dma_wait3A_65 = tpu.memref_slice %arg15[%add3A_22, %dma_wait3A_64] : memref<10112x128xf32, #tpu.memory_space<vmem_shared>> -> memref<80x128xf32, #tpu.memory_space<vmem_shared>>
      %dma_wait3A_66 = arith.constant 0 : i32
      %dma_wait3A_67 = tpu.memref_slice %arg15[%add3A_22, %dma_wait3A_66] : memref<10112x128xf32, #tpu.memory_space<vmem_shared>> -> memref<80x128xf32, #tpu.memory_space<vmem_shared>>
      %dma_wait3A_68 = arith.constant 0 : i32
      %dma_wait3A_69 = arith.constant 0 : i32
      %dma_wait3A_70 = tpu.memref_slice %arg14[%dma_wait3A_68, %dma_wait3A_69] : memref<80x128xf32, #tpu.memory_space<vmem>> -> memref<80x128xf32, #tpu.memory_space<vmem>>
      tpu.wait_dma2 semaphore(%run_scoped3A : memref<!tpu.dma_semaphore, #tpu.memory_space<semaphore_mem>>) src(%dma_wait3A_70 : memref<80x128xf32, #tpu.memory_space<vmem>>) dst(%dma_wait3A_67 : memref<80x128xf32, #tpu.memory_space<vmem_shared>>)
      tpu.yield
    }) : () -> ()
    %mul3A_23 = arith.constant 632 : i32
    %mul3A_24 = arith.muli %arg1, %mul3A_23 : i32
    %add3A_25 = arith.constant 320 : i32
    %add3A_26 = arith.addi %mul3A_24, %add3A_25 : i32
    "tpu.region"() ({
      %run_scoped3A = tpu.sem_alloc : memref<!tpu.dma_semaphore, #tpu.memory_space<semaphore_mem>>
      %dma_start3A = arith.constant 0 : i32
      %dma_start3A_53 = arith.constant 0 : i32
      %dma_start3A_54 = tpu.memref_slice %arg14[%dma_start3A, %dma_start3A_53] : memref<80x128xf32, #tpu.memory_space<vmem>> -> memref<80x128xf32, #tpu.memory_space<vmem>>
      %dma_start3A_55 = arith.constant 0 : i32
      %dma_start3A_56 = tpu.memref_slice %arg15[%add3A_26, %dma_start3A_55] : memref<10112x128xf32, #tpu.memory_space<vmem_shared>> -> memref<80x128xf32, #tpu.memory_space<vmem_shared>>
      %dma_start3A_57 = arith.constant 0 : i32
      %dma_start3A_58 = tpu.memref_slice %arg15[%add3A_26, %dma_start3A_57] : memref<10112x128xf32, #tpu.memory_space<vmem_shared>> -> memref<80x128xf32, #tpu.memory_space<vmem_shared>>
      %dma_start3A_59 = arith.constant 0 : i32
      %dma_start3A_60 = arith.constant 0 : i32
      %dma_start3A_61 = tpu.memref_slice %arg14[%dma_start3A_59, %dma_start3A_60] : memref<80x128xf32, #tpu.memory_space<vmem>> -> memref<80x128xf32, #tpu.memory_space<vmem>>
      tpu.enqueue_dma source(%dma_start3A_61 : memref<80x128xf32, #tpu.memory_space<vmem>>) target(%dma_start3A_58 : memref<80x128xf32, #tpu.memory_space<vmem_shared>>) target_semaphore(%run_scoped3A : memref<!tpu.dma_semaphore, #tpu.memory_space<semaphore_mem>>)
      %dma_wait3A = arith.constant 0 : i32
      %dma_wait3A_62 = arith.constant 0 : i32
      %dma_wait3A_63 = tpu.memref_slice %arg14[%dma_wait3A, %dma_wait3A_62] : memref<80x128xf32, #tpu.memory_space<vmem>> -> memref<80x128xf32, #tpu.memory_space<vmem>>
      %dma_wait3A_64 = arith.constant 0 : i32
      %dma_wait3A_65 = tpu.memref_slice %arg15[%add3A_26, %dma_wait3A_64] : memref<10112x128xf32, #tpu.memory_space<vmem_shared>> -> memref<80x128xf32, #tpu.memory_space<vmem_shared>>
      %dma_wait3A_66 = arith.constant 0 : i32
      %dma_wait3A_67 = tpu.memref_slice %arg15[%add3A_26, %dma_wait3A_66] : memref<10112x128xf32, #tpu.memory_space<vmem_shared>> -> memref<80x128xf32, #tpu.memory_space<vmem_shared>>
      %dma_wait3A_68 = arith.constant 0 : i32
      %dma_wait3A_69 = arith.constant 0 : i32
      %dma_wait3A_70 = tpu.memref_slice %arg14[%dma_wait3A_68, %dma_wait3A_69] : memref<80x128xf32, #tpu.memory_space<vmem>> -> memref<80x128xf32, #tpu.memory_space<vmem>>
      tpu.wait_dma2 semaphore(%run_scoped3A : memref<!tpu.dma_semaphore, #tpu.memory_space<semaphore_mem>>) src(%dma_wait3A_70 : memref<80x128xf32, #tpu.memory_space<vmem>>) dst(%dma_wait3A_67 : memref<80x128xf32, #tpu.memory_space<vmem_shared>>)
      tpu.yield
    }) : () -> ()
    %mul3A_27 = arith.constant 632 : i32
    %mul3A_28 = arith.muli %arg1, %mul3A_27 : i32
    %add3A_29 = arith.constant 400 : i32
    %add3A_30 = arith.addi %mul3A_28, %add3A_29 : i32
    "tpu.region"() ({
      %run_scoped3A = tpu.sem_alloc : memref<!tpu.dma_semaphore, #tpu.memory_space<semaphore_mem>>
      %dma_start3A = arith.constant 0 : i32
      %dma_start3A_53 = arith.constant 0 : i32
      %dma_start3A_54 = tpu.memref_slice %arg14[%dma_start3A, %dma_start3A_53] : memref<80x128xf32, #tpu.memory_space<vmem>> -> memref<80x128xf32, #tpu.memory_space<vmem>>
      %dma_start3A_55 = arith.constant 0 : i32
      %dma_start3A_56 = tpu.memref_slice %arg15[%add3A_30, %dma_start3A_55] : memref<10112x128xf32, #tpu.memory_space<vmem_shared>> -> memref<80x128xf32, #tpu.memory_space<vmem_shared>>
      %dma_start3A_57 = arith.constant 0 : i32
      %dma_start3A_58 = tpu.memref_slice %arg15[%add3A_30, %dma_start3A_57] : memref<10112x128xf32, #tpu.memory_space<vmem_shared>> -> memref<80x128xf32, #tpu.memory_space<vmem_shared>>
      %dma_start3A_59 = arith.constant 0 : i32
      %dma_start3A_60 = arith.constant 0 : i32
      %dma_start3A_61 = tpu.memref_slice %arg14[%dma_start3A_59, %dma_start3A_60] : memref<80x128xf32, #tpu.memory_space<vmem>> -> memref<80x128xf32, #tpu.memory_space<vmem>>
      tpu.enqueue_dma source(%dma_start3A_61 : memref<80x128xf32, #tpu.memory_space<vmem>>) target(%dma_start3A_58 : memref<80x128xf32, #tpu.memory_space<vmem_shared>>) target_semaphore(%run_scoped3A : memref<!tpu.dma_semaphore, #tpu.memory_space<semaphore_mem>>)
      %dma_wait3A = arith.constant 0 : i32
      %dma_wait3A_62 = arith.constant 0 : i32
      %dma_wait3A_63 = tpu.memref_slice %arg14[%dma_wait3A, %dma_wait3A_62] : memref<80x128xf32, #tpu.memory_space<vmem>> -> memref<80x128xf32, #tpu.memory_space<vmem>>
      %dma_wait3A_64 = arith.constant 0 : i32
      %dma_wait3A_65 = tpu.memref_slice %arg15[%add3A_30, %dma_wait3A_64] : memref<10112x128xf32, #tpu.memory_space<vmem_shared>> -> memref<80x128xf32, #tpu.memory_space<vmem_shared>>
      %dma_wait3A_66 = arith.constant 0 : i32
      %dma_wait3A_67 = tpu.memref_slice %arg15[%add3A_30, %dma_wait3A_66] : memref<10112x128xf32, #tpu.memory_space<vmem_shared>> -> memref<80x128xf32, #tpu.memory_space<vmem_shared>>
      %dma_wait3A_68 = arith.constant 0 : i32
      %dma_wait3A_69 = arith.constant 0 : i32
      %dma_wait3A_70 = tpu.memref_slice %arg14[%dma_wait3A_68, %dma_wait3A_69] : memref<80x128xf32, #tpu.memory_space<vmem>> -> memref<80x128xf32, #tpu.memory_space<vmem>>
      tpu.wait_dma2 semaphore(%run_scoped3A : memref<!tpu.dma_semaphore, #tpu.memory_space<semaphore_mem>>) src(%dma_wait3A_70 : memref<80x128xf32, #tpu.memory_space<vmem>>) dst(%dma_wait3A_67 : memref<80x128xf32, #tpu.memory_space<vmem_shared>>)
      tpu.yield
    }) : () -> ()
    %mul3A_31 = arith.constant 632 : i32
    %mul3A_32 = arith.muli %arg1, %mul3A_31 : i32
    %add3A_33 = arith.constant 480 : i32
    %add3A_34 = arith.addi %mul3A_32, %add3A_33 : i32
    "tpu.region"() ({
      %run_scoped3A = tpu.sem_alloc : memref<!tpu.dma_semaphore, #tpu.memory_space<semaphore_mem>>
      %dma_start3A = arith.constant 0 : i32
      %dma_start3A_53 = arith.constant 0 : i32
      %dma_start3A_54 = tpu.memref_slice %arg14[%dma_start3A, %dma_start3A_53] : memref<80x128xf32, #tpu.memory_space<vmem>> -> memref<80x128xf32, #tpu.memory_space<vmem>>
      %dma_start3A_55 = arith.constant 0 : i32
      %dma_start3A_56 = tpu.memref_slice %arg15[%add3A_34, %dma_start3A_55] : memref<10112x128xf32, #tpu.memory_space<vmem_shared>> -> memref<80x128xf32, #tpu.memory_space<vmem_shared>>
      %dma_start3A_57 = arith.constant 0 : i32
      %dma_start3A_58 = tpu.memref_slice %arg15[%add3A_34, %dma_start3A_57] : memref<10112x128xf32, #tpu.memory_space<vmem_shared>> -> memref<80x128xf32, #tpu.memory_space<vmem_shared>>
      %dma_start3A_59 = arith.constant 0 : i32
      %dma_start3A_60 = arith.constant 0 : i32
      %dma_start3A_61 = tpu.memref_slice %arg14[%dma_start3A_59, %dma_start3A_60] : memref<80x128xf32, #tpu.memory_space<vmem>> -> memref<80x128xf32, #tpu.memory_space<vmem>>
      tpu.enqueue_dma source(%dma_start3A_61 : memref<80x128xf32, #tpu.memory_space<vmem>>) target(%dma_start3A_58 : memref<80x128xf32, #tpu.memory_space<vmem_shared>>) target_semaphore(%run_scoped3A : memref<!tpu.dma_semaphore, #tpu.memory_space<semaphore_mem>>)
      %dma_wait3A = arith.constant 0 : i32
      %dma_wait3A_62 = arith.constant 0 : i32
      %dma_wait3A_63 = tpu.memref_slice %arg14[%dma_wait3A, %dma_wait3A_62] : memref<80x128xf32, #tpu.memory_space<vmem>> -> memref<80x128xf32, #tpu.memory_space<vmem>>
      %dma_wait3A_64 = arith.constant 0 : i32
      %dma_wait3A_65 = tpu.memref_slice %arg15[%add3A_34, %dma_wait3A_64] : memref<10112x128xf32, #tpu.memory_space<vmem_shared>> -> memref<80x128xf32, #tpu.memory_space<vmem_shared>>
      %dma_wait3A_66 = arith.constant 0 : i32
      %dma_wait3A_67 = tpu.memref_slice %arg15[%add3A_34, %dma_wait3A_66] : memref<10112x128xf32, #tpu.memory_space<vmem_shared>> -> memref<80x128xf32, #tpu.memory_space<vmem_shared>>
      %dma_wait3A_68 = arith.constant 0 : i32
      %dma_wait3A_69 = arith.constant 0 : i32
      %dma_wait3A_70 = tpu.memref_slice %arg14[%dma_wait3A_68, %dma_wait3A_69] : memref<80x128xf32, #tpu.memory_space<vmem>> -> memref<80x128xf32, #tpu.memory_space<vmem>>
      tpu.wait_dma2 semaphore(%run_scoped3A : memref<!tpu.dma_semaphore, #tpu.memory_space<semaphore_mem>>) src(%dma_wait3A_70 : memref<80x128xf32, #tpu.memory_space<vmem>>) dst(%dma_wait3A_67 : memref<80x128xf32, #tpu.memory_space<vmem_shared>>)
      tpu.yield
    }) : () -> ()
    %mul3A_35 = arith.constant 632 : i32
    %mul3A_36 = arith.muli %arg1, %mul3A_35 : i32
    %add3A_37 = arith.constant 560 : i32
    %add3A_38 = arith.addi %mul3A_36, %add3A_37 : i32
    "tpu.region"() ({
      %run_scoped3A = tpu.sem_alloc : memref<!tpu.dma_semaphore, #tpu.memory_space<semaphore_mem>>
      %dma_start3A = arith.constant 0 : i32
      %dma_start3A_53 = arith.constant 0 : i32
      %dma_start3A_54 = tpu.memref_slice %arg14[%dma_start3A, %dma_start3A_53] : memref<80x128xf32, #tpu.memory_space<vmem>> -> memref<72x128xf32, #tpu.memory_space<vmem>>
      %dma_start3A_55 = arith.constant 0 : i32
      %dma_start3A_56 = tpu.memref_slice %arg15[%add3A_38, %dma_start3A_55] : memref<10112x128xf32, #tpu.memory_space<vmem_shared>> -> memref<72x128xf32, #tpu.memory_space<vmem_shared>>
      %dma_start3A_57 = arith.constant 0 : i32
      %dma_start3A_58 = tpu.memref_slice %arg15[%add3A_38, %dma_start3A_57] : memref<10112x128xf32, #tpu.memory_space<vmem_shared>> -> memref<72x128xf32, #tpu.memory_space<vmem_shared>>
      %dma_start3A_59 = arith.constant 0 : i32
      %dma_start3A_60 = arith.constant 0 : i32
      %dma_start3A_61 = tpu.memref_slice %arg14[%dma_start3A_59, %dma_start3A_60] : memref<80x128xf32, #tpu.memory_space<vmem>> -> memref<72x128xf32, #tpu.memory_space<vmem>>
      tpu.enqueue_dma source(%dma_start3A_61 : memref<72x128xf32, #tpu.memory_space<vmem>>) target(%dma_start3A_58 : memref<72x128xf32, #tpu.memory_space<vmem_shared>>) target_semaphore(%run_scoped3A : memref<!tpu.dma_semaphore, #tpu.memory_space<semaphore_mem>>)
      %dma_wait3A = arith.constant 0 : i32
      %dma_wait3A_62 = arith.constant 0 : i32
      %dma_wait3A_63 = tpu.memref_slice %arg14[%dma_wait3A, %dma_wait3A_62] : memref<80x128xf32, #tpu.memory_space<vmem>> -> memref<72x128xf32, #tpu.memory_space<vmem>>
      %dma_wait3A_64 = arith.constant 0 : i32
      %dma_wait3A_65 = tpu.memref_slice %arg15[%add3A_38, %dma_wait3A_64] : memref<10112x128xf32, #tpu.memory_space<vmem_shared>> -> memref<72x128xf32, #tpu.memory_space<vmem_shared>>
      %dma_wait3A_66 = arith.constant 0 : i32
      %dma_wait3A_67 = tpu.memref_slice %arg15[%add3A_38, %dma_wait3A_66] : memref<10112x128xf32, #tpu.memory_space<vmem_shared>> -> memref<72x128xf32, #tpu.memory_space<vmem_shared>>
      %dma_wait3A_68 = arith.constant 0 : i32
      %dma_wait3A_69 = arith.constant 0 : i32
      %dma_wait3A_70 = tpu.memref_slice %arg14[%dma_wait3A_68, %dma_wait3A_69] : memref<80x128xf32, #tpu.memory_space<vmem>> -> memref<72x128xf32, #tpu.memory_space<vmem>>
      tpu.wait_dma2 semaphore(%run_scoped3A : memref<!tpu.dma_semaphore, #tpu.memory_space<semaphore_mem>>) src(%dma_wait3A_70 : memref<72x128xf32, #tpu.memory_space<vmem>>) dst(%dma_wait3A_67 : memref<72x128xf32, #tpu.memory_space<vmem_shared>>)
      tpu.yield
    }) : () -> ()
    %barrier3A = arith.constant 0 : index
    tpu.barrier barrier_id(%barrier3A)
    %iota3A = tpu.iota {dimensions = array<i32: 0>} : vector<16xi32>
    %lt3A = arith.constant 4 : i32
    %lt3A_39 = vector.broadcast %lt3A : i32 to vector<16xi32>
    %lt3A_40 = arith.cmpi slt, %iota3A, %lt3A_39 : vector<16xi32>
    %scan3A_41 = arith.constant 0 : i32
    %scan3A_42 = arith.constant 0 : i32
    %scan3A_43 = arith.constant 125 : i32
    %scan3A_44 = arith.addi %scan3A_42, %scan3A_43 : i32
    %scan3A_45 = arith.constant 1 : i32
    %scan3A_46 = scf.for %scan3A_53 = %scan3A_42 to %scan3A_44 step %scan3A_45 iter_args(%scan3A_54 = %scan3A_41) -> (i32)  : i32 {
      %mul3A_55 = arith.constant 10000 : i32
      %mul3A_56 = arith.muli %add3A, %mul3A_55 : i32
      %mul3A_57 = arith.constant 80 : i32
      %mul3A_58 = arith.muli %scan3A_53, %mul3A_57 : i32
      %add3A_59 = arith.addi %mul3A_56, %mul3A_58 : i32
      "tpu.region"() ({
        %run_scoped3A = tpu.sem_alloc : memref<!tpu.dma_semaphore, #tpu.memory_space<semaphore_mem>>
        %dma_start3A_78 = tpu.memref_slice %arg5[%add3A_59] : memref<320000xi32, #tpu.memory_space<hbm>> -> memref<80xi32, #tpu.memory_space<hbm>>
        %dma_start3A_79 = tpu.memref_slice %arg5[%add3A_59] : memref<320000xi32, #tpu.memory_space<hbm>> -> memref<80xi32, #tpu.memory_space<hbm>>
        tpu.enqueue_dma source(%dma_start3A_79 : memref<80xi32, #tpu.memory_space<hbm>>) target(%arg9 : memref<80xi32, #tpu.memory_space<vmem>>) target_semaphore(%run_scoped3A : memref<!tpu.dma_semaphore, #tpu.memory_space<semaphore_mem>>)
        %dma_wait3A_80 = tpu.memref_slice %arg5[%add3A_59] : memref<320000xi32, #tpu.memory_space<hbm>> -> memref<80xi32, #tpu.memory_space<hbm>>
        %dma_wait3A_81 = tpu.memref_slice %arg5[%add3A_59] : memref<320000xi32, #tpu.memory_space<hbm>> -> memref<80xi32, #tpu.memory_space<hbm>>
        tpu.wait_dma2 semaphore(%run_scoped3A : memref<!tpu.dma_semaphore, #tpu.memory_space<semaphore_mem>>) src(%dma_wait3A_81 : memref<80xi32, #tpu.memory_space<hbm>>) dst(%arg9 : memref<80xi32, #tpu.memory_space<vmem>>)
        tpu.yield
      }) : () -> ()
      "tpu.region"() ({
        %run_scoped3A = tpu.sem_alloc : memref<!tpu.dma_semaphore, #tpu.memory_space<semaphore_mem>>
        %dma_start3A_78 = tpu.memref_slice %arg6[%add3A_59] : memref<320000xi32, #tpu.memory_space<hbm>> -> memref<80xi32, #tpu.memory_space<hbm>>
        %dma_start3A_79 = tpu.memref_slice %arg6[%add3A_59] : memref<320000xi32, #tpu.memory_space<hbm>> -> memref<80xi32, #tpu.memory_space<hbm>>
        tpu.enqueue_dma source(%dma_start3A_79 : memref<80xi32, #tpu.memory_space<hbm>>) target(%arg10 : memref<80xi32, #tpu.memory_space<vmem>>) target_semaphore(%run_scoped3A : memref<!tpu.dma_semaphore, #tpu.memory_space<semaphore_mem>>)
        %dma_wait3A_80 = tpu.memref_slice %arg6[%add3A_59] : memref<320000xi32, #tpu.memory_space<hbm>> -> memref<80xi32, #tpu.memory_space<hbm>>
        %dma_wait3A_81 = tpu.memref_slice %arg6[%add3A_59] : memref<320000xi32, #tpu.memory_space<hbm>> -> memref<80xi32, #tpu.memory_space<hbm>>
        tpu.wait_dma2 semaphore(%run_scoped3A : memref<!tpu.dma_semaphore, #tpu.memory_space<semaphore_mem>>) src(%dma_wait3A_81 : memref<80xi32, #tpu.memory_space<hbm>>) dst(%arg10 : memref<80xi32, #tpu.memory_space<vmem>>)
        tpu.yield
      }) : () -> ()
      %dma_start3A = arith.constant 0 : i32
      %dma_start3A_60 = arith.constant 0 : i32
      %dma_start3A_61 = tpu.memref_slice %arg2[%dma_start3A, %dma_start3A_60] : memref<10000x128xf32, #tpu.memory_space<hbm>> -> memref<10000x128xf32, #tpu.memory_space<hbm>>
      tpu.enqueue_indirect_dma source(%dma_start3A_61 : memref<10000x128xf32, #tpu.memory_space<hbm>>) target(%arg11 : memref<80x128xf32, #tpu.memory_space<vmem>>) offsets(%arg9 : memref<80xi32, #tpu.memory_space<vmem>>) semaphore(%arg16 : memref<!tpu.dma_semaphore, #tpu.memory_space<semaphore_mem>>)
      %dma_start3A_62 = arith.constant 0 : i32
      %dma_start3A_63 = arith.constant 0 : i32
      %dma_start3A_64 = tpu.memref_slice %arg3[%dma_start3A_62, %dma_start3A_63] : memref<10000x128xf32, #tpu.memory_space<hbm>> -> memref<10000x128xf32, #tpu.memory_space<hbm>>
      tpu.enqueue_indirect_dma source(%dma_start3A_64 : memref<10000x128xf32, #tpu.memory_space<hbm>>) target(%arg12 : memref<80x128xf32, #tpu.memory_space<vmem>>) offsets(%arg10 : memref<80xi32, #tpu.memory_space<vmem>>) semaphore(%arg17 : memref<!tpu.dma_semaphore, #tpu.memory_space<semaphore_mem>>)
      "tpu.region"() ({
        %run_scoped3A = tpu.sem_alloc : memref<!tpu.dma_semaphore, #tpu.memory_space<semaphore_mem>>
        %dma_start3A_78 = arith.constant 0 : i32
        %dma_start3A_79 = tpu.memref_slice %arg4[%add3A_59, %dma_start3A_78] : memref<320000x16xf32, #tpu.memory_space<hbm>> -> memref<80x16xf32, #tpu.memory_space<hbm>>
        %dma_start3A_80 = arith.constant 0 : i32
        %dma_start3A_81 = tpu.memref_slice %arg4[%add3A_59, %dma_start3A_80] : memref<320000x16xf32, #tpu.memory_space<hbm>> -> memref<80x16xf32, #tpu.memory_space<hbm>>
        tpu.enqueue_dma source(%dma_start3A_81 : memref<80x16xf32, #tpu.memory_space<hbm>>) target(%arg13 : memref<80x16xf32, #tpu.memory_space<vmem>>) target_semaphore(%run_scoped3A : memref<!tpu.dma_semaphore, #tpu.memory_space<semaphore_mem>>)
        %dma_wait3A_82 = arith.constant 0 : i32
        %dma_wait3A_83 = tpu.memref_slice %arg4[%add3A_59, %dma_wait3A_82] : memref<320000x16xf32, #tpu.memory_space<hbm>> -> memref<80x16xf32, #tpu.memory_space<hbm>>
        %dma_wait3A_84 = arith.constant 0 : i32
        %dma_wait3A_85 = tpu.memref_slice %arg4[%add3A_59, %dma_wait3A_84] : memref<320000x16xf32, #tpu.memory_space<hbm>> -> memref<80x16xf32, #tpu.memory_space<hbm>>
        tpu.wait_dma2 semaphore(%run_scoped3A : memref<!tpu.dma_semaphore, #tpu.memory_space<semaphore_mem>>) src(%dma_wait3A_85 : memref<80x16xf32, #tpu.memory_space<hbm>>) dst(%arg13 : memref<80x16xf32, #tpu.memory_space<vmem>>)
        tpu.yield
      }) : () -> ()
      %dma_wait3A = arith.constant 0 : i32
      %dma_wait3A_65 = arith.constant 0 : i32
      %dma_wait3A_66 = tpu.memref_slice %arg2[%dma_wait3A, %dma_wait3A_65] : memref<10000x128xf32, #tpu.memory_space<hbm>> -> memref<10000x128xf32, #tpu.memory_space<hbm>>
      tpu.wait_indirect_dma semaphore(%arg16 : memref<!tpu.dma_semaphore, #tpu.memory_space<semaphore_mem>>) src(%dma_wait3A_66 : memref<10000x128xf32, #tpu.memory_space<hbm>>) dst(%arg11 : memref<80x128xf32, #tpu.memory_space<vmem>>)
      %dma_wait3A_67 = arith.constant 0 : i32
      %dma_wait3A_68 = arith.constant 0 : i32
      %dma_wait3A_69 = tpu.memref_slice %arg3[%dma_wait3A_67, %dma_wait3A_68] : memref<10000x128xf32, #tpu.memory_space<hbm>> -> memref<10000x128xf32, #tpu.memory_space<hbm>>
      tpu.wait_indirect_dma semaphore(%arg17 : memref<!tpu.dma_semaphore, #tpu.memory_space<semaphore_mem>>) src(%dma_wait3A_69 : memref<10000x128xf32, #tpu.memory_space<hbm>>) dst(%arg12 : memref<80x128xf32, #tpu.memory_space<vmem>>)
      %scan3A_70 = arith.constant 0 : i32
      %scan3A_71 = arith.constant 0 : i32
      %scan3A_72 = arith.constant 80 : i32
      %scan3A_73 = arith.addi %scan3A_71, %scan3A_72 : i32
      %scan3A_74 = arith.constant 1 : i32
      %scan3A_75 = scf.for %scan3A_78 = %scan3A_71 to %scan3A_73 step %scan3A_74 iter_args(%scan3A_79 = %scan3A_70) -> (i32)  : i32 {
        %get3A = arith.index_cast %scan3A_78 : i32 to index
        %get3A_80 = arith.constant 0 : index
        %get3A_81 = tpu.vector_load %arg13[%get3A, %get3A_80] {strides = array<i32>} : memref<80x16xf32, #tpu.memory_space<vmem>>, vector<1x16xf32>,
        %get3A_82 = vector.shape_cast %get3A_81 : vector<1x16xf32> to vector<16xf32>
        %get3A_83 = arith.index_cast %scan3A_78 : i32 to index
        %get3A_84 = arith.constant 0 : index
        %get3A_85 = tpu.vector_load %arg11[%get3A_83, %get3A_84] {strides = array<i32>} : memref<80x128xf32, #tpu.memory_space<vmem>>, vector<1x16xf32>,
        %get3A_86 = vector.shape_cast %get3A_85 : vector<1x16xf32> to vector<16xf32>
        %get3A_87 = arith.index_cast %scan3A_78 : i32 to index
        %get3A_88 = arith.constant 0 : index
        %get3A_89 = tpu.vector_load %arg12[%get3A_87, %get3A_88] {strides = array<i32>} : memref<80x128xf32, #tpu.memory_space<vmem>>, vector<1x16xf32>,
        %get3A_90 = vector.shape_cast %get3A_89 : vector<1x16xf32> to vector<16xf32>
        %mul3A_91 = arith.mulf %get3A_86, %get3A_90 : vector<16xf32>
        %get3A_92 = arith.index_cast %scan3A_78 : i32 to index
        %get3A_93 = arith.constant 16 : index
        %get3A_94 = tpu.vector_load %arg11[%get3A_92, %get3A_93] {strides = array<i32>} : memref<80x128xf32, #tpu.memory_space<vmem>>, vector<1x16xf32>,
        %get3A_95 = vector.shape_cast %get3A_94 : vector<1x16xf32> to vector<16xf32>
        %get3A_96 = arith.index_cast %scan3A_78 : i32 to index
        %get3A_97 = arith.constant 16 : index
        %get3A_98 = tpu.vector_load %arg12[%get3A_96, %get3A_97] {strides = array<i32>} : memref<80x128xf32, #tpu.memory_space<vmem>>, vector<1x16xf32>,
        %get3A_99 = vector.shape_cast %get3A_98 : vector<1x16xf32> to vector<16xf32>
        %mul3A_100 = arith.mulf %get3A_95, %get3A_99 : vector<16xf32>
        %add3A_101 = arith.addf %mul3A_91, %mul3A_100 : vector<16xf32>
        %get3A_102 = arith.index_cast %scan3A_78 : i32 to index
        %get3A_103 = arith.constant 32 : index
        %get3A_104 = tpu.vector_load %arg11[%get3A_102, %get3A_103] {strides = array<i32>} : memref<80x128xf32, #tpu.memory_space<vmem>>, vector<1x16xf32>,
        %get3A_105 = vector.shape_cast %get3A_104 : vector<1x16xf32> to vector<16xf32>
        %get3A_106 = arith.index_cast %scan3A_78 : i32 to index
        %get3A_107 = arith.constant 32 : index
        %get3A_108 = tpu.vector_load %arg12[%get3A_106, %get3A_107] {strides = array<i32>} : memref<80x128xf32, #tpu.memory_space<vmem>>, vector<1x16xf32>,
        %get3A_109 = vector.shape_cast %get3A_108 : vector<1x16xf32> to vector<16xf32>
        %mul3A_110 = arith.mulf %get3A_105, %get3A_109 : vector<16xf32>
        %add3A_111 = arith.addf %add3A_101, %mul3A_110 : vector<16xf32>
        %get3A_112 = arith.index_cast %scan3A_78 : i32 to index
        %get3A_113 = arith.constant 48 : index
        %get3A_114 = tpu.vector_load %arg11[%get3A_112, %get3A_113] {strides = array<i32>} : memref<80x128xf32, #tpu.memory_space<vmem>>, vector<1x16xf32>,
        %get3A_115 = vector.shape_cast %get3A_114 : vector<1x16xf32> to vector<16xf32>
        %get3A_116 = arith.index_cast %scan3A_78 : i32 to index
        %get3A_117 = arith.constant 48 : index
        %get3A_118 = tpu.vector_load %arg12[%get3A_116, %get3A_117] {strides = array<i32>} : memref<80x128xf32, #tpu.memory_space<vmem>>, vector<1x16xf32>,
        %get3A_119 = vector.shape_cast %get3A_118 : vector<1x16xf32> to vector<16xf32>
        %mul3A_120 = arith.mulf %get3A_115, %get3A_119 : vector<16xf32>
        %add3A_121 = arith.addf %add3A_111, %mul3A_120 : vector<16xf32>
        %get3A_122 = arith.index_cast %scan3A_78 : i32 to index
        %get3A_123 = arith.constant 64 : index
        %get3A_124 = tpu.vector_load %arg11[%get3A_122, %get3A_123] {strides = array<i32>} : memref<80x128xf32, #tpu.memory_space<vmem>>, vector<1x16xf32>,
        %get3A_125 = vector.shape_cast %get3A_124 : vector<1x16xf32> to vector<16xf32>
        %get3A_126 = arith.index_cast %scan3A_78 : i32 to index
        %get3A_127 = arith.constant 64 : index
        %get3A_128 = tpu.vector_load %arg12[%get3A_126, %get3A_127] {strides = array<i32>} : memref<80x128xf32, #tpu.memory_space<vmem>>, vector<1x16xf32>,
        %get3A_129 = vector.shape_cast %get3A_128 : vector<1x16xf32> to vector<16xf32>
        %mul3A_130 = arith.mulf %get3A_125, %get3A_129 : vector<16xf32>
        %add3A_131 = arith.addf %add3A_121, %mul3A_130 : vector<16xf32>
        %get3A_132 = arith.index_cast %scan3A_78 : i32 to index
        %get3A_133 = arith.constant 80 : index
        %get3A_134 = tpu.vector_load %arg11[%get3A_132, %get3A_133] {strides = array<i32>} : memref<80x128xf32, #tpu.memory_space<vmem>>, vector<1x16xf32>,
        %get3A_135 = vector.shape_cast %get3A_134 : vector<1x16xf32> to vector<16xf32>
        %get3A_136 = arith.index_cast %scan3A_78 : i32 to index
        %get3A_137 = arith.constant 80 : index
        %get3A_138 = tpu.vector_load %arg12[%get3A_136, %get3A_137] {strides = array<i32>} : memref<80x128xf32, #tpu.memory_space<vmem>>, vector<1x16xf32>,
        %get3A_139 = vector.shape_cast %get3A_138 : vector<1x16xf32> to vector<16xf32>
        %mul3A_140 = arith.mulf %get3A_135, %get3A_139 : vector<16xf32>
        %add3A_141 = arith.addf %add3A_131, %mul3A_140 : vector<16xf32>
        %get3A_142 = arith.index_cast %scan3A_78 : i32 to index
        %get3A_143 = arith.constant 96 : index
        %get3A_144 = tpu.vector_load %arg11[%get3A_142, %get3A_143] {strides = array<i32>} : memref<80x128xf32, #tpu.memory_space<vmem>>, vector<1x16xf32>,
        %get3A_145 = vector.shape_cast %get3A_144 : vector<1x16xf32> to vector<16xf32>
        %get3A_146 = arith.index_cast %scan3A_78 : i32 to index
        %get3A_147 = arith.constant 96 : index
        %get3A_148 = tpu.vector_load %arg12[%get3A_146, %get3A_147] {strides = array<i32>} : memref<80x128xf32, #tpu.memory_space<vmem>>, vector<1x16xf32>,
        %get3A_149 = vector.shape_cast %get3A_148 : vector<1x16xf32> to vector<16xf32>
        %mul3A_150 = arith.mulf %get3A_145, %get3A_149 : vector<16xf32>
        %add3A_151 = arith.addf %add3A_141, %mul3A_150 : vector<16xf32>
        %get3A_152 = arith.index_cast %scan3A_78 : i32 to index
        %get3A_153 = arith.constant 112 : index
        %get3A_154 = tpu.vector_load %arg11[%get3A_152, %get3A_153] {strides = array<i32>} : memref<80x128xf32, #tpu.memory_space<vmem>>, vector<1x16xf32>,
        %get3A_155 = vector.shape_cast %get3A_154 : vector<1x16xf32> to vector<16xf32>
        %get3A_156 = arith.index_cast %scan3A_78 : i32 to index
        %get3A_157 = arith.constant 112 : index
        %get3A_158 = tpu.vector_load %arg12[%get3A_156, %get3A_157] {strides = array<i32>} : memref<80x128xf32, #tpu.memory_space<vmem>>, vector<1x16xf32>,
        %get3A_159 = vector.shape_cast %get3A_158 : vector<1x16xf32> to vector<16xf32>
        %mul3A_160 = arith.mulf %get3A_155, %get3A_159 : vector<16xf32>
        %add3A_161 = arith.addf %add3A_151, %mul3A_160 : vector<16xf32>
        %rev3A = arith.constant 15 : i32
        %rev3A_162 = vector.broadcast %rev3A : i32 to vector<16xi32>
        %rev3A_163 = tpu.iota {dimensions = array<i32: 0>} : vector<16xi32>
        %rev3A_164 = arith.subi %rev3A_162, %rev3A_163 : vector<16xi32>
        %rev3A_165 = tpu.dynamic_gather %add3A_161[%rev3A_164] in [0] : vector<16xf32>, vector<16xi32> -> vector<16xf32>
        %add3A_166 = arith.addf %add3A_161, %rev3A_165 : vector<16xf32>
        %slice3A = vector.extract_strided_slice %add3A_166 {offsets = [0], sizes = [1], strides = [1]} : vector<16xf32> to vector<1xf32>
        %squeeze3A = vector.extract %slice3A[0] : f32 from vector<1xf32>
        %slice3A_167 = vector.extract_strided_slice %add3A_166 {offsets = [8], sizes = [1], strides = [1]} : vector<16xf32> to vector<1xf32>
        %squeeze3A_168 = vector.extract %slice3A_167[0] : f32 from vector<1xf32>
        %add3A_169 = arith.addf %squeeze3A, %squeeze3A_168 : f32
        %eq3A = arith.constant 0 : i32
        %eq3A_170 = vector.broadcast %eq3A : i32 to vector<16xi32>
        %eq3A_171 = arith.cmpi eq, %iota3A, %eq3A_170 : vector<16xi32>
        %mul3A_172 = arith.constant 0.176776692 : f32
        %mul3A_173 = arith.mulf %add3A_169, %mul3A_172 : f32
        %jit3A = arith.constant 0.000000e+00 : f32
        %broadcast_in_dim3A = vector.broadcast %mul3A_173 : f32 to vector<16xf32>
        %broadcast_in_dim3A_174 = vector.broadcast %jit3A : f32 to vector<16xf32>
        %select_n3A = arith.select %eq3A_171, %broadcast_in_dim3A, %broadcast_in_dim3A_174 : vector<16xi1>, vector<16xf32>
        %add3A_175 = arith.addf %get3A_82, %select_n3A : vector<16xf32>
        %slice3A_176 = vector.extract_strided_slice %add3A_166 {offsets = [1], sizes = [1], strides = [1]} : vector<16xf32> to vector<1xf32>
        %squeeze3A_177 = vector.extract %slice3A_176[0] : f32 from vector<1xf32>
        %slice3A_178 = vector.extract_strided_slice %add3A_166 {offsets = [9], sizes = [1], strides = [1]} : vector<16xf32> to vector<1xf32>
        %squeeze3A_179 = vector.extract %slice3A_178[0] : f32 from vector<1xf32>
        %add3A_180 = arith.addf %squeeze3A_177, %squeeze3A_179 : f32
        %eq3A_181 = arith.constant 1 : i32
        %eq3A_182 = vector.broadcast %eq3A_181 : i32 to vector<16xi32>
        %eq3A_183 = arith.cmpi eq, %iota3A, %eq3A_182 : vector<16xi32>
        %mul3A_184 = arith.constant 0.176776692 : f32
        %mul3A_185 = arith.mulf %add3A_180, %mul3A_184 : f32
        %jit3A_186 = arith.constant 0.000000e+00 : f32
        %broadcast_in_dim3A_187 = vector.broadcast %mul3A_185 : f32 to vector<16xf32>
        %broadcast_in_dim3A_188 = vector.broadcast %jit3A_186 : f32 to vector<16xf32>
        %select_n3A_189 = arith.select %eq3A_183, %broadcast_in_dim3A_187, %broadcast_in_dim3A_188 : vector<16xi1>, vector<16xf32>
        %add3A_190 = arith.addf %add3A_175, %select_n3A_189 : vector<16xf32>
        %slice3A_191 = vector.extract_strided_slice %add3A_166 {offsets = [2], sizes = [1], strides = [1]} : vector<16xf32> to vector<1xf32>
        %squeeze3A_192 = vector.extract %slice3A_191[0] : f32 from vector<1xf32>
        %slice3A_193 = vector.extract_strided_slice %add3A_166 {offsets = [10], sizes = [1], strides = [1]} : vector<16xf32> to vector<1xf32>
        %squeeze3A_194 = vector.extract %slice3A_193[0] : f32 from vector<1xf32>
        %add3A_195 = arith.addf %squeeze3A_192, %squeeze3A_194 : f32
        %eq3A_196 = arith.constant 2 : i32
        %eq3A_197 = vector.broadcast %eq3A_196 : i32 to vector<16xi32>
        %eq3A_198 = arith.cmpi eq, %iota3A, %eq3A_197 : vector<16xi32>
        %mul3A_199 = arith.constant 0.176776692 : f32
        %mul3A_200 = arith.mulf %add3A_195, %mul3A_199 : f32
        %jit3A_201 = arith.constant 0.000000e+00 : f32
        %broadcast_in_dim3A_202 = vector.broadcast %mul3A_200 : f32 to vector<16xf32>
        %broadcast_in_dim3A_203 = vector.broadcast %jit3A_201 : f32 to vector<16xf32>
        %select_n3A_204 = arith.select %eq3A_198, %broadcast_in_dim3A_202, %broadcast_in_dim3A_203 : vector<16xi1>, vector<16xf32>
        %add3A_205 = arith.addf %add3A_190, %select_n3A_204 : vector<16xf32>
        %slice3A_206 = vector.extract_strided_slice %add3A_166 {offsets = [3], sizes = [1], strides = [1]} : vector<16xf32> to vector<1xf32>
        %squeeze3A_207 = vector.extract %slice3A_206[0] : f32 from vector<1xf32>
        %slice3A_208 = vector.extract_strided_slice %add3A_166 {offsets = [11], sizes = [1], strides = [1]} : vector<16xf32> to vector<1xf32>
        %squeeze3A_209 = vector.extract %slice3A_208[0] : f32 from vector<1xf32>
        %add3A_210 = arith.addf %squeeze3A_207, %squeeze3A_209 : f32
        %eq3A_211 = arith.constant 3 : i32
        %eq3A_212 = vector.broadcast %eq3A_211 : i32 to vector<16xi32>
        %eq3A_213 = arith.cmpi eq, %iota3A, %eq3A_212 : vector<16xi32>
        %mul3A_214 = arith.constant 0.176776692 : f32
        %mul3A_215 = arith.mulf %add3A_210, %mul3A_214 : f32
        %jit3A_216 = arith.constant 0.000000e+00 : f32
        %broadcast_in_dim3A_217 = vector.broadcast %mul3A_215 : f32 to vector<16xf32>
        %broadcast_in_dim3A_218 = vector.broadcast %jit3A_216 : f32 to vector<16xf32>
        %select_n3A_219 = arith.select %eq3A_213, %broadcast_in_dim3A_217, %broadcast_in_dim3A_218 : vector<16xi1>, vector<16xf32>
        %add3A_220 = arith.addf %add3A_205, %select_n3A_219 : vector<16xf32>
        %exp3A = math.exp %add3A_220 : vector<16xf32>
        %jit3A_221 = arith.constant 0.000000e+00 : f32
        %broadcast_in_dim3A_222 = vector.broadcast %jit3A_221 : f32 to vector<16xf32>
        %select_n3A_223 = arith.select %lt3A_40, %exp3A, %broadcast_in_dim3A_222 : vector<16xi1>, vector<16xf32>
        %swap3A = arith.index_cast %scan3A_78 : i32 to index
        %swap3A_224 = arith.constant 0 : index
        %swap3A_225 = tpu.vector_load %arg13[%swap3A, %swap3A_224] {strides = array<i32>} : memref<80x16xf32, #tpu.memory_space<vmem>>, vector<1x16xf32>,
        %swap3A_226 = vector.shape_cast %swap3A_225 : vector<1x16xf32> to vector<16xf32>
        %swap3A_227 = vector.shape_cast %select_n3A_223 : vector<16xf32> to vector<1x16xf32>
        tpu.vector_store %arg13[%swap3A, %swap3A_224], %swap3A_227 {strides = array<i32>} : memref<80x16xf32, #tpu.memory_space<vmem>>, vector<1x16xf32>,
        %swap3A_228 = arith.index_cast %scan3A_78 : i32 to index
        %swap3A_229 = arith.constant 0 : index
        %swap3A_230 = tpu.vector_load %arg14[%swap3A_228, %swap3A_229] {strides = array<i32>} : memref<80x128xf32, #tpu.memory_space<vmem>>, vector<1x16xf32>,
        %swap3A_231 = vector.shape_cast %swap3A_230 : vector<1x16xf32> to vector<16xf32>
        %swap3A_232 = vector.shape_cast %select_n3A_223 : vector<16xf32> to vector<1x16xf32>
        tpu.vector_store %arg14[%swap3A_228, %swap3A_229], %swap3A_232 {strides = array<i32>} : memref<80x128xf32, #tpu.memory_space<vmem>>, vector<1x16xf32>,
        %scan3A_233 = arith.constant 0 : i32
        scf.yield %scan3A_233 : i32
      }
      %scan3A_76 = arith.constant 80 : i32
      "tpu.region"() ({
        %run_scoped3A = tpu.sem_alloc : memref<!tpu.dma_semaphore, #tpu.memory_space<semaphore_mem>>
        %dma_start3A_78 = arith.constant 0 : i32
        %dma_start3A_79 = tpu.memref_slice %arg7[%add3A_59, %dma_start3A_78] : memref<320000x16xf32, #tpu.memory_space<hbm>> -> memref<80x16xf32, #tpu.memory_space<hbm>>
        %dma_start3A_80 = arith.constant 0 : i32
        %dma_start3A_81 = tpu.memref_slice %arg7[%add3A_59, %dma_start3A_80] : memref<320000x16xf32, #tpu.memory_space<hbm>> -> memref<80x16xf32, #tpu.memory_space<hbm>>
        tpu.enqueue_dma source(%arg13 : memref<80x16xf32, #tpu.memory_space<vmem>>) target(%dma_start3A_81 : memref<80x16xf32, #tpu.memory_space<hbm>>) target_semaphore(%run_scoped3A : memref<!tpu.dma_semaphore, #tpu.memory_space<semaphore_mem>>)
        %dma_wait3A_82 = arith.constant 0 : i32
        %dma_wait3A_83 = tpu.memref_slice %arg7[%add3A_59, %dma_wait3A_82] : memref<320000x16xf32, #tpu.memory_space<hbm>> -> memref<80x16xf32, #tpu.memory_space<hbm>>
        %dma_wait3A_84 = arith.constant 0 : i32
        %dma_wait3A_85 = tpu.memref_slice %arg7[%add3A_59, %dma_wait3A_84] : memref<320000x16xf32, #tpu.memory_space<hbm>> -> memref<80x16xf32, #tpu.memory_space<hbm>>
        tpu.wait_dma2 semaphore(%run_scoped3A : memref<!tpu.dma_semaphore, #tpu.memory_space<semaphore_mem>>) src(%arg13 : memref<80x16xf32, #tpu.memory_space<vmem>>) dst(%dma_wait3A_85 : memref<80x16xf32, #tpu.memory_space<hbm>>)
        tpu.yield
      }) : () -> ()
      "tpu.region"() ({
        %run_scoped3A = tpu.sem_alloc : memref<!tpu.dma_semaphore, #tpu.memory_space<semaphore_mem>>
        %dma_start3A_78 = arith.constant 0 : i32
        %dma_start3A_79 = arith.constant 0 : i32
        %dma_start3A_80 = tpu.memref_slice %arg15[%dma_start3A_78, %dma_start3A_79] : memref<10112x128xf32, #tpu.memory_space<vmem_shared>> -> memref<10112x128xf32, #tpu.memory_space<vmem_shared>>
        tpu.enqueue_indirect_dma source(%arg14 : memref<80x128xf32, #tpu.memory_space<vmem>>) target(%dma_start3A_80 : memref<10112x128xf32, #tpu.memory_space<vmem_shared>>) offsets(%arg9 : memref<80xi32, #tpu.memory_space<vmem>>) semaphore(%run_scoped3A : memref<!tpu.dma_semaphore, #tpu.memory_space<semaphore_mem>>) {add = true}
        %dma_wait3A_81 = arith.constant 0 : i32
        %dma_wait3A_82 = arith.constant 0 : i32
        %dma_wait3A_83 = tpu.memref_slice %arg15[%dma_wait3A_81, %dma_wait3A_82] : memref<10112x128xf32, #tpu.memory_space<vmem_shared>> -> memref<10112x128xf32, #tpu.memory_space<vmem_shared>>
        tpu.wait_indirect_dma semaphore(%run_scoped3A : memref<!tpu.dma_semaphore, #tpu.memory_space<semaphore_mem>>) src(%arg14 : memref<80x128xf32, #tpu.memory_space<vmem>>) dst(%dma_wait3A_83 : memref<10112x128xf32, #tpu.memory_space<vmem_shared>>)
        tpu.yield
      }) : () -> ()
      %scan3A_77 = arith.constant 0 : i32
      scf.yield %scan3A_77 : i32
    }
    %scan3A_47 = arith.constant 125 : i32
    %barrier3A_48 = arith.constant 0 : index
    tpu.barrier barrier_id(%barrier3A_48)
    %mul3A_49 = arith.constant 632 : i32
    %mul3A_50 = arith.muli %arg1, %mul3A_49 : i32
    %mul3A_51 = arith.constant 632 : i32
    %mul3A_52 = arith.muli %arg1, %mul3A_51 : i32
    "tpu.region"() ({
      %run_scoped3A = tpu.sem_alloc : memref<!tpu.dma_semaphore, #tpu.memory_space<semaphore_mem>>
      %dma_start3A = arith.constant 0 : i32
      %dma_start3A_53 = tpu.memref_slice %arg8[%arg0, %mul3A_52, %dma_start3A] : memref<2x10112x128xf32, #tpu.memory_space<hbm>> -> memref<1x632x128xf32, #tpu.memory_space<hbm>>
      %dma_start3A_54 = tpu.memref_squeeze %dma_start3A_53 : memref<1x632x128xf32, #tpu.memory_space<hbm>> -> memref<632x128xf32, #tpu.memory_space<hbm>>
      %dma_start3A_55 = arith.constant 0 : i32
      %dma_start3A_56 = tpu.memref_slice %arg15[%mul3A_50, %dma_start3A_55] : memref<10112x128xf32, #tpu.memory_space<vmem_shared>> -> memref<632x128xf32, #tpu.memory_space<vmem_shared>>
      tpu.enqueue_dma source(%dma_start3A_56 : memref<632x128xf32, #tpu.memory_space<vmem_shared>>) target(%dma_start3A_54 : memref<632x128xf32, #tpu.memory_space<hbm>>) target_semaphore(%run_scoped3A : memref<!tpu.dma_semaphore, #tpu.memory_space<semaphore_mem>>)
      %dma_wait3A = arith.constant 0 : i32
      %dma_wait3A_57 = tpu.memref_slice %arg8[%arg0, %mul3A_52, %dma_wait3A] : memref<2x10112x128xf32, #tpu.memory_space<hbm>> -> memref<1x632x128xf32, #tpu.memory_space<hbm>>
      %dma_wait3A_58 = tpu.memref_squeeze %dma_wait3A_57 : memref<1x632x128xf32, #tpu.memory_space<hbm>> -> memref<632x128xf32, #tpu.memory_space<hbm>>
      %dma_wait3A_59 = arith.constant 0 : i32
      %dma_wait3A_60 = tpu.memref_slice %arg15[%mul3A_50, %dma_wait3A_59] : memref<10112x128xf32, #tpu.memory_space<vmem_shared>> -> memref<632x128xf32, #tpu.memory_space<vmem_shared>>
      tpu.wait_dma2 semaphore(%run_scoped3A : memref<!tpu.dma_semaphore, #tpu.memory_space<semaphore_mem>>) src(%dma_wait3A_60 : memref<632x128xf32, #tpu.memory_space<vmem_shared>>) dst(%dma_wait3A_58 : memref<632x128xf32, #tpu.memory_space<hbm>>)
      tpu.yield
    }) : () -> ()
    return
  }
}

#map = affine_map<(d0, d1) -> (0, 0)>
#map1 = affine_map<(d0, d1) -> (0)>
#map2 = affine_map<(d0, d1) -> (0, 0, 0)>
module attributes {stable_mosaic.version = 14 : i64} {
  func.func @agg_kernel(%arg0: i32, %arg1: i32, %arg2: memref<10000x256xf32, #tpu.memory_space<hbm>>, %arg3: memref<320000x16xf32, #tpu.memory_space<hbm>>, %arg4: memref<320000xi32, #tpu.memory_space<hbm>>, %arg5: memref<320000xi32, #tpu.memory_space<hbm>>, %arg6: memref<320000x16xf32, #tpu.memory_space<hbm>>, %arg7: memref<2x10112x128xf32, #tpu.memory_space<hbm>>, %arg8: memref<80xi32, #tpu.memory_space<vmem>>, %arg9: memref<80xi32, #tpu.memory_space<vmem>>, %arg10: memref<80x256xf32, #tpu.memory_space<vmem>>, %arg11: memref<80x128xf32, #tpu.memory_space<vmem>>, %arg12: memref<80x16xf32, #tpu.memory_space<vmem>>, %arg13: memref<10112x128xf32, #tpu.memory_space<vmem_shared>>, %arg14: memref<!tpu.dma_semaphore, #tpu.memory_space<semaphore_mem>>) attributes {dimension_semantics = [#tpu.dimension_semantics<core_parallel>, #tpu.dimension_semantics<subcore_parallel>], iteration_bounds = array<i64: 2, 16>, scalar_prefetch = 0 : i64, scratch_operands = 7 : i64, tpu.core_type = #tpu.core_type<sc_vector_subcore>, window_params = [{transform_indices = #map}, {transform_indices = #map}, {transform_indices = #map1}, {transform_indices = #map1}, {transform_indices = #map}, {transform_indices = #map2}]} {
    %mul3A = arith.constant 2 : i32
    %mul3A_0 = arith.muli %arg1, %mul3A : i32
    %add3A = arith.addi %mul3A_0, %arg0 : i32
    %scan3A = arith.constant 0 : i32
    %scan3A_1 = arith.constant 0 : i32
    %scan3A_2 = arith.constant 640 : i32
    %scan3A_3 = arith.addi %scan3A_1, %scan3A_2 : i32
    %scan3A_4 = arith.constant 1 : i32
    %scan3A_5 = scf.for %scan3A_53 = %scan3A_1 to %scan3A_3 step %scan3A_4 iter_args(%scan3A_54 = %scan3A) -> (i32)  : i32 {
      %jit3A = arith.constant 8 : i32
      %div3A = arith.divsi %scan3A_53, %jit3A : i32
      %sign3A = arith.constant 0 : i32
      %sign3A_55 = arith.cmpi sgt, %scan3A_53, %sign3A : i32
      %sign3A_56 = arith.extui %sign3A_55 : i1 to i32
      %sign3A_57 = arith.constant 0 : i32
      %sign3A_58 = arith.cmpi slt, %scan3A_53, %sign3A_57 : i32
      %sign3A_59 = arith.extui %sign3A_58 : i1 to i32
      %sign3A_60 = arith.subi %sign3A_56, %sign3A_59 : i32
      %sign3A_61 = arith.constant 0 : i32
      %sign3A_62 = arith.cmpi sgt, %jit3A, %sign3A_61 : i32
      %sign3A_63 = arith.extui %sign3A_62 : i1 to i32
      %sign3A_64 = arith.constant 0 : i32
      %sign3A_65 = arith.cmpi slt, %jit3A, %sign3A_64 : i32
      %sign3A_66 = arith.extui %sign3A_65 : i1 to i32
      %sign3A_67 = arith.subi %sign3A_63, %sign3A_66 : i32
      %ne3A = arith.cmpi ne, %sign3A_60, %sign3A_67 : i32
      %rem3A = arith.remsi %scan3A_53, %jit3A : i32
      %ne3A_68 = arith.constant 0 : i32
      %ne3A_69 = arith.cmpi ne, %rem3A, %ne3A_68 : i32
      %and3A = arith.andi %ne3A, %ne3A_69 : i1
      %sub3A = arith.constant 1 : i32
      %sub3A_70 = arith.subi %div3A, %sub3A : i32
      %select_n3A = arith.select %and3A, %sub3A_70, %div3A : i32
      %jit3A_71 = arith.constant 8 : i32
      %eq3A = arith.constant 0 : i32
      %eq3A_72 = arith.cmpi eq, %jit3A_71, %eq3A : i32
      %jit3A_73 = arith.constant 1 : i32
      %select_n3A_74 = arith.select %eq3A_72, %jit3A_73, %jit3A_71 : i32
      %rem3A_75 = arith.remsi %scan3A_53, %select_n3A_74 : i32
      %ne3A_76 = arith.constant 0 : i32
      %ne3A_77 = arith.cmpi ne, %rem3A_75, %ne3A_76 : i32
      %lt3A_78 = arith.constant 0 : i32
      %lt3A_79 = arith.cmpi slt, %rem3A_75, %lt3A_78 : i32
      %lt3A_80 = arith.constant 0 : i32
      %lt3A_81 = arith.cmpi slt, %select_n3A_74, %lt3A_80 : i32
      %ne3A_82 = arith.xori %lt3A_79, %lt3A_81 : i1
      %and3A_83 = arith.andi %ne3A_82, %ne3A_77 : i1
      %add3A_84 = arith.addi %rem3A_75, %select_n3A_74 : i32
      %select_n3A_85 = arith.select %and3A_83, %add3A_84, %rem3A_75 : i32
      %broadcast_in_dim3A = arith.constant 0.000000e+00 : f32
      %broadcast_in_dim3A_86 = vector.broadcast %broadcast_in_dim3A : f32 to vector<16xf32>
      %mul3A_87 = arith.constant 16 : i32
      %mul3A_88 = arith.muli %select_n3A_85, %mul3A_87 : i32
      %swap3A = arith.index_cast %select_n3A : i32 to index
      %swap3A_89 = arith.index_cast %mul3A_88 : i32 to index
      %swap3A_90 = tpu.vector_load %arg11[%swap3A, %swap3A_89] {strides = array<i32>} : memref<80x128xf32, #tpu.memory_space<vmem>>, vector<1x16xf32>,
      %swap3A_91 = vector.shape_cast %swap3A_90 : vector<1x16xf32> to vector<16xf32>
      %swap3A_92 = vector.shape_cast %broadcast_in_dim3A_86 : vector<16xf32> to vector<1x16xf32>
      tpu.vector_store %arg11[%swap3A, %swap3A_89], %swap3A_92 {strides = array<i32>} : memref<80x128xf32, #tpu.memory_space<vmem>>, vector<1x16xf32>,
      %scan3A_93 = arith.constant 0 : i32
      scf.yield %scan3A_93 : i32
    }
    %scan3A_6 = arith.constant 640 : i32
    %mul3A_7 = arith.constant 632 : i32
    %mul3A_8 = arith.muli %arg1, %mul3A_7 : i32
    %add3A_9 = arith.constant 0 : i32
    %add3A_10 = arith.addi %mul3A_8, %add3A_9 : i32
    "tpu.region"() ({
      %run_scoped3A = tpu.sem_alloc : memref<!tpu.dma_semaphore, #tpu.memory_space<semaphore_mem>>
      %dma_start3A = arith.constant 0 : i32
      %dma_start3A_53 = arith.constant 0 : i32
      %dma_start3A_54 = tpu.memref_slice %arg11[%dma_start3A, %dma_start3A_53] : memref<80x128xf32, #tpu.memory_space<vmem>> -> memref<80x128xf32, #tpu.memory_space<vmem>>
      %dma_start3A_55 = arith.constant 0 : i32
      %dma_start3A_56 = tpu.memref_slice %arg13[%add3A_10, %dma_start3A_55] : memref<10112x128xf32, #tpu.memory_space<vmem_shared>> -> memref<80x128xf32, #tpu.memory_space<vmem_shared>>
      %dma_start3A_57 = arith.constant 0 : i32
      %dma_start3A_58 = tpu.memref_slice %arg13[%add3A_10, %dma_start3A_57] : memref<10112x128xf32, #tpu.memory_space<vmem_shared>> -> memref<80x128xf32, #tpu.memory_space<vmem_shared>>
      %dma_start3A_59 = arith.constant 0 : i32
      %dma_start3A_60 = arith.constant 0 : i32
      %dma_start3A_61 = tpu.memref_slice %arg11[%dma_start3A_59, %dma_start3A_60] : memref<80x128xf32, #tpu.memory_space<vmem>> -> memref<80x128xf32, #tpu.memory_space<vmem>>
      tpu.enqueue_dma source(%dma_start3A_61 : memref<80x128xf32, #tpu.memory_space<vmem>>) target(%dma_start3A_58 : memref<80x128xf32, #tpu.memory_space<vmem_shared>>) target_semaphore(%run_scoped3A : memref<!tpu.dma_semaphore, #tpu.memory_space<semaphore_mem>>)
      %dma_wait3A = arith.constant 0 : i32
      %dma_wait3A_62 = arith.constant 0 : i32
      %dma_wait3A_63 = tpu.memref_slice %arg11[%dma_wait3A, %dma_wait3A_62] : memref<80x128xf32, #tpu.memory_space<vmem>> -> memref<80x128xf32, #tpu.memory_space<vmem>>
      %dma_wait3A_64 = arith.constant 0 : i32
      %dma_wait3A_65 = tpu.memref_slice %arg13[%add3A_10, %dma_wait3A_64] : memref<10112x128xf32, #tpu.memory_space<vmem_shared>> -> memref<80x128xf32, #tpu.memory_space<vmem_shared>>
      %dma_wait3A_66 = arith.constant 0 : i32
      %dma_wait3A_67 = tpu.memref_slice %arg13[%add3A_10, %dma_wait3A_66] : memref<10112x128xf32, #tpu.memory_space<vmem_shared>> -> memref<80x128xf32, #tpu.memory_space<vmem_shared>>
      %dma_wait3A_68 = arith.constant 0 : i32
      %dma_wait3A_69 = arith.constant 0 : i32
      %dma_wait3A_70 = tpu.memref_slice %arg11[%dma_wait3A_68, %dma_wait3A_69] : memref<80x128xf32, #tpu.memory_space<vmem>> -> memref<80x128xf32, #tpu.memory_space<vmem>>
      tpu.wait_dma2 semaphore(%run_scoped3A : memref<!tpu.dma_semaphore, #tpu.memory_space<semaphore_mem>>) src(%dma_wait3A_70 : memref<80x128xf32, #tpu.memory_space<vmem>>) dst(%dma_wait3A_67 : memref<80x128xf32, #tpu.memory_space<vmem_shared>>)
      tpu.yield
    }) : () -> ()
    %mul3A_11 = arith.constant 632 : i32
    %mul3A_12 = arith.muli %arg1, %mul3A_11 : i32
    %add3A_13 = arith.constant 80 : i32
    %add3A_14 = arith.addi %mul3A_12, %add3A_13 : i32
    "tpu.region"() ({
      %run_scoped3A = tpu.sem_alloc : memref<!tpu.dma_semaphore, #tpu.memory_space<semaphore_mem>>
      %dma_start3A = arith.constant 0 : i32
      %dma_start3A_53 = arith.constant 0 : i32
      %dma_start3A_54 = tpu.memref_slice %arg11[%dma_start3A, %dma_start3A_53] : memref<80x128xf32, #tpu.memory_space<vmem>> -> memref<80x128xf32, #tpu.memory_space<vmem>>
      %dma_start3A_55 = arith.constant 0 : i32
      %dma_start3A_56 = tpu.memref_slice %arg13[%add3A_14, %dma_start3A_55] : memref<10112x128xf32, #tpu.memory_space<vmem_shared>> -> memref<80x128xf32, #tpu.memory_space<vmem_shared>>
      %dma_start3A_57 = arith.constant 0 : i32
      %dma_start3A_58 = tpu.memref_slice %arg13[%add3A_14, %dma_start3A_57] : memref<10112x128xf32, #tpu.memory_space<vmem_shared>> -> memref<80x128xf32, #tpu.memory_space<vmem_shared>>
      %dma_start3A_59 = arith.constant 0 : i32
      %dma_start3A_60 = arith.constant 0 : i32
      %dma_start3A_61 = tpu.memref_slice %arg11[%dma_start3A_59, %dma_start3A_60] : memref<80x128xf32, #tpu.memory_space<vmem>> -> memref<80x128xf32, #tpu.memory_space<vmem>>
      tpu.enqueue_dma source(%dma_start3A_61 : memref<80x128xf32, #tpu.memory_space<vmem>>) target(%dma_start3A_58 : memref<80x128xf32, #tpu.memory_space<vmem_shared>>) target_semaphore(%run_scoped3A : memref<!tpu.dma_semaphore, #tpu.memory_space<semaphore_mem>>)
      %dma_wait3A = arith.constant 0 : i32
      %dma_wait3A_62 = arith.constant 0 : i32
      %dma_wait3A_63 = tpu.memref_slice %arg11[%dma_wait3A, %dma_wait3A_62] : memref<80x128xf32, #tpu.memory_space<vmem>> -> memref<80x128xf32, #tpu.memory_space<vmem>>
      %dma_wait3A_64 = arith.constant 0 : i32
      %dma_wait3A_65 = tpu.memref_slice %arg13[%add3A_14, %dma_wait3A_64] : memref<10112x128xf32, #tpu.memory_space<vmem_shared>> -> memref<80x128xf32, #tpu.memory_space<vmem_shared>>
      %dma_wait3A_66 = arith.constant 0 : i32
      %dma_wait3A_67 = tpu.memref_slice %arg13[%add3A_14, %dma_wait3A_66] : memref<10112x128xf32, #tpu.memory_space<vmem_shared>> -> memref<80x128xf32, #tpu.memory_space<vmem_shared>>
      %dma_wait3A_68 = arith.constant 0 : i32
      %dma_wait3A_69 = arith.constant 0 : i32
      %dma_wait3A_70 = tpu.memref_slice %arg11[%dma_wait3A_68, %dma_wait3A_69] : memref<80x128xf32, #tpu.memory_space<vmem>> -> memref<80x128xf32, #tpu.memory_space<vmem>>
      tpu.wait_dma2 semaphore(%run_scoped3A : memref<!tpu.dma_semaphore, #tpu.memory_space<semaphore_mem>>) src(%dma_wait3A_70 : memref<80x128xf32, #tpu.memory_space<vmem>>) dst(%dma_wait3A_67 : memref<80x128xf32, #tpu.memory_space<vmem_shared>>)
      tpu.yield
    }) : () -> ()
    %mul3A_15 = arith.constant 632 : i32
    %mul3A_16 = arith.muli %arg1, %mul3A_15 : i32
    %add3A_17 = arith.constant 160 : i32
    %add3A_18 = arith.addi %mul3A_16, %add3A_17 : i32
    "tpu.region"() ({
      %run_scoped3A = tpu.sem_alloc : memref<!tpu.dma_semaphore, #tpu.memory_space<semaphore_mem>>
      %dma_start3A = arith.constant 0 : i32
      %dma_start3A_53 = arith.constant 0 : i32
      %dma_start3A_54 = tpu.memref_slice %arg11[%dma_start3A, %dma_start3A_53] : memref<80x128xf32, #tpu.memory_space<vmem>> -> memref<80x128xf32, #tpu.memory_space<vmem>>
      %dma_start3A_55 = arith.constant 0 : i32
      %dma_start3A_56 = tpu.memref_slice %arg13[%add3A_18, %dma_start3A_55] : memref<10112x128xf32, #tpu.memory_space<vmem_shared>> -> memref<80x128xf32, #tpu.memory_space<vmem_shared>>
      %dma_start3A_57 = arith.constant 0 : i32
      %dma_start3A_58 = tpu.memref_slice %arg13[%add3A_18, %dma_start3A_57] : memref<10112x128xf32, #tpu.memory_space<vmem_shared>> -> memref<80x128xf32, #tpu.memory_space<vmem_shared>>
      %dma_start3A_59 = arith.constant 0 : i32
      %dma_start3A_60 = arith.constant 0 : i32
      %dma_start3A_61 = tpu.memref_slice %arg11[%dma_start3A_59, %dma_start3A_60] : memref<80x128xf32, #tpu.memory_space<vmem>> -> memref<80x128xf32, #tpu.memory_space<vmem>>
      tpu.enqueue_dma source(%dma_start3A_61 : memref<80x128xf32, #tpu.memory_space<vmem>>) target(%dma_start3A_58 : memref<80x128xf32, #tpu.memory_space<vmem_shared>>) target_semaphore(%run_scoped3A : memref<!tpu.dma_semaphore, #tpu.memory_space<semaphore_mem>>)
      %dma_wait3A = arith.constant 0 : i32
      %dma_wait3A_62 = arith.constant 0 : i32
      %dma_wait3A_63 = tpu.memref_slice %arg11[%dma_wait3A, %dma_wait3A_62] : memref<80x128xf32, #tpu.memory_space<vmem>> -> memref<80x128xf32, #tpu.memory_space<vmem>>
      %dma_wait3A_64 = arith.constant 0 : i32
      %dma_wait3A_65 = tpu.memref_slice %arg13[%add3A_18, %dma_wait3A_64] : memref<10112x128xf32, #tpu.memory_space<vmem_shared>> -> memref<80x128xf32, #tpu.memory_space<vmem_shared>>
      %dma_wait3A_66 = arith.constant 0 : i32
      %dma_wait3A_67 = tpu.memref_slice %arg13[%add3A_18, %dma_wait3A_66] : memref<10112x128xf32, #tpu.memory_space<vmem_shared>> -> memref<80x128xf32, #tpu.memory_space<vmem_shared>>
      %dma_wait3A_68 = arith.constant 0 : i32
      %dma_wait3A_69 = arith.constant 0 : i32
      %dma_wait3A_70 = tpu.memref_slice %arg11[%dma_wait3A_68, %dma_wait3A_69] : memref<80x128xf32, #tpu.memory_space<vmem>> -> memref<80x128xf32, #tpu.memory_space<vmem>>
      tpu.wait_dma2 semaphore(%run_scoped3A : memref<!tpu.dma_semaphore, #tpu.memory_space<semaphore_mem>>) src(%dma_wait3A_70 : memref<80x128xf32, #tpu.memory_space<vmem>>) dst(%dma_wait3A_67 : memref<80x128xf32, #tpu.memory_space<vmem_shared>>)
      tpu.yield
    }) : () -> ()
    %mul3A_19 = arith.constant 632 : i32
    %mul3A_20 = arith.muli %arg1, %mul3A_19 : i32
    %add3A_21 = arith.constant 240 : i32
    %add3A_22 = arith.addi %mul3A_20, %add3A_21 : i32
    "tpu.region"() ({
      %run_scoped3A = tpu.sem_alloc : memref<!tpu.dma_semaphore, #tpu.memory_space<semaphore_mem>>
      %dma_start3A = arith.constant 0 : i32
      %dma_start3A_53 = arith.constant 0 : i32
      %dma_start3A_54 = tpu.memref_slice %arg11[%dma_start3A, %dma_start3A_53] : memref<80x128xf32, #tpu.memory_space<vmem>> -> memref<80x128xf32, #tpu.memory_space<vmem>>
      %dma_start3A_55 = arith.constant 0 : i32
      %dma_start3A_56 = tpu.memref_slice %arg13[%add3A_22, %dma_start3A_55] : memref<10112x128xf32, #tpu.memory_space<vmem_shared>> -> memref<80x128xf32, #tpu.memory_space<vmem_shared>>
      %dma_start3A_57 = arith.constant 0 : i32
      %dma_start3A_58 = tpu.memref_slice %arg13[%add3A_22, %dma_start3A_57] : memref<10112x128xf32, #tpu.memory_space<vmem_shared>> -> memref<80x128xf32, #tpu.memory_space<vmem_shared>>
      %dma_start3A_59 = arith.constant 0 : i32
      %dma_start3A_60 = arith.constant 0 : i32
      %dma_start3A_61 = tpu.memref_slice %arg11[%dma_start3A_59, %dma_start3A_60] : memref<80x128xf32, #tpu.memory_space<vmem>> -> memref<80x128xf32, #tpu.memory_space<vmem>>
      tpu.enqueue_dma source(%dma_start3A_61 : memref<80x128xf32, #tpu.memory_space<vmem>>) target(%dma_start3A_58 : memref<80x128xf32, #tpu.memory_space<vmem_shared>>) target_semaphore(%run_scoped3A : memref<!tpu.dma_semaphore, #tpu.memory_space<semaphore_mem>>)
      %dma_wait3A = arith.constant 0 : i32
      %dma_wait3A_62 = arith.constant 0 : i32
      %dma_wait3A_63 = tpu.memref_slice %arg11[%dma_wait3A, %dma_wait3A_62] : memref<80x128xf32, #tpu.memory_space<vmem>> -> memref<80x128xf32, #tpu.memory_space<vmem>>
      %dma_wait3A_64 = arith.constant 0 : i32
      %dma_wait3A_65 = tpu.memref_slice %arg13[%add3A_22, %dma_wait3A_64] : memref<10112x128xf32, #tpu.memory_space<vmem_shared>> -> memref<80x128xf32, #tpu.memory_space<vmem_shared>>
      %dma_wait3A_66 = arith.constant 0 : i32
      %dma_wait3A_67 = tpu.memref_slice %arg13[%add3A_22, %dma_wait3A_66] : memref<10112x128xf32, #tpu.memory_space<vmem_shared>> -> memref<80x128xf32, #tpu.memory_space<vmem_shared>>
      %dma_wait3A_68 = arith.constant 0 : i32
      %dma_wait3A_69 = arith.constant 0 : i32
      %dma_wait3A_70 = tpu.memref_slice %arg11[%dma_wait3A_68, %dma_wait3A_69] : memref<80x128xf32, #tpu.memory_space<vmem>> -> memref<80x128xf32, #tpu.memory_space<vmem>>
      tpu.wait_dma2 semaphore(%run_scoped3A : memref<!tpu.dma_semaphore, #tpu.memory_space<semaphore_mem>>) src(%dma_wait3A_70 : memref<80x128xf32, #tpu.memory_space<vmem>>) dst(%dma_wait3A_67 : memref<80x128xf32, #tpu.memory_space<vmem_shared>>)
      tpu.yield
    }) : () -> ()
    %mul3A_23 = arith.constant 632 : i32
    %mul3A_24 = arith.muli %arg1, %mul3A_23 : i32
    %add3A_25 = arith.constant 320 : i32
    %add3A_26 = arith.addi %mul3A_24, %add3A_25 : i32
    "tpu.region"() ({
      %run_scoped3A = tpu.sem_alloc : memref<!tpu.dma_semaphore, #tpu.memory_space<semaphore_mem>>
      %dma_start3A = arith.constant 0 : i32
      %dma_start3A_53 = arith.constant 0 : i32
      %dma_start3A_54 = tpu.memref_slice %arg11[%dma_start3A, %dma_start3A_53] : memref<80x128xf32, #tpu.memory_space<vmem>> -> memref<80x128xf32, #tpu.memory_space<vmem>>
      %dma_start3A_55 = arith.constant 0 : i32
      %dma_start3A_56 = tpu.memref_slice %arg13[%add3A_26, %dma_start3A_55] : memref<10112x128xf32, #tpu.memory_space<vmem_shared>> -> memref<80x128xf32, #tpu.memory_space<vmem_shared>>
      %dma_start3A_57 = arith.constant 0 : i32
      %dma_start3A_58 = tpu.memref_slice %arg13[%add3A_26, %dma_start3A_57] : memref<10112x128xf32, #tpu.memory_space<vmem_shared>> -> memref<80x128xf32, #tpu.memory_space<vmem_shared>>
      %dma_start3A_59 = arith.constant 0 : i32
      %dma_start3A_60 = arith.constant 0 : i32
      %dma_start3A_61 = tpu.memref_slice %arg11[%dma_start3A_59, %dma_start3A_60] : memref<80x128xf32, #tpu.memory_space<vmem>> -> memref<80x128xf32, #tpu.memory_space<vmem>>
      tpu.enqueue_dma source(%dma_start3A_61 : memref<80x128xf32, #tpu.memory_space<vmem>>) target(%dma_start3A_58 : memref<80x128xf32, #tpu.memory_space<vmem_shared>>) target_semaphore(%run_scoped3A : memref<!tpu.dma_semaphore, #tpu.memory_space<semaphore_mem>>)
      %dma_wait3A = arith.constant 0 : i32
      %dma_wait3A_62 = arith.constant 0 : i32
      %dma_wait3A_63 = tpu.memref_slice %arg11[%dma_wait3A, %dma_wait3A_62] : memref<80x128xf32, #tpu.memory_space<vmem>> -> memref<80x128xf32, #tpu.memory_space<vmem>>
      %dma_wait3A_64 = arith.constant 0 : i32
      %dma_wait3A_65 = tpu.memref_slice %arg13[%add3A_26, %dma_wait3A_64] : memref<10112x128xf32, #tpu.memory_space<vmem_shared>> -> memref<80x128xf32, #tpu.memory_space<vmem_shared>>
      %dma_wait3A_66 = arith.constant 0 : i32
      %dma_wait3A_67 = tpu.memref_slice %arg13[%add3A_26, %dma_wait3A_66] : memref<10112x128xf32, #tpu.memory_space<vmem_shared>> -> memref<80x128xf32, #tpu.memory_space<vmem_shared>>
      %dma_wait3A_68 = arith.constant 0 : i32
      %dma_wait3A_69 = arith.constant 0 : i32
      %dma_wait3A_70 = tpu.memref_slice %arg11[%dma_wait3A_68, %dma_wait3A_69] : memref<80x128xf32, #tpu.memory_space<vmem>> -> memref<80x128xf32, #tpu.memory_space<vmem>>
      tpu.wait_dma2 semaphore(%run_scoped3A : memref<!tpu.dma_semaphore, #tpu.memory_space<semaphore_mem>>) src(%dma_wait3A_70 : memref<80x128xf32, #tpu.memory_space<vmem>>) dst(%dma_wait3A_67 : memref<80x128xf32, #tpu.memory_space<vmem_shared>>)
      tpu.yield
    }) : () -> ()
    %mul3A_27 = arith.constant 632 : i32
    %mul3A_28 = arith.muli %arg1, %mul3A_27 : i32
    %add3A_29 = arith.constant 400 : i32
    %add3A_30 = arith.addi %mul3A_28, %add3A_29 : i32
    "tpu.region"() ({
      %run_scoped3A = tpu.sem_alloc : memref<!tpu.dma_semaphore, #tpu.memory_space<semaphore_mem>>
      %dma_start3A = arith.constant 0 : i32
      %dma_start3A_53 = arith.constant 0 : i32
      %dma_start3A_54 = tpu.memref_slice %arg11[%dma_start3A, %dma_start3A_53] : memref<80x128xf32, #tpu.memory_space<vmem>> -> memref<80x128xf32, #tpu.memory_space<vmem>>
      %dma_start3A_55 = arith.constant 0 : i32
      %dma_start3A_56 = tpu.memref_slice %arg13[%add3A_30, %dma_start3A_55] : memref<10112x128xf32, #tpu.memory_space<vmem_shared>> -> memref<80x128xf32, #tpu.memory_space<vmem_shared>>
      %dma_start3A_57 = arith.constant 0 : i32
      %dma_start3A_58 = tpu.memref_slice %arg13[%add3A_30, %dma_start3A_57] : memref<10112x128xf32, #tpu.memory_space<vmem_shared>> -> memref<80x128xf32, #tpu.memory_space<vmem_shared>>
      %dma_start3A_59 = arith.constant 0 : i32
      %dma_start3A_60 = arith.constant 0 : i32
      %dma_start3A_61 = tpu.memref_slice %arg11[%dma_start3A_59, %dma_start3A_60] : memref<80x128xf32, #tpu.memory_space<vmem>> -> memref<80x128xf32, #tpu.memory_space<vmem>>
      tpu.enqueue_dma source(%dma_start3A_61 : memref<80x128xf32, #tpu.memory_space<vmem>>) target(%dma_start3A_58 : memref<80x128xf32, #tpu.memory_space<vmem_shared>>) target_semaphore(%run_scoped3A : memref<!tpu.dma_semaphore, #tpu.memory_space<semaphore_mem>>)
      %dma_wait3A = arith.constant 0 : i32
      %dma_wait3A_62 = arith.constant 0 : i32
      %dma_wait3A_63 = tpu.memref_slice %arg11[%dma_wait3A, %dma_wait3A_62] : memref<80x128xf32, #tpu.memory_space<vmem>> -> memref<80x128xf32, #tpu.memory_space<vmem>>
      %dma_wait3A_64 = arith.constant 0 : i32
      %dma_wait3A_65 = tpu.memref_slice %arg13[%add3A_30, %dma_wait3A_64] : memref<10112x128xf32, #tpu.memory_space<vmem_shared>> -> memref<80x128xf32, #tpu.memory_space<vmem_shared>>
      %dma_wait3A_66 = arith.constant 0 : i32
      %dma_wait3A_67 = tpu.memref_slice %arg13[%add3A_30, %dma_wait3A_66] : memref<10112x128xf32, #tpu.memory_space<vmem_shared>> -> memref<80x128xf32, #tpu.memory_space<vmem_shared>>
      %dma_wait3A_68 = arith.constant 0 : i32
      %dma_wait3A_69 = arith.constant 0 : i32
      %dma_wait3A_70 = tpu.memref_slice %arg11[%dma_wait3A_68, %dma_wait3A_69] : memref<80x128xf32, #tpu.memory_space<vmem>> -> memref<80x128xf32, #tpu.memory_space<vmem>>
      tpu.wait_dma2 semaphore(%run_scoped3A : memref<!tpu.dma_semaphore, #tpu.memory_space<semaphore_mem>>) src(%dma_wait3A_70 : memref<80x128xf32, #tpu.memory_space<vmem>>) dst(%dma_wait3A_67 : memref<80x128xf32, #tpu.memory_space<vmem_shared>>)
      tpu.yield
    }) : () -> ()
    %mul3A_31 = arith.constant 632 : i32
    %mul3A_32 = arith.muli %arg1, %mul3A_31 : i32
    %add3A_33 = arith.constant 480 : i32
    %add3A_34 = arith.addi %mul3A_32, %add3A_33 : i32
    "tpu.region"() ({
      %run_scoped3A = tpu.sem_alloc : memref<!tpu.dma_semaphore, #tpu.memory_space<semaphore_mem>>
      %dma_start3A = arith.constant 0 : i32
      %dma_start3A_53 = arith.constant 0 : i32
      %dma_start3A_54 = tpu.memref_slice %arg11[%dma_start3A, %dma_start3A_53] : memref<80x128xf32, #tpu.memory_space<vmem>> -> memref<80x128xf32, #tpu.memory_space<vmem>>
      %dma_start3A_55 = arith.constant 0 : i32
      %dma_start3A_56 = tpu.memref_slice %arg13[%add3A_34, %dma_start3A_55] : memref<10112x128xf32, #tpu.memory_space<vmem_shared>> -> memref<80x128xf32, #tpu.memory_space<vmem_shared>>
      %dma_start3A_57 = arith.constant 0 : i32
      %dma_start3A_58 = tpu.memref_slice %arg13[%add3A_34, %dma_start3A_57] : memref<10112x128xf32, #tpu.memory_space<vmem_shared>> -> memref<80x128xf32, #tpu.memory_space<vmem_shared>>
      %dma_start3A_59 = arith.constant 0 : i32
      %dma_start3A_60 = arith.constant 0 : i32
      %dma_start3A_61 = tpu.memref_slice %arg11[%dma_start3A_59, %dma_start3A_60] : memref<80x128xf32, #tpu.memory_space<vmem>> -> memref<80x128xf32, #tpu.memory_space<vmem>>
      tpu.enqueue_dma source(%dma_start3A_61 : memref<80x128xf32, #tpu.memory_space<vmem>>) target(%dma_start3A_58 : memref<80x128xf32, #tpu.memory_space<vmem_shared>>) target_semaphore(%run_scoped3A : memref<!tpu.dma_semaphore, #tpu.memory_space<semaphore_mem>>)
      %dma_wait3A = arith.constant 0 : i32
      %dma_wait3A_62 = arith.constant 0 : i32
      %dma_wait3A_63 = tpu.memref_slice %arg11[%dma_wait3A, %dma_wait3A_62] : memref<80x128xf32, #tpu.memory_space<vmem>> -> memref<80x128xf32, #tpu.memory_space<vmem>>
      %dma_wait3A_64 = arith.constant 0 : i32
      %dma_wait3A_65 = tpu.memref_slice %arg13[%add3A_34, %dma_wait3A_64] : memref<10112x128xf32, #tpu.memory_space<vmem_shared>> -> memref<80x128xf32, #tpu.memory_space<vmem_shared>>
      %dma_wait3A_66 = arith.constant 0 : i32
      %dma_wait3A_67 = tpu.memref_slice %arg13[%add3A_34, %dma_wait3A_66] : memref<10112x128xf32, #tpu.memory_space<vmem_shared>> -> memref<80x128xf32, #tpu.memory_space<vmem_shared>>
      %dma_wait3A_68 = arith.constant 0 : i32
      %dma_wait3A_69 = arith.constant 0 : i32
      %dma_wait3A_70 = tpu.memref_slice %arg11[%dma_wait3A_68, %dma_wait3A_69] : memref<80x128xf32, #tpu.memory_space<vmem>> -> memref<80x128xf32, #tpu.memory_space<vmem>>
      tpu.wait_dma2 semaphore(%run_scoped3A : memref<!tpu.dma_semaphore, #tpu.memory_space<semaphore_mem>>) src(%dma_wait3A_70 : memref<80x128xf32, #tpu.memory_space<vmem>>) dst(%dma_wait3A_67 : memref<80x128xf32, #tpu.memory_space<vmem_shared>>)
      tpu.yield
    }) : () -> ()
    %mul3A_35 = arith.constant 632 : i32
    %mul3A_36 = arith.muli %arg1, %mul3A_35 : i32
    %add3A_37 = arith.constant 560 : i32
    %add3A_38 = arith.addi %mul3A_36, %add3A_37 : i32
    "tpu.region"() ({
      %run_scoped3A = tpu.sem_alloc : memref<!tpu.dma_semaphore, #tpu.memory_space<semaphore_mem>>
      %dma_start3A = arith.constant 0 : i32
      %dma_start3A_53 = arith.constant 0 : i32
      %dma_start3A_54 = tpu.memref_slice %arg11[%dma_start3A, %dma_start3A_53] : memref<80x128xf32, #tpu.memory_space<vmem>> -> memref<72x128xf32, #tpu.memory_space<vmem>>
      %dma_start3A_55 = arith.constant 0 : i32
      %dma_start3A_56 = tpu.memref_slice %arg13[%add3A_38, %dma_start3A_55] : memref<10112x128xf32, #tpu.memory_space<vmem_shared>> -> memref<72x128xf32, #tpu.memory_space<vmem_shared>>
      %dma_start3A_57 = arith.constant 0 : i32
      %dma_start3A_58 = tpu.memref_slice %arg13[%add3A_38, %dma_start3A_57] : memref<10112x128xf32, #tpu.memory_space<vmem_shared>> -> memref<72x128xf32, #tpu.memory_space<vmem_shared>>
      %dma_start3A_59 = arith.constant 0 : i32
      %dma_start3A_60 = arith.constant 0 : i32
      %dma_start3A_61 = tpu.memref_slice %arg11[%dma_start3A_59, %dma_start3A_60] : memref<80x128xf32, #tpu.memory_space<vmem>> -> memref<72x128xf32, #tpu.memory_space<vmem>>
      tpu.enqueue_dma source(%dma_start3A_61 : memref<72x128xf32, #tpu.memory_space<vmem>>) target(%dma_start3A_58 : memref<72x128xf32, #tpu.memory_space<vmem_shared>>) target_semaphore(%run_scoped3A : memref<!tpu.dma_semaphore, #tpu.memory_space<semaphore_mem>>)
      %dma_wait3A = arith.constant 0 : i32
      %dma_wait3A_62 = arith.constant 0 : i32
      %dma_wait3A_63 = tpu.memref_slice %arg11[%dma_wait3A, %dma_wait3A_62] : memref<80x128xf32, #tpu.memory_space<vmem>> -> memref<72x128xf32, #tpu.memory_space<vmem>>
      %dma_wait3A_64 = arith.constant 0 : i32
      %dma_wait3A_65 = tpu.memref_slice %arg13[%add3A_38, %dma_wait3A_64] : memref<10112x128xf32, #tpu.memory_space<vmem_shared>> -> memref<72x128xf32, #tpu.memory_space<vmem_shared>>
      %dma_wait3A_66 = arith.constant 0 : i32
      %dma_wait3A_67 = tpu.memref_slice %arg13[%add3A_38, %dma_wait3A_66] : memref<10112x128xf32, #tpu.memory_space<vmem_shared>> -> memref<72x128xf32, #tpu.memory_space<vmem_shared>>
      %dma_wait3A_68 = arith.constant 0 : i32
      %dma_wait3A_69 = arith.constant 0 : i32
      %dma_wait3A_70 = tpu.memref_slice %arg11[%dma_wait3A_68, %dma_wait3A_69] : memref<80x128xf32, #tpu.memory_space<vmem>> -> memref<72x128xf32, #tpu.memory_space<vmem>>
      tpu.wait_dma2 semaphore(%run_scoped3A : memref<!tpu.dma_semaphore, #tpu.memory_space<semaphore_mem>>) src(%dma_wait3A_70 : memref<72x128xf32, #tpu.memory_space<vmem>>) dst(%dma_wait3A_67 : memref<72x128xf32, #tpu.memory_space<vmem_shared>>)
      tpu.yield
    }) : () -> ()
    %barrier3A = arith.constant 0 : index
    tpu.barrier barrier_id(%barrier3A)
    %iota3A = tpu.iota {dimensions = array<i32: 0>} : vector<16xi32>
    %lt3A = arith.constant 4 : i32
    %lt3A_39 = vector.broadcast %lt3A : i32 to vector<16xi32>
    %lt3A_40 = arith.cmpi slt, %iota3A, %lt3A_39 : vector<16xi32>
    %scan3A_41 = arith.constant 0 : i32
    %scan3A_42 = arith.constant 0 : i32
    %scan3A_43 = arith.constant 125 : i32
    %scan3A_44 = arith.addi %scan3A_42, %scan3A_43 : i32
    %scan3A_45 = arith.constant 1 : i32
    %scan3A_46 = scf.for %scan3A_53 = %scan3A_42 to %scan3A_44 step %scan3A_45 iter_args(%scan3A_54 = %scan3A_41) -> (i32)  : i32 {
      %mul3A_55 = arith.constant 10000 : i32
      %mul3A_56 = arith.muli %add3A, %mul3A_55 : i32
      %mul3A_57 = arith.constant 80 : i32
      %mul3A_58 = arith.muli %scan3A_53, %mul3A_57 : i32
      %add3A_59 = arith.addi %mul3A_56, %mul3A_58 : i32
      "tpu.region"() ({
        %run_scoped3A = tpu.sem_alloc : memref<!tpu.dma_semaphore, #tpu.memory_space<semaphore_mem>>
        %dma_start3A_72 = tpu.memref_slice %arg4[%add3A_59] : memref<320000xi32, #tpu.memory_space<hbm>> -> memref<80xi32, #tpu.memory_space<hbm>>
        %dma_start3A_73 = tpu.memref_slice %arg4[%add3A_59] : memref<320000xi32, #tpu.memory_space<hbm>> -> memref<80xi32, #tpu.memory_space<hbm>>
        tpu.enqueue_dma source(%dma_start3A_73 : memref<80xi32, #tpu.memory_space<hbm>>) target(%arg8 : memref<80xi32, #tpu.memory_space<vmem>>) target_semaphore(%run_scoped3A : memref<!tpu.dma_semaphore, #tpu.memory_space<semaphore_mem>>)
        %dma_wait3A_74 = tpu.memref_slice %arg4[%add3A_59] : memref<320000xi32, #tpu.memory_space<hbm>> -> memref<80xi32, #tpu.memory_space<hbm>>
        %dma_wait3A_75 = tpu.memref_slice %arg4[%add3A_59] : memref<320000xi32, #tpu.memory_space<hbm>> -> memref<80xi32, #tpu.memory_space<hbm>>
        tpu.wait_dma2 semaphore(%run_scoped3A : memref<!tpu.dma_semaphore, #tpu.memory_space<semaphore_mem>>) src(%dma_wait3A_75 : memref<80xi32, #tpu.memory_space<hbm>>) dst(%arg8 : memref<80xi32, #tpu.memory_space<vmem>>)
        tpu.yield
      }) : () -> ()
      "tpu.region"() ({
        %run_scoped3A = tpu.sem_alloc : memref<!tpu.dma_semaphore, #tpu.memory_space<semaphore_mem>>
        %dma_start3A_72 = tpu.memref_slice %arg5[%add3A_59] : memref<320000xi32, #tpu.memory_space<hbm>> -> memref<80xi32, #tpu.memory_space<hbm>>
        %dma_start3A_73 = tpu.memref_slice %arg5[%add3A_59] : memref<320000xi32, #tpu.memory_space<hbm>> -> memref<80xi32, #tpu.memory_space<hbm>>
        tpu.enqueue_dma source(%dma_start3A_73 : memref<80xi32, #tpu.memory_space<hbm>>) target(%arg9 : memref<80xi32, #tpu.memory_space<vmem>>) target_semaphore(%run_scoped3A : memref<!tpu.dma_semaphore, #tpu.memory_space<semaphore_mem>>)
        %dma_wait3A_74 = tpu.memref_slice %arg5[%add3A_59] : memref<320000xi32, #tpu.memory_space<hbm>> -> memref<80xi32, #tpu.memory_space<hbm>>
        %dma_wait3A_75 = tpu.memref_slice %arg5[%add3A_59] : memref<320000xi32, #tpu.memory_space<hbm>> -> memref<80xi32, #tpu.memory_space<hbm>>
        tpu.wait_dma2 semaphore(%run_scoped3A : memref<!tpu.dma_semaphore, #tpu.memory_space<semaphore_mem>>) src(%dma_wait3A_75 : memref<80xi32, #tpu.memory_space<hbm>>) dst(%arg9 : memref<80xi32, #tpu.memory_space<vmem>>)
        tpu.yield
      }) : () -> ()
      %dma_start3A = arith.constant 0 : i32
      %dma_start3A_60 = arith.constant 0 : i32
      %dma_start3A_61 = tpu.memref_slice %arg2[%dma_start3A, %dma_start3A_60] : memref<10000x256xf32, #tpu.memory_space<hbm>> -> memref<10000x256xf32, #tpu.memory_space<hbm>>
      tpu.enqueue_indirect_dma source(%dma_start3A_61 : memref<10000x256xf32, #tpu.memory_space<hbm>>) target(%arg10 : memref<80x256xf32, #tpu.memory_space<vmem>>) offsets(%arg8 : memref<80xi32, #tpu.memory_space<vmem>>) semaphore(%arg14 : memref<!tpu.dma_semaphore, #tpu.memory_space<semaphore_mem>>)
      "tpu.region"() ({
        %run_scoped3A = tpu.sem_alloc : memref<!tpu.dma_semaphore, #tpu.memory_space<semaphore_mem>>
        %dma_start3A_72 = arith.constant 0 : i32
        %dma_start3A_73 = tpu.memref_slice %arg3[%add3A_59, %dma_start3A_72] : memref<320000x16xf32, #tpu.memory_space<hbm>> -> memref<80x16xf32, #tpu.memory_space<hbm>>
        %dma_start3A_74 = arith.constant 0 : i32
        %dma_start3A_75 = tpu.memref_slice %arg3[%add3A_59, %dma_start3A_74] : memref<320000x16xf32, #tpu.memory_space<hbm>> -> memref<80x16xf32, #tpu.memory_space<hbm>>
        tpu.enqueue_dma source(%dma_start3A_75 : memref<80x16xf32, #tpu.memory_space<hbm>>) target(%arg12 : memref<80x16xf32, #tpu.memory_space<vmem>>) target_semaphore(%run_scoped3A : memref<!tpu.dma_semaphore, #tpu.memory_space<semaphore_mem>>)
        %dma_wait3A_76 = arith.constant 0 : i32
        %dma_wait3A_77 = tpu.memref_slice %arg3[%add3A_59, %dma_wait3A_76] : memref<320000x16xf32, #tpu.memory_space<hbm>> -> memref<80x16xf32, #tpu.memory_space<hbm>>
        %dma_wait3A_78 = arith.constant 0 : i32
        %dma_wait3A_79 = tpu.memref_slice %arg3[%add3A_59, %dma_wait3A_78] : memref<320000x16xf32, #tpu.memory_space<hbm>> -> memref<80x16xf32, #tpu.memory_space<hbm>>
        tpu.wait_dma2 semaphore(%run_scoped3A : memref<!tpu.dma_semaphore, #tpu.memory_space<semaphore_mem>>) src(%dma_wait3A_79 : memref<80x16xf32, #tpu.memory_space<hbm>>) dst(%arg12 : memref<80x16xf32, #tpu.memory_space<vmem>>)
        tpu.yield
      }) : () -> ()
      %dma_wait3A = arith.constant 0 : i32
      %dma_wait3A_62 = arith.constant 0 : i32
      %dma_wait3A_63 = tpu.memref_slice %arg2[%dma_wait3A, %dma_wait3A_62] : memref<10000x256xf32, #tpu.memory_space<hbm>> -> memref<10000x256xf32, #tpu.memory_space<hbm>>
      tpu.wait_indirect_dma semaphore(%arg14 : memref<!tpu.dma_semaphore, #tpu.memory_space<semaphore_mem>>) src(%dma_wait3A_63 : memref<10000x256xf32, #tpu.memory_space<hbm>>) dst(%arg10 : memref<80x256xf32, #tpu.memory_space<vmem>>)
      %scan3A_64 = arith.constant 0 : i32
      %scan3A_65 = arith.constant 0 : i32
      %scan3A_66 = arith.constant 80 : i32
      %scan3A_67 = arith.addi %scan3A_65, %scan3A_66 : i32
      %scan3A_68 = arith.constant 1 : i32
      %scan3A_69 = scf.for %scan3A_72 = %scan3A_65 to %scan3A_67 step %scan3A_68 iter_args(%scan3A_73 = %scan3A_64) -> (i32)  : i32 {
        %get3A = arith.index_cast %scan3A_72 : i32 to index
        %get3A_74 = arith.constant 0 : index
        %get3A_75 = tpu.vector_load %arg12[%get3A, %get3A_74] {strides = array<i32>} : memref<80x16xf32, #tpu.memory_space<vmem>>, vector<1x16xf32>,
        %get3A_76 = vector.shape_cast %get3A_75 : vector<1x16xf32> to vector<16xf32>
        %get3A_77 = arith.index_cast %scan3A_72 : i32 to index
        %get3A_78 = arith.constant 128 : index
        %get3A_79 = tpu.vector_load %arg10[%get3A_77, %get3A_78] {strides = array<i32>} : memref<80x256xf32, #tpu.memory_space<vmem>>, vector<1x16xf32>,
        %get3A_80 = vector.shape_cast %get3A_79 : vector<1x16xf32> to vector<16xf32>
        %div3A = arith.divf %get3A_76, %get3A_80 : vector<16xf32>
        %jit3A = arith.constant 0.000000e+00 : f32
        %broadcast_in_dim3A = vector.broadcast %jit3A : f32 to vector<16xf32>
        %select_n3A = arith.select %lt3A_40, %div3A, %broadcast_in_dim3A : vector<16xi1>, vector<16xf32>
        %swap3A = arith.index_cast %scan3A_72 : i32 to index
        %swap3A_81 = arith.constant 0 : index
        %swap3A_82 = tpu.vector_load %arg12[%swap3A, %swap3A_81] {strides = array<i32>} : memref<80x16xf32, #tpu.memory_space<vmem>>, vector<1x16xf32>,
        %swap3A_83 = vector.shape_cast %swap3A_82 : vector<1x16xf32> to vector<16xf32>
        %swap3A_84 = vector.shape_cast %select_n3A : vector<16xf32> to vector<1x16xf32>
        tpu.vector_store %arg12[%swap3A, %swap3A_81], %swap3A_84 {strides = array<i32>} : memref<80x16xf32, #tpu.memory_space<vmem>>, vector<1x16xf32>,
        %slice3A = vector.extract_strided_slice %select_n3A {offsets = [0], sizes = [1], strides = [1]} : vector<16xf32> to vector<1xf32>
        %squeeze3A = vector.extract %slice3A[0] : f32 from vector<1xf32>
        %broadcast_in_dim3A_85 = vector.broadcast %squeeze3A : f32 to vector<16xf32>
        %get3A_86 = arith.index_cast %scan3A_72 : i32 to index
        %get3A_87 = arith.constant 0 : index
        %get3A_88 = tpu.vector_load %arg10[%get3A_86, %get3A_87] {strides = array<i32>} : memref<80x256xf32, #tpu.memory_space<vmem>>, vector<1x16xf32>,
        %get3A_89 = vector.shape_cast %get3A_88 : vector<1x16xf32> to vector<16xf32>
        %mul3A_90 = arith.mulf %get3A_89, %broadcast_in_dim3A_85 : vector<16xf32>
        %swap3A_91 = arith.index_cast %scan3A_72 : i32 to index
        %swap3A_92 = arith.constant 0 : index
        %swap3A_93 = tpu.vector_load %arg11[%swap3A_91, %swap3A_92] {strides = array<i32>} : memref<80x128xf32, #tpu.memory_space<vmem>>, vector<1x16xf32>,
        %swap3A_94 = vector.shape_cast %swap3A_93 : vector<1x16xf32> to vector<16xf32>
        %swap3A_95 = vector.shape_cast %mul3A_90 : vector<16xf32> to vector<1x16xf32>
        tpu.vector_store %arg11[%swap3A_91, %swap3A_92], %swap3A_95 {strides = array<i32>} : memref<80x128xf32, #tpu.memory_space<vmem>>, vector<1x16xf32>,
        %get3A_96 = arith.index_cast %scan3A_72 : i32 to index
        %get3A_97 = arith.constant 16 : index
        %get3A_98 = tpu.vector_load %arg10[%get3A_96, %get3A_97] {strides = array<i32>} : memref<80x256xf32, #tpu.memory_space<vmem>>, vector<1x16xf32>,
        %get3A_99 = vector.shape_cast %get3A_98 : vector<1x16xf32> to vector<16xf32>
        %mul3A_100 = arith.mulf %get3A_99, %broadcast_in_dim3A_85 : vector<16xf32>
        %swap3A_101 = arith.index_cast %scan3A_72 : i32 to index
        %swap3A_102 = arith.constant 16 : index
        %swap3A_103 = tpu.vector_load %arg11[%swap3A_101, %swap3A_102] {strides = array<i32>} : memref<80x128xf32, #tpu.memory_space<vmem>>, vector<1x16xf32>,
        %swap3A_104 = vector.shape_cast %swap3A_103 : vector<1x16xf32> to vector<16xf32>
        %swap3A_105 = vector.shape_cast %mul3A_100 : vector<16xf32> to vector<1x16xf32>
        tpu.vector_store %arg11[%swap3A_101, %swap3A_102], %swap3A_105 {strides = array<i32>} : memref<80x128xf32, #tpu.memory_space<vmem>>, vector<1x16xf32>,
        %slice3A_106 = vector.extract_strided_slice %select_n3A {offsets = [1], sizes = [1], strides = [1]} : vector<16xf32> to vector<1xf32>
        %squeeze3A_107 = vector.extract %slice3A_106[0] : f32 from vector<1xf32>
        %broadcast_in_dim3A_108 = vector.broadcast %squeeze3A_107 : f32 to vector<16xf32>
        %get3A_109 = arith.index_cast %scan3A_72 : i32 to index
        %get3A_110 = arith.constant 32 : index
        %get3A_111 = tpu.vector_load %arg10[%get3A_109, %get3A_110] {strides = array<i32>} : memref<80x256xf32, #tpu.memory_space<vmem>>, vector<1x16xf32>,
        %get3A_112 = vector.shape_cast %get3A_111 : vector<1x16xf32> to vector<16xf32>
        %mul3A_113 = arith.mulf %get3A_112, %broadcast_in_dim3A_108 : vector<16xf32>
        %swap3A_114 = arith.index_cast %scan3A_72 : i32 to index
        %swap3A_115 = arith.constant 32 : index
        %swap3A_116 = tpu.vector_load %arg11[%swap3A_114, %swap3A_115] {strides = array<i32>} : memref<80x128xf32, #tpu.memory_space<vmem>>, vector<1x16xf32>,
        %swap3A_117 = vector.shape_cast %swap3A_116 : vector<1x16xf32> to vector<16xf32>
        %swap3A_118 = vector.shape_cast %mul3A_113 : vector<16xf32> to vector<1x16xf32>
        tpu.vector_store %arg11[%swap3A_114, %swap3A_115], %swap3A_118 {strides = array<i32>} : memref<80x128xf32, #tpu.memory_space<vmem>>, vector<1x16xf32>,
        %get3A_119 = arith.index_cast %scan3A_72 : i32 to index
        %get3A_120 = arith.constant 48 : index
        %get3A_121 = tpu.vector_load %arg10[%get3A_119, %get3A_120] {strides = array<i32>} : memref<80x256xf32, #tpu.memory_space<vmem>>, vector<1x16xf32>,
        %get3A_122 = vector.shape_cast %get3A_121 : vector<1x16xf32> to vector<16xf32>
        %mul3A_123 = arith.mulf %get3A_122, %broadcast_in_dim3A_108 : vector<16xf32>
        %swap3A_124 = arith.index_cast %scan3A_72 : i32 to index
        %swap3A_125 = arith.constant 48 : index
        %swap3A_126 = tpu.vector_load %arg11[%swap3A_124, %swap3A_125] {strides = array<i32>} : memref<80x128xf32, #tpu.memory_space<vmem>>, vector<1x16xf32>,
        %swap3A_127 = vector.shape_cast %swap3A_126 : vector<1x16xf32> to vector<16xf32>
        %swap3A_128 = vector.shape_cast %mul3A_123 : vector<16xf32> to vector<1x16xf32>
        tpu.vector_store %arg11[%swap3A_124, %swap3A_125], %swap3A_128 {strides = array<i32>} : memref<80x128xf32, #tpu.memory_space<vmem>>, vector<1x16xf32>,
        %slice3A_129 = vector.extract_strided_slice %select_n3A {offsets = [2], sizes = [1], strides = [1]} : vector<16xf32> to vector<1xf32>
        %squeeze3A_130 = vector.extract %slice3A_129[0] : f32 from vector<1xf32>
        %broadcast_in_dim3A_131 = vector.broadcast %squeeze3A_130 : f32 to vector<16xf32>
        %get3A_132 = arith.index_cast %scan3A_72 : i32 to index
        %get3A_133 = arith.constant 64 : index
        %get3A_134 = tpu.vector_load %arg10[%get3A_132, %get3A_133] {strides = array<i32>} : memref<80x256xf32, #tpu.memory_space<vmem>>, vector<1x16xf32>,
        %get3A_135 = vector.shape_cast %get3A_134 : vector<1x16xf32> to vector<16xf32>
        %mul3A_136 = arith.mulf %get3A_135, %broadcast_in_dim3A_131 : vector<16xf32>
        %swap3A_137 = arith.index_cast %scan3A_72 : i32 to index
        %swap3A_138 = arith.constant 64 : index
        %swap3A_139 = tpu.vector_load %arg11[%swap3A_137, %swap3A_138] {strides = array<i32>} : memref<80x128xf32, #tpu.memory_space<vmem>>, vector<1x16xf32>,
        %swap3A_140 = vector.shape_cast %swap3A_139 : vector<1x16xf32> to vector<16xf32>
        %swap3A_141 = vector.shape_cast %mul3A_136 : vector<16xf32> to vector<1x16xf32>
        tpu.vector_store %arg11[%swap3A_137, %swap3A_138], %swap3A_141 {strides = array<i32>} : memref<80x128xf32, #tpu.memory_space<vmem>>, vector<1x16xf32>,
        %get3A_142 = arith.index_cast %scan3A_72 : i32 to index
        %get3A_143 = arith.constant 80 : index
        %get3A_144 = tpu.vector_load %arg10[%get3A_142, %get3A_143] {strides = array<i32>} : memref<80x256xf32, #tpu.memory_space<vmem>>, vector<1x16xf32>,
        %get3A_145 = vector.shape_cast %get3A_144 : vector<1x16xf32> to vector<16xf32>
        %mul3A_146 = arith.mulf %get3A_145, %broadcast_in_dim3A_131 : vector<16xf32>
        %swap3A_147 = arith.index_cast %scan3A_72 : i32 to index
        %swap3A_148 = arith.constant 80 : index
        %swap3A_149 = tpu.vector_load %arg11[%swap3A_147, %swap3A_148] {strides = array<i32>} : memref<80x128xf32, #tpu.memory_space<vmem>>, vector<1x16xf32>,
        %swap3A_150 = vector.shape_cast %swap3A_149 : vector<1x16xf32> to vector<16xf32>
        %swap3A_151 = vector.shape_cast %mul3A_146 : vector<16xf32> to vector<1x16xf32>
        tpu.vector_store %arg11[%swap3A_147, %swap3A_148], %swap3A_151 {strides = array<i32>} : memref<80x128xf32, #tpu.memory_space<vmem>>, vector<1x16xf32>,
        %slice3A_152 = vector.extract_strided_slice %select_n3A {offsets = [3], sizes = [1], strides = [1]} : vector<16xf32> to vector<1xf32>
        %squeeze3A_153 = vector.extract %slice3A_152[0] : f32 from vector<1xf32>
        %broadcast_in_dim3A_154 = vector.broadcast %squeeze3A_153 : f32 to vector<16xf32>
        %get3A_155 = arith.index_cast %scan3A_72 : i32 to index
        %get3A_156 = arith.constant 96 : index
        %get3A_157 = tpu.vector_load %arg10[%get3A_155, %get3A_156] {strides = array<i32>} : memref<80x256xf32, #tpu.memory_space<vmem>>, vector<1x16xf32>,
        %get3A_158 = vector.shape_cast %get3A_157 : vector<1x16xf32> to vector<16xf32>
        %mul3A_159 = arith.mulf %get3A_158, %broadcast_in_dim3A_154 : vector<16xf32>
        %swap3A_160 = arith.index_cast %scan3A_72 : i32 to index
        %swap3A_161 = arith.constant 96 : index
        %swap3A_162 = tpu.vector_load %arg11[%swap3A_160, %swap3A_161] {strides = array<i32>} : memref<80x128xf32, #tpu.memory_space<vmem>>, vector<1x16xf32>,
        %swap3A_163 = vector.shape_cast %swap3A_162 : vector<1x16xf32> to vector<16xf32>
        %swap3A_164 = vector.shape_cast %mul3A_159 : vector<16xf32> to vector<1x16xf32>
        tpu.vector_store %arg11[%swap3A_160, %swap3A_161], %swap3A_164 {strides = array<i32>} : memref<80x128xf32, #tpu.memory_space<vmem>>, vector<1x16xf32>,
        %get3A_165 = arith.index_cast %scan3A_72 : i32 to index
        %get3A_166 = arith.constant 112 : index
        %get3A_167 = tpu.vector_load %arg10[%get3A_165, %get3A_166] {strides = array<i32>} : memref<80x256xf32, #tpu.memory_space<vmem>>, vector<1x16xf32>,
        %get3A_168 = vector.shape_cast %get3A_167 : vector<1x16xf32> to vector<16xf32>
        %mul3A_169 = arith.mulf %get3A_168, %broadcast_in_dim3A_154 : vector<16xf32>
        %swap3A_170 = arith.index_cast %scan3A_72 : i32 to index
        %swap3A_171 = arith.constant 112 : index
        %swap3A_172 = tpu.vector_load %arg11[%swap3A_170, %swap3A_171] {strides = array<i32>} : memref<80x128xf32, #tpu.memory_space<vmem>>, vector<1x16xf32>,
        %swap3A_173 = vector.shape_cast %swap3A_172 : vector<1x16xf32> to vector<16xf32>
        %swap3A_174 = vector.shape_cast %mul3A_169 : vector<16xf32> to vector<1x16xf32>
        tpu.vector_store %arg11[%swap3A_170, %swap3A_171], %swap3A_174 {strides = array<i32>} : memref<80x128xf32, #tpu.memory_space<vmem>>, vector<1x16xf32>,
        %scan3A_175 = arith.constant 0 : i32
        scf.yield %scan3A_175 : i32
      }
      %scan3A_70 = arith.constant 80 : i32
      "tpu.region"() ({
        %run_scoped3A = tpu.sem_alloc : memref<!tpu.dma_semaphore, #tpu.memory_space<semaphore_mem>>
        %dma_start3A_72 = arith.constant 0 : i32
        %dma_start3A_73 = tpu.memref_slice %arg6[%add3A_59, %dma_start3A_72] : memref<320000x16xf32, #tpu.memory_space<hbm>> -> memref<80x16xf32, #tpu.memory_space<hbm>>
        %dma_start3A_74 = arith.constant 0 : i32
        %dma_start3A_75 = tpu.memref_slice %arg6[%add3A_59, %dma_start3A_74] : memref<320000x16xf32, #tpu.memory_space<hbm>> -> memref<80x16xf32, #tpu.memory_space<hbm>>
        tpu.enqueue_dma source(%arg12 : memref<80x16xf32, #tpu.memory_space<vmem>>) target(%dma_start3A_75 : memref<80x16xf32, #tpu.memory_space<hbm>>) target_semaphore(%run_scoped3A : memref<!tpu.dma_semaphore, #tpu.memory_space<semaphore_mem>>)
        %dma_wait3A_76 = arith.constant 0 : i32
        %dma_wait3A_77 = tpu.memref_slice %arg6[%add3A_59, %dma_wait3A_76] : memref<320000x16xf32, #tpu.memory_space<hbm>> -> memref<80x16xf32, #tpu.memory_space<hbm>>
        %dma_wait3A_78 = arith.constant 0 : i32
        %dma_wait3A_79 = tpu.memref_slice %arg6[%add3A_59, %dma_wait3A_78] : memref<320000x16xf32, #tpu.memory_space<hbm>> -> memref<80x16xf32, #tpu.memory_space<hbm>>
        tpu.wait_dma2 semaphore(%run_scoped3A : memref<!tpu.dma_semaphore, #tpu.memory_space<semaphore_mem>>) src(%arg12 : memref<80x16xf32, #tpu.memory_space<vmem>>) dst(%dma_wait3A_79 : memref<80x16xf32, #tpu.memory_space<hbm>>)
        tpu.yield
      }) : () -> ()
      "tpu.region"() ({
        %run_scoped3A = tpu.sem_alloc : memref<!tpu.dma_semaphore, #tpu.memory_space<semaphore_mem>>
        %dma_start3A_72 = arith.constant 0 : i32
        %dma_start3A_73 = arith.constant 0 : i32
        %dma_start3A_74 = tpu.memref_slice %arg13[%dma_start3A_72, %dma_start3A_73] : memref<10112x128xf32, #tpu.memory_space<vmem_shared>> -> memref<10112x128xf32, #tpu.memory_space<vmem_shared>>
        tpu.enqueue_indirect_dma source(%arg11 : memref<80x128xf32, #tpu.memory_space<vmem>>) target(%dma_start3A_74 : memref<10112x128xf32, #tpu.memory_space<vmem_shared>>) offsets(%arg9 : memref<80xi32, #tpu.memory_space<vmem>>) semaphore(%run_scoped3A : memref<!tpu.dma_semaphore, #tpu.memory_space<semaphore_mem>>) {add = true}
        %dma_wait3A_75 = arith.constant 0 : i32
        %dma_wait3A_76 = arith.constant 0 : i32
        %dma_wait3A_77 = tpu.memref_slice %arg13[%dma_wait3A_75, %dma_wait3A_76] : memref<10112x128xf32, #tpu.memory_space<vmem_shared>> -> memref<10112x128xf32, #tpu.memory_space<vmem_shared>>
        tpu.wait_indirect_dma semaphore(%run_scoped3A : memref<!tpu.dma_semaphore, #tpu.memory_space<semaphore_mem>>) src(%arg11 : memref<80x128xf32, #tpu.memory_space<vmem>>) dst(%dma_wait3A_77 : memref<10112x128xf32, #tpu.memory_space<vmem_shared>>)
        tpu.yield
      }) : () -> ()
      %scan3A_71 = arith.constant 0 : i32
      scf.yield %scan3A_71 : i32
    }
    %scan3A_47 = arith.constant 125 : i32
    %barrier3A_48 = arith.constant 0 : index
    tpu.barrier barrier_id(%barrier3A_48)
    %mul3A_49 = arith.constant 632 : i32
    %mul3A_50 = arith.muli %arg1, %mul3A_49 : i32
    %mul3A_51 = arith.constant 632 : i32
    %mul3A_52 = arith.muli %arg1, %mul3A_51 : i32
    "tpu.region"() ({
      %run_scoped3A = tpu.sem_alloc : memref<!tpu.dma_semaphore, #tpu.memory_space<semaphore_mem>>
      %dma_start3A = arith.constant 0 : i32
      %dma_start3A_53 = tpu.memref_slice %arg7[%arg0, %mul3A_52, %dma_start3A] : memref<2x10112x128xf32, #tpu.memory_space<hbm>> -> memref<1x632x128xf32, #tpu.memory_space<hbm>>
      %dma_start3A_54 = tpu.memref_squeeze %dma_start3A_53 : memref<1x632x128xf32, #tpu.memory_space<hbm>> -> memref<632x128xf32, #tpu.memory_space<hbm>>
      %dma_start3A_55 = arith.constant 0 : i32
      %dma_start3A_56 = tpu.memref_slice %arg13[%mul3A_50, %dma_start3A_55] : memref<10112x128xf32, #tpu.memory_space<vmem_shared>> -> memref<632x128xf32, #tpu.memory_space<vmem_shared>>
      tpu.enqueue_dma source(%dma_start3A_56 : memref<632x128xf32, #tpu.memory_space<vmem_shared>>) target(%dma_start3A_54 : memref<632x128xf32, #tpu.memory_space<hbm>>) target_semaphore(%run_scoped3A : memref<!tpu.dma_semaphore, #tpu.memory_space<semaphore_mem>>)
      %dma_wait3A = arith.constant 0 : i32
      %dma_wait3A_57 = tpu.memref_slice %arg7[%arg0, %mul3A_52, %dma_wait3A] : memref<2x10112x128xf32, #tpu.memory_space<hbm>> -> memref<1x632x128xf32, #tpu.memory_space<hbm>>
      %dma_wait3A_58 = tpu.memref_squeeze %dma_wait3A_57 : memref<1x632x128xf32, #tpu.memory_space<hbm>> -> memref<632x128xf32, #tpu.memory_space<hbm>>
      %dma_wait3A_59 = arith.constant 0 : i32
      %dma_wait3A_60 = tpu.memref_slice %arg13[%mul3A_50, %dma_wait3A_59] : memref<10112x128xf32, #tpu.memory_space<vmem_shared>> -> memref<632x128xf32, #tpu.memory_space<vmem_shared>>
      tpu.wait_dma2 semaphore(%run_scoped3A : memref<!tpu.dma_semaphore, #tpu.memory_space<semaphore_mem>>) src(%dma_wait3A_60 : memref<632x128xf32, #tpu.memory_space<vmem_shared>>) dst(%dma_wait3A_58 : memref<632x128xf32, #tpu.memory_space<hbm>>)
      tpu.yield
    }) : () -> ()
    return
  }
}

module attributes {stable_mosaic.version = 14 : i64} {
  func.func @_edge_kernel_body_wrapper(%arg0: i32, %arg1: memref<8000x16xf32, #tpu.memory_space<vmem>>, %arg2: memref<16x128xf32, #tpu.memory_space<vmem>>, %arg3: memref<1x128xf32, #tpu.memory_space<vmem>>, %arg4: memref<128x128xf32, #tpu.memory_space<vmem>>, %arg5: memref<1x128xf32, #tpu.memory_space<vmem>>, %arg6: memref<128x16xf32, #tpu.memory_space<vmem>>, %arg7: memref<1x16xf32, #tpu.memory_space<vmem>>, %arg8: memref<8000x16xf32, #tpu.memory_space<vmem>>) attributes {dimension_semantics = [#tpu.dimension_semantics<arbitrary>], iteration_bounds = array<i64: 40>, scalar_prefetch = 0 : i64, scratch_operands = 0 : i64, tpu.core_type = #tpu.core_type<tc>, window_params = [{transform_indices = @transform_0, window_bounds = array<i64: 8000, 16>}, {pipeline_mode = #tpu.pipeline_mode<synchronous>, transform_indices = @transform_1, window_bounds = array<i64: 16, 128>}, {pipeline_mode = #tpu.pipeline_mode<synchronous>, transform_indices = @transform_2, window_bounds = array<i64: 1, 128>}, {pipeline_mode = #tpu.pipeline_mode<synchronous>, transform_indices = @transform_3, window_bounds = array<i64: 128, 128>}, {pipeline_mode = #tpu.pipeline_mode<synchronous>, transform_indices = @transform_4, window_bounds = array<i64: 1, 128>}, {pipeline_mode = #tpu.pipeline_mode<synchronous>, transform_indices = @transform_5, window_bounds = array<i64: 128, 16>}, {pipeline_mode = #tpu.pipeline_mode<synchronous>, transform_indices = @transform_6, window_bounds = array<i64: 1, 16>}, {transform_indices = @transform_7, window_bounds = array<i64: 8000, 16>}]} {
    %get3A = arith.constant 0 : index
    %get3A_0 = arith.constant 0 : index
    %get3A_1 = vector.load %arg4[%get3A, %get3A_0] : memref<128x128xf32, #tpu.memory_space<vmem>>, vector<128x128xf32>
    %get3A_2 = arith.constant 0 : index
    %get3A_3 = arith.constant 0 : index
    %get3A_4 = vector.load %arg6[%get3A_2, %get3A_3] : memref<128x16xf32, #tpu.memory_space<vmem>>, vector<128x16xf32>
    %dot_general3A = arith.constant dense<0.000000e+00> : vector<128x16xf32>
    %dot_general3A_5 = tpu.matmul %get3A_1, %get3A_4, %dot_general3A {dimension_numbers = #tpu.dot_dimension_numbers<[1], [0], [0], [1], [0, 0, 1, 1], [], []>, transpose_lhs_hint = false} : vector<128x128xf32>, vector<128x16xf32>, vector<128x16xf32> -> vector<128x16xf32>
    %get3A_6 = arith.constant 0 : index
    %get3A_7 = arith.constant 0 : index
    %get3A_8 = vector.load %arg5[%get3A_6, %get3A_7] : memref<1x128xf32, #tpu.memory_space<vmem>>, vector<1x128xf32>
    %get3A_9 = arith.constant 0 : index
    %get3A_10 = arith.constant 0 : index
    %get3A_11 = vector.load %arg6[%get3A_9, %get3A_10] : memref<128x16xf32, #tpu.memory_space<vmem>>, vector<128x16xf32>
    %dot_general3A_12 = arith.constant dense<0.000000e+00> : vector<1x16xf32>
    %dot_general3A_13 = tpu.matmul %get3A_8, %get3A_11, %dot_general3A_12 {dimension_numbers = #tpu.dot_dimension_numbers<[1], [0], [0], [1], [0, 0, 1, 1], [], []>, transpose_lhs_hint = false} : vector<1x128xf32>, vector<128x16xf32>, vector<1x16xf32> -> vector<1x16xf32>
    %get3A_14 = arith.constant 0 : index
    %get3A_15 = arith.constant 0 : index
    %get3A_16 = vector.load %arg7[%get3A_14, %get3A_15] : memref<1x16xf32, #tpu.memory_space<vmem>>, vector<1x16xf32>
    %add3A = arith.addf %dot_general3A_13, %get3A_16 : vector<1x16xf32>
    %get3A_17 = arith.constant 0 : index
    %get3A_18 = arith.constant 0 : index
    %get3A_19 = vector.load %arg1[%get3A_17, %get3A_18] : memref<8000x16xf32, #tpu.memory_space<vmem>>, vector<8000x16xf32>
    %get3A_20 = arith.constant 0 : index
    %get3A_21 = arith.constant 0 : index
    %get3A_22 = vector.load %arg2[%get3A_20, %get3A_21] : memref<16x128xf32, #tpu.memory_space<vmem>>, vector<16x128xf32>
    %dot_general3A_23 = arith.constant dense<0.000000e+00> : vector<8000x128xf32>
    %dot_general3A_24 = tpu.matmul %get3A_19, %get3A_22, %dot_general3A_23 {dimension_numbers = #tpu.dot_dimension_numbers<[1], [0], [0], [1], [0, 0, 1, 1], [], []>, transpose_lhs_hint = false} : vector<8000x16xf32>, vector<16x128xf32>, vector<8000x128xf32> -> vector<8000x128xf32>
    %get3A_25 = arith.constant 0 : index
    %get3A_26 = arith.constant 0 : index
    %get3A_27 = vector.load %arg3[%get3A_25, %get3A_26] : memref<1x128xf32, #tpu.memory_space<vmem>>, vector<1x128xf32>
    %add3A_28 = vector.broadcast %get3A_27 : vector<1x128xf32> to vector<8000x128xf32>
    %add3A_29 = arith.addf %dot_general3A_24, %add3A_28 : vector<8000x128xf32>
    %max3A = arith.constant 0.000000e+00 : f32
    %max3A_30 = vector.broadcast %max3A : f32 to vector<8000x128xf32>
    %max3A_31 = arith.maximumf %add3A_29, %max3A_30 : vector<8000x128xf32>
    %dot_general3A_32 = arith.constant dense<0.000000e+00> : vector<8000x16xf32>
    %dot_general3A_33 = tpu.matmul %max3A_31, %dot_general3A_5, %dot_general3A_32 {dimension_numbers = #tpu.dot_dimension_numbers<[1], [0], [0], [1], [0, 0, 1, 1], [], []>, transpose_lhs_hint = false} : vector<8000x128xf32>, vector<128x16xf32>, vector<8000x16xf32> -> vector<8000x16xf32>
    %add3A_34 = vector.broadcast %add3A : vector<1x16xf32> to vector<8000x16xf32>
    %add3A_35 = arith.addf %dot_general3A_33, %add3A_34 : vector<8000x16xf32>
    %swap3A = arith.constant 0 : index
    %swap3A_36 = arith.constant 0 : index
    %swap3A_37 = vector.load %arg8[%swap3A, %swap3A_36] : memref<8000x16xf32, #tpu.memory_space<vmem>>, vector<8000x16xf32>
    tpu.vector_store %arg8[%swap3A, %swap3A_36], %add3A_35 {strides = array<i32>} : memref<8000x16xf32, #tpu.memory_space<vmem>>, vector<8000x16xf32>,
    return
  }
  func.func @transform_0(%arg0: i32) -> (i32, i32) {
    %c0_i32 = arith.constant 0 : i32
    %c0_i32_0 = arith.constant 0 : i32
    return %arg0, %c0_i32 : i32, i32
  }
  func.func @transform_1(%arg0: i32) -> (i32, i32) {
    %c0_i32 = arith.constant 0 : i32
    %c0_i32_0 = arith.constant 0 : i32
    %c0_i32_1 = arith.constant 0 : i32
    return %c0_i32, %c0_i32_0 : i32, i32
  }
  func.func @transform_2(%arg0: i32) -> (i32, i32) {
    %c0_i32 = arith.constant 0 : i32
    %c0_i32_0 = arith.constant 0 : i32
    %c0_i32_1 = arith.constant 0 : i32
    return %c0_i32, %c0_i32_0 : i32, i32
  }
  func.func @transform_3(%arg0: i32) -> (i32, i32) {
    %c0_i32 = arith.constant 0 : i32
    %c0_i32_0 = arith.constant 0 : i32
    %c0_i32_1 = arith.constant 0 : i32
    return %c0_i32, %c0_i32_0 : i32, i32
  }
  func.func @transform_4(%arg0: i32) -> (i32, i32) {
    %c0_i32 = arith.constant 0 : i32
    %c0_i32_0 = arith.constant 0 : i32
    %c0_i32_1 = arith.constant 0 : i32
    return %c0_i32, %c0_i32_0 : i32, i32
  }
  func.func @transform_5(%arg0: i32) -> (i32, i32) {
    %c0_i32 = arith.constant 0 : i32
    %c0_i32_0 = arith.constant 0 : i32
    %c0_i32_1 = arith.constant 0 : i32
    return %c0_i32, %c0_i32_0 : i32, i32
  }
  func.func @transform_6(%arg0: i32) -> (i32, i32) {
    %c0_i32 = arith.constant 0 : i32
    %c0_i32_0 = arith.constant 0 : i32
    %c0_i32_1 = arith.constant 0 : i32
    return %c0_i32, %c0_i32_0 : i32, i32
  }
  func.func @transform_7(%arg0: i32) -> (i32, i32) {
    %c0_i32 = arith.constant 0 : i32
    %c0_i32_0 = arith.constant 0 : i32
    return %arg0, %c0_i32 : i32, i32
  }
}

module attributes {stable_mosaic.version = 14 : i64} {
  func.func @_node_body(%arg0: i32, %arg1: memref<2000x128xf32, #tpu.memory_space<vmem>>, %arg2: memref<128x128xf32, #tpu.memory_space<vmem>>, %arg3: memref<1x128xf32, #tpu.memory_space<vmem>>, %arg4: memref<128x128xf32, #tpu.memory_space<vmem>>, %arg5: memref<1x128xf32, #tpu.memory_space<vmem>>, %arg6: memref<128x128xf32, #tpu.memory_space<vmem>>, %arg7: memref<1x128xf32, #tpu.memory_space<vmem>>, %arg8: memref<128x128xf32, #tpu.memory_space<vmem>>, %arg9: memref<1x128xf32, #tpu.memory_space<vmem>>, %arg10: memref<128x128xf32, #tpu.memory_space<vmem>>, %arg11: memref<1x128xf32, #tpu.memory_space<vmem>>, %arg12: memref<2000x128xf32, #tpu.memory_space<vmem>>, %arg13: memref<2000x128xf32, #tpu.memory_space<vmem>>, %arg14: memref<2000x128xf32, #tpu.memory_space<vmem>>, %arg15: memref<2000x128xf32, #tpu.memory_space<vmem>>) attributes {dimension_semantics = [#tpu.dimension_semantics<arbitrary>], iteration_bounds = array<i64: 5>, scalar_prefetch = 0 : i64, scratch_operands = 0 : i64, tpu.core_type = #tpu.core_type<tc>, window_params = [{transform_indices = @transform_0, window_bounds = array<i64: 2000, 128>}, {pipeline_mode = #tpu.pipeline_mode<synchronous>, transform_indices = @transform_1, window_bounds = array<i64: 128, 128>}, {pipeline_mode = #tpu.pipeline_mode<synchronous>, transform_indices = @transform_2, window_bounds = array<i64: 1, 128>}, {pipeline_mode = #tpu.pipeline_mode<synchronous>, transform_indices = @transform_3, window_bounds = array<i64: 128, 128>}, {pipeline_mode = #tpu.pipeline_mode<synchronous>, transform_indices = @transform_4, window_bounds = array<i64: 1, 128>}, {pipeline_mode = #tpu.pipeline_mode<synchronous>, transform_indices = @transform_5, window_bounds = array<i64: 128, 128>}, {pipeline_mode = #tpu.pipeline_mode<synchronous>, transform_indices = @transform_6, window_bounds = array<i64: 1, 128>}, {pipeline_mode = #tpu.pipeline_mode<synchronous>, transform_indices = @transform_7, window_bounds = array<i64: 128, 128>}, {pipeline_mode = #tpu.pipeline_mode<synchronous>, transform_indices = @transform_8, window_bounds = array<i64: 1, 128>}, {pipeline_mode = #tpu.pipeline_mode<synchronous>, transform_indices = @transform_9, window_bounds = array<i64: 128, 128>}, {pipeline_mode = #tpu.pipeline_mode<synchronous>, transform_indices = @transform_10, window_bounds = array<i64: 1, 128>}, {transform_indices = @transform_11, window_bounds = array<i64: 2000, 128>}, {transform_indices = @transform_12, window_bounds = array<i64: 2000, 128>}, {transform_indices = @transform_13, window_bounds = array<i64: 2000, 128>}, {transform_indices = @transform_14, window_bounds = array<i64: 2000, 128>}]} {
    %get3A = arith.constant 0 : index
    %get3A_0 = arith.constant 0 : index
    %get3A_1 = vector.load %arg1[%get3A, %get3A_0] : memref<2000x128xf32, #tpu.memory_space<vmem>>, vector<2000x128xf32>
    %get3A_2 = arith.constant 0 : index
    %get3A_3 = arith.constant 0 : index
    %get3A_4 = vector.load %arg2[%get3A_2, %get3A_3] : memref<128x128xf32, #tpu.memory_space<vmem>>, vector<128x128xf32>
    %dot_general3A = arith.constant dense<0.000000e+00> : vector<2000x128xf32>
    %dot_general3A_5 = tpu.matmul %get3A_1, %get3A_4, %dot_general3A {dimension_numbers = #tpu.dot_dimension_numbers<[1], [0], [0], [1], [0, 0, 1, 1], [], []>, transpose_lhs_hint = false} : vector<2000x128xf32>, vector<128x128xf32>, vector<2000x128xf32> -> vector<2000x128xf32>
    %get3A_6 = arith.constant 0 : index
    %get3A_7 = arith.constant 0 : index
    %get3A_8 = vector.load %arg3[%get3A_6, %get3A_7] : memref<1x128xf32, #tpu.memory_space<vmem>>, vector<1x128xf32>
    %add3A = vector.broadcast %get3A_8 : vector<1x128xf32> to vector<2000x128xf32>
    %add3A_9 = arith.addf %dot_general3A_5, %add3A : vector<2000x128xf32>
    %max3A = arith.constant 0.000000e+00 : f32
    %max3A_10 = vector.broadcast %max3A : f32 to vector<2000x128xf32>
    %max3A_11 = arith.maximumf %add3A_9, %max3A_10 : vector<2000x128xf32>
    %get3A_12 = arith.constant 0 : index
    %get3A_13 = arith.constant 0 : index
    %get3A_14 = vector.load %arg4[%get3A_12, %get3A_13] : memref<128x128xf32, #tpu.memory_space<vmem>>, vector<128x128xf32>
    %dot_general3A_15 = arith.constant dense<0.000000e+00> : vector<2000x128xf32>
    %dot_general3A_16 = tpu.matmul %max3A_11, %get3A_14, %dot_general3A_15 {dimension_numbers = #tpu.dot_dimension_numbers<[1], [0], [0], [1], [0, 0, 1, 1], [], []>, transpose_lhs_hint = false} : vector<2000x128xf32>, vector<128x128xf32>, vector<2000x128xf32> -> vector<2000x128xf32>
    %get3A_17 = arith.constant 0 : index
    %get3A_18 = arith.constant 0 : index
    %get3A_19 = vector.load %arg5[%get3A_17, %get3A_18] : memref<1x128xf32, #tpu.memory_space<vmem>>, vector<1x128xf32>
    %add3A_20 = vector.broadcast %get3A_19 : vector<1x128xf32> to vector<2000x128xf32>
    %add3A_21 = arith.addf %dot_general3A_16, %add3A_20 : vector<2000x128xf32>
    %swap3A = arith.constant 0 : index
    %swap3A_22 = arith.constant 0 : index
    %swap3A_23 = vector.load %arg12[%swap3A, %swap3A_22] : memref<2000x128xf32, #tpu.memory_space<vmem>>, vector<2000x128xf32>
    tpu.vector_store %arg12[%swap3A, %swap3A_22], %add3A_21 {strides = array<i32>} : memref<2000x128xf32, #tpu.memory_space<vmem>>, vector<2000x128xf32>,
    %get3A_24 = arith.constant 0 : index
    %get3A_25 = arith.constant 0 : index
    %get3A_26 = vector.load %arg6[%get3A_24, %get3A_25] : memref<128x128xf32, #tpu.memory_space<vmem>>, vector<128x128xf32>
    %dot_general3A_27 = arith.constant dense<0.000000e+00> : vector<2000x128xf32>
    %dot_general3A_28 = tpu.matmul %add3A_21, %get3A_26, %dot_general3A_27 {dimension_numbers = #tpu.dot_dimension_numbers<[1], [0], [0], [1], [0, 0, 1, 1], [], []>, transpose_lhs_hint = false} : vector<2000x128xf32>, vector<128x128xf32>, vector<2000x128xf32> -> vector<2000x128xf32>
    %get3A_29 = arith.constant 0 : index
    %get3A_30 = arith.constant 0 : index
    %get3A_31 = vector.load %arg7[%get3A_29, %get3A_30] : memref<1x128xf32, #tpu.memory_space<vmem>>, vector<1x128xf32>
    %add3A_32 = vector.broadcast %get3A_31 : vector<1x128xf32> to vector<2000x128xf32>
    %add3A_33 = arith.addf %dot_general3A_28, %add3A_32 : vector<2000x128xf32>
    %swap3A_34 = arith.constant 0 : index
    %swap3A_35 = arith.constant 0 : index
    %swap3A_36 = vector.load %arg13[%swap3A_34, %swap3A_35] : memref<2000x128xf32, #tpu.memory_space<vmem>>, vector<2000x128xf32>
    tpu.vector_store %arg13[%swap3A_34, %swap3A_35], %add3A_33 {strides = array<i32>} : memref<2000x128xf32, #tpu.memory_space<vmem>>, vector<2000x128xf32>,
    %get3A_37 = arith.constant 0 : index
    %get3A_38 = arith.constant 0 : index
    %get3A_39 = vector.load %arg8[%get3A_37, %get3A_38] : memref<128x128xf32, #tpu.memory_space<vmem>>, vector<128x128xf32>
    %dot_general3A_40 = arith.constant dense<0.000000e+00> : vector<2000x128xf32>
    %dot_general3A_41 = tpu.matmul %add3A_21, %get3A_39, %dot_general3A_40 {dimension_numbers = #tpu.dot_dimension_numbers<[1], [0], [0], [1], [0, 0, 1, 1], [], []>, transpose_lhs_hint = false} : vector<2000x128xf32>, vector<128x128xf32>, vector<2000x128xf32> -> vector<2000x128xf32>
    %get3A_42 = arith.constant 0 : index
    %get3A_43 = arith.constant 0 : index
    %get3A_44 = vector.load %arg9[%get3A_42, %get3A_43] : memref<1x128xf32, #tpu.memory_space<vmem>>, vector<1x128xf32>
    %add3A_45 = vector.broadcast %get3A_44 : vector<1x128xf32> to vector<2000x128xf32>
    %add3A_46 = arith.addf %dot_general3A_41, %add3A_45 : vector<2000x128xf32>
    %swap3A_47 = arith.constant 0 : index
    %swap3A_48 = arith.constant 0 : index
    %swap3A_49 = vector.load %arg14[%swap3A_47, %swap3A_48] : memref<2000x128xf32, #tpu.memory_space<vmem>>, vector<2000x128xf32>
    tpu.vector_store %arg14[%swap3A_47, %swap3A_48], %add3A_46 {strides = array<i32>} : memref<2000x128xf32, #tpu.memory_space<vmem>>, vector<2000x128xf32>,
    %get3A_50 = arith.constant 0 : index
    %get3A_51 = arith.constant 0 : index
    %get3A_52 = vector.load %arg10[%get3A_50, %get3A_51] : memref<128x128xf32, #tpu.memory_space<vmem>>, vector<128x128xf32>
    %dot_general3A_53 = arith.constant dense<0.000000e+00> : vector<2000x128xf32>
    %dot_general3A_54 = tpu.matmul %add3A_21, %get3A_52, %dot_general3A_53 {dimension_numbers = #tpu.dot_dimension_numbers<[1], [0], [0], [1], [0, 0, 1, 1], [], []>, transpose_lhs_hint = false} : vector<2000x128xf32>, vector<128x128xf32>, vector<2000x128xf32> -> vector<2000x128xf32>
    %get3A_55 = arith.constant 0 : index
    %get3A_56 = arith.constant 0 : index
    %get3A_57 = vector.load %arg11[%get3A_55, %get3A_56] : memref<1x128xf32, #tpu.memory_space<vmem>>, vector<1x128xf32>
    %add3A_58 = vector.broadcast %get3A_57 : vector<1x128xf32> to vector<2000x128xf32>
    %add3A_59 = arith.addf %dot_general3A_54, %add3A_58 : vector<2000x128xf32>
    %swap3A_60 = arith.constant 0 : index
    %swap3A_61 = arith.constant 0 : index
    %swap3A_62 = vector.load %arg15[%swap3A_60, %swap3A_61] : memref<2000x128xf32, #tpu.memory_space<vmem>>, vector<2000x128xf32>
    tpu.vector_store %arg15[%swap3A_60, %swap3A_61], %add3A_59 {strides = array<i32>} : memref<2000x128xf32, #tpu.memory_space<vmem>>, vector<2000x128xf32>,
    return
  }
  func.func @transform_0(%arg0: i32) -> (i32, i32) {
    %c0_i32 = arith.constant 0 : i32
    %c0_i32_0 = arith.constant 0 : i32
    return %arg0, %c0_i32 : i32, i32
  }
  func.func @transform_1(%arg0: i32) -> (i32, i32) {
    %c0_i32 = arith.constant 0 : i32
    %c0_i32_0 = arith.constant 0 : i32
    %c0_i32_1 = arith.constant 0 : i32
    return %c0_i32, %c0_i32_0 : i32, i32
  }
  func.func @transform_2(%arg0: i32) -> (i32, i32) {
    %c0_i32 = arith.constant 0 : i32
    %c0_i32_0 = arith.constant 0 : i32
    %c0_i32_1 = arith.constant 0 : i32
    return %c0_i32, %c0_i32_0 : i32, i32
  }
  func.func @transform_3(%arg0: i32) -> (i32, i32) {
    %c0_i32 = arith.constant 0 : i32
    %c0_i32_0 = arith.constant 0 : i32
    %c0_i32_1 = arith.constant 0 : i32
    return %c0_i32, %c0_i32_0 : i32, i32
  }
  func.func @transform_4(%arg0: i32) -> (i32, i32) {
    %c0_i32 = arith.constant 0 : i32
    %c0_i32_0 = arith.constant 0 : i32
    %c0_i32_1 = arith.constant 0 : i32
    return %c0_i32, %c0_i32_0 : i32, i32
  }
  func.func @transform_5(%arg0: i32) -> (i32, i32) {
    %c0_i32 = arith.constant 0 : i32
    %c0_i32_0 = arith.constant 0 : i32
    %c0_i32_1 = arith.constant 0 : i32
    return %c0_i32, %c0_i32_0 : i32, i32
  }
  func.func @transform_6(%arg0: i32) -> (i32, i32) {
    %c0_i32 = arith.constant 0 : i32
    %c0_i32_0 = arith.constant 0 : i32
    %c0_i32_1 = arith.constant 0 : i32
    return %c0_i32, %c0_i32_0 : i32, i32
  }
  func.func @transform_7(%arg0: i32) -> (i32, i32) {
    %c0_i32 = arith.constant 0 : i32
    %c0_i32_0 = arith.constant 0 : i32
    %c0_i32_1 = arith.constant 0 : i32
    return %c0_i32, %c0_i32_0 : i32, i32
  }
  func.func @transform_8(%arg0: i32) -> (i32, i32) {
    %c0_i32 = arith.constant 0 : i32
    %c0_i32_0 = arith.constant 0 : i32
    %c0_i32_1 = arith.constant 0 : i32
    return %c0_i32, %c0_i32_0 : i32, i32
  }
  func.func @transform_9(%arg0: i32) -> (i32, i32) {
    %c0_i32 = arith.constant 0 : i32
    %c0_i32_0 = arith.constant 0 : i32
    %c0_i32_1 = arith.constant 0 : i32
    return %c0_i32, %c0_i32_0 : i32, i32
  }
  func.func @transform_10(%arg0: i32) -> (i32, i32) {
    %c0_i32 = arith.constant 0 : i32
    %c0_i32_0 = arith.constant 0 : i32
    %c0_i32_1 = arith.constant 0 : i32
    return %c0_i32, %c0_i32_0 : i32, i32
  }
  func.func @transform_11(%arg0: i32) -> (i32, i32) {
    %c0_i32 = arith.constant 0 : i32
    %c0_i32_0 = arith.constant 0 : i32
    return %arg0, %c0_i32 : i32, i32
  }
  func.func @transform_12(%arg0: i32) -> (i32, i32) {
    %c0_i32 = arith.constant 0 : i32
    %c0_i32_0 = arith.constant 0 : i32
    return %arg0, %c0_i32 : i32, i32
  }
  func.func @transform_13(%arg0: i32) -> (i32, i32) {
    %c0_i32 = arith.constant 0 : i32
    %c0_i32_0 = arith.constant 0 : i32
    return %arg0, %c0_i32 : i32, i32
  }
  func.func @transform_14(%arg0: i32) -> (i32, i32) {
    %c0_i32 = arith.constant 0 : i32
    %c0_i32_0 = arith.constant 0 : i32
    return %arg0, %c0_i32 : i32, i32
  }
}

module attributes {stable_mosaic.version = 14 : i64} {
  func.func @_vd_body(%arg0: i32, %arg1: memref<2000x128xf32, #tpu.memory_space<vmem>>, %arg2: memref<2000x128xf32, #tpu.memory_space<vmem>>, %arg3: memref<2000x128xf32, #tpu.memory_space<vmem>>, %arg4: memref<2000x256xf32, #tpu.memory_space<vmem>>) attributes {dimension_semantics = [#tpu.dimension_semantics<arbitrary>], iteration_bounds = array<i64: 5>, scalar_prefetch = 0 : i64, scratch_operands = 0 : i64, tpu.core_type = #tpu.core_type<tc>, window_params = [{transform_indices = @transform_0, window_bounds = array<i64: 2000, 128>}, {transform_indices = @transform_1, window_bounds = array<i64: 2000, 128>}, {transform_indices = @transform_2, window_bounds = array<i64: 2000, 128>}, {transform_indices = @transform_3, window_bounds = array<i64: 2000, 256>}]} {
    %get3A = arith.constant 0 : index
    %get3A_0 = arith.constant 0 : index
    %get3A_1 = vector.load %arg1[%get3A, %get3A_0] : memref<2000x128xf32, #tpu.memory_space<vmem>>, vector<2000x128xf32>
    %swap3A = arith.constant 0 : index
    %swap3A_2 = arith.constant 0 : index
    %swap3A_3 = vector.load %arg4[%swap3A, %swap3A_2] : memref<2000x256xf32, #tpu.memory_space<vmem>>, vector<2000x128xf32>
    tpu.vector_store %arg4[%swap3A, %swap3A_2], %get3A_1 {strides = array<i32>} : memref<2000x256xf32, #tpu.memory_space<vmem>>, vector<2000x128xf32>,
    %get3A_4 = arith.constant 0 : index
    %get3A_5 = arith.constant 0 : index
    %get3A_6 = vector.load %arg2[%get3A_4, %get3A_5] : memref<2000x128xf32, #tpu.memory_space<vmem>>, vector<2000x128xf32>
    %get3A_7 = arith.constant 0 : index
    %get3A_8 = arith.constant 0 : index
    %get3A_9 = vector.load %arg3[%get3A_7, %get3A_8] : memref<2000x128xf32, #tpu.memory_space<vmem>>, vector<2000x128xf32>
    %add3A = arith.addf %get3A_6, %get3A_9 : vector<2000x128xf32>
    %slice3A = vector.extract_strided_slice %add3A {offsets = [0, 0], sizes = [2000, 16], strides = [1, 1]} : vector<2000x128xf32> to vector<2000x16xf32>
    %swap3A_10 = arith.constant 0 : index
    %swap3A_11 = arith.constant 128 : index
    %swap3A_12 = vector.load %arg4[%swap3A_10, %swap3A_11] : memref<2000x256xf32, #tpu.memory_space<vmem>>, vector<2000x16xf32>
    tpu.vector_store %arg4[%swap3A_10, %swap3A_11], %slice3A {strides = array<i32>} : memref<2000x256xf32, #tpu.memory_space<vmem>>, vector<2000x16xf32>,
    %broadcast_in_dim3A = arith.constant 0.000000e+00 : f32
    %broadcast_in_dim3A_13 = vector.broadcast %broadcast_in_dim3A : f32 to vector<2000x112xf32>
    %swap3A_14 = arith.constant 0 : index
    %swap3A_15 = arith.constant 144 : index
    %swap3A_16 = vector.load %arg4[%swap3A_14, %swap3A_15] : memref<2000x256xf32, #tpu.memory_space<vmem>>, vector<2000x112xf32>
    tpu.vector_store %arg4[%swap3A_14, %swap3A_15], %broadcast_in_dim3A_13 {strides = array<i32>} : memref<2000x256xf32, #tpu.memory_space<vmem>>, vector<2000x112xf32>,
    return
  }
  func.func @transform_0(%arg0: i32) -> (i32, i32) {
    %c0_i32 = arith.constant 0 : i32
    %c0_i32_0 = arith.constant 0 : i32
    return %arg0, %c0_i32 : i32, i32
  }
  func.func @transform_1(%arg0: i32) -> (i32, i32) {
    %c0_i32 = arith.constant 0 : i32
    %c0_i32_0 = arith.constant 0 : i32
    return %arg0, %c0_i32 : i32, i32
  }
  func.func @transform_2(%arg0: i32) -> (i32, i32) {
    %c0_i32 = arith.constant 0 : i32
    %c0_i32_0 = arith.constant 0 : i32
    return %arg0, %c0_i32 : i32, i32
  }
  func.func @transform_3(%arg0: i32) -> (i32, i32) {
    %c0_i32 = arith.constant 0 : i32
    %c0_i32_0 = arith.constant 0 : i32
    return %arg0, %c0_i32 : i32, i32
  }
}

module attributes {stable_mosaic.version = 14 : i64} {
  func.func @_final_body(%arg0: i32, %arg1: memref<2000x128xf32, #tpu.memory_space<vmem>>, %arg2: memref<2000x128xf32, #tpu.memory_space<vmem>>, %arg3: memref<2000x128xf32, #tpu.memory_space<vmem>>, %arg4: memref<128x128xf32, #tpu.memory_space<vmem>>, %arg5: memref<1x128xf32, #tpu.memory_space<vmem>>, %arg6: memref<2000x128xf32, #tpu.memory_space<vmem>>) attributes {dimension_semantics = [#tpu.dimension_semantics<arbitrary>], iteration_bounds = array<i64: 5>, scalar_prefetch = 0 : i64, scratch_operands = 0 : i64, tpu.core_type = #tpu.core_type<tc>, window_params = [{transform_indices = @transform_0, window_bounds = array<i64: 2000, 128>}, {transform_indices = @transform_1, window_bounds = array<i64: 2000, 128>}, {transform_indices = @transform_2, window_bounds = array<i64: 2000, 128>}, {pipeline_mode = #tpu.pipeline_mode<synchronous>, transform_indices = @transform_3, window_bounds = array<i64: 128, 128>}, {pipeline_mode = #tpu.pipeline_mode<synchronous>, transform_indices = @transform_4, window_bounds = array<i64: 1, 128>}, {transform_indices = @transform_5, window_bounds = array<i64: 2000, 128>}]} {
    %get3A = arith.constant 0 : index
    %get3A_0 = arith.constant 0 : index
    %get3A_1 = vector.load %arg1[%get3A, %get3A_0] : memref<2000x128xf32, #tpu.memory_space<vmem>>, vector<2000x128xf32>
    %get3A_2 = arith.constant 0 : index
    %get3A_3 = arith.constant 0 : index
    %get3A_4 = vector.load %arg2[%get3A_2, %get3A_3] : memref<2000x128xf32, #tpu.memory_space<vmem>>, vector<2000x128xf32>
    %add3A = arith.addf %get3A_1, %get3A_4 : vector<2000x128xf32>
    %get3A_5 = arith.constant 0 : index
    %get3A_6 = arith.constant 0 : index
    %get3A_7 = vector.load %arg4[%get3A_5, %get3A_6] : memref<128x128xf32, #tpu.memory_space<vmem>>, vector<128x128xf32>
    %dot_general3A = arith.constant dense<0.000000e+00> : vector<2000x128xf32>
    %dot_general3A_8 = tpu.matmul %add3A, %get3A_7, %dot_general3A {dimension_numbers = #tpu.dot_dimension_numbers<[1], [0], [0], [1], [0, 0, 1, 1], [], []>, transpose_lhs_hint = false} : vector<2000x128xf32>, vector<128x128xf32>, vector<2000x128xf32> -> vector<2000x128xf32>
    %get3A_9 = arith.constant 0 : index
    %get3A_10 = arith.constant 0 : index
    %get3A_11 = vector.load %arg5[%get3A_9, %get3A_10] : memref<1x128xf32, #tpu.memory_space<vmem>>, vector<1x128xf32>
    %add3A_12 = vector.broadcast %get3A_11 : vector<1x128xf32> to vector<2000x128xf32>
    %add3A_13 = arith.addf %dot_general3A_8, %add3A_12 : vector<2000x128xf32>
    %get3A_14 = arith.constant 0 : index
    %get3A_15 = arith.constant 0 : index
    %get3A_16 = vector.load %arg3[%get3A_14, %get3A_15] : memref<2000x128xf32, #tpu.memory_space<vmem>>, vector<2000x128xf32>
    %add3A_17 = arith.addf %add3A_13, %get3A_16 : vector<2000x128xf32>
    %swap3A = arith.constant 0 : index
    %swap3A_18 = arith.constant 0 : index
    %swap3A_19 = vector.load %arg6[%swap3A, %swap3A_18] : memref<2000x128xf32, #tpu.memory_space<vmem>>, vector<2000x128xf32>
    tpu.vector_store %arg6[%swap3A, %swap3A_18], %add3A_17 {strides = array<i32>} : memref<2000x128xf32, #tpu.memory_space<vmem>>, vector<2000x128xf32>,
    return
  }
  func.func @transform_0(%arg0: i32) -> (i32, i32) {
    %c0_i32 = arith.constant 0 : i32
    %c0_i32_0 = arith.constant 0 : i32
    return %arg0, %c0_i32 : i32, i32
  }
  func.func @transform_1(%arg0: i32) -> (i32, i32) {
    %c0_i32 = arith.constant 0 : i32
    %c0_i32_0 = arith.constant 0 : i32
    return %arg0, %c0_i32 : i32, i32
  }
  func.func @transform_2(%arg0: i32) -> (i32, i32) {
    %c0_i32 = arith.constant 0 : i32
    %c0_i32_0 = arith.constant 0 : i32
    return %arg0, %c0_i32 : i32, i32
  }
  func.func @transform_3(%arg0: i32) -> (i32, i32) {
    %c0_i32 = arith.constant 0 : i32
    %c0_i32_0 = arith.constant 0 : i32
    %c0_i32_1 = arith.constant 0 : i32
    return %c0_i32, %c0_i32_0 : i32, i32
  }
  func.func @transform_4(%arg0: i32) -> (i32, i32) {
    %c0_i32 = arith.constant 0 : i32
    %c0_i32_0 = arith.constant 0 : i32
    %c0_i32_1 = arith.constant 0 : i32
    return %c0_i32, %c0_i32_0 : i32, i32
  }
  func.func @transform_5(%arg0: i32) -> (i32, i32) {
    %c0_i32 = arith.constant 0 : i32
    %c0_i32_0 = arith.constant 0 : i32
    return %arg0, %c0_i32 : i32, i32
  }
}

</mosaic_0001>

<sc_bundles>
// kernel: kernel.11.cloned.1.call-start
scs
__scs_entry_jumppad:
0x0: {  	(pc) =	sbr.rel $0x88, $3  }
0x1: {  	(tag) =	ssettag $0x0;
	lr =	simm.s32 $0x1  }
0x2: {  	[smem:$0x3F8C] =	sst lr;
	_ =	strace $0xD0000000  }
0x3: {  	_ = 	snop  }
0x4: {  	_ = 	snop  }
0x5: {  	_ = 	snop  }
0x6: {  	_ = 	snop  }
0x7: {  	_ = 	snop  }
__scs_overlays_trampoline_lowered:
0x8: {  	[smem:$0x3F9B] =	sst s0  }
0x9: {  	[smem:$0x3F9C] =	sst s1  }
0xa: {  	[smem:$0x3F9D] =	sst s2  }
0xb: {  	[smem:$0x3F9E] =	sst s3  }
0xc: {  	[smem:$0x3F9F] =	sst s4  }
0xd: {  	[smem:$0x3FA0] =	sst s5  }
0xe: {  	[smem:$0x3FA1] =	sst s6  }
0xf: {  	[smem:$0x3FA2] =	sst s7  }
0x10: {  	[smem:$0x3FA3] =	sst s8  }
0x11: {  	[smem:$0x3FA4] =	sst s9;
	s0 =	simm.s32 @!p0 $0x0  }
0x12: {  	s1 =	sld [smem:$0x3F8A];
	s0 =	simm.s32 @p0 $0x1  }
0x13: {  	[smem:$0x3FA5] =	sst s0;
	s0 =	simm.s32 @!p1 $0x0  }
0x14: {  	s2 =	sld [smem:$0x3F89];
	s0 =	simm.s32 @p1 $0x1  }
0x15: {  	[smem:$0x3FA6] =	sst s0;
	s0 =	simm.s32 @!p2 $0x0  }
0x16: {  	s3 =	sld [smem:$0x3FDB];
	s0 =	simm.s32 @p2 $0x1  }
0x17: {  	s4 =	simm.s32 $0x1BF5;
	[smem:$0x3FA8] =	sst s0  }
0x18: {  	s0 =	sld [smem:$0x3F8B];
	_ =	swait.ge [sflag:s4], $0x0  }
0x19: {  	s7 =	sld [smem:$0x3F8C]  }
0x1a: {  	s8 =	sadd.s32 $0xFFFFE003, lr  }
0x1b: {  	s9 =	sadd.s32 $0xFFFFFEF7, lr;
	s5 =	simm.s32 $0xFFFFFFFF;
	p2 =	slt.u32 s8, $0xFFFFF086  }
0x1c: {  	p1 =	slt.u32 s9, $0xF7A;
	s5 =	simm.s32 @!p2 $0x0  }
0x1d: {  	s5 =	simm.s32 @p1 $0x1;
	p0 =	seq.s32 s7, s2  }
0x1e: {  	s7 =	smul.u32 @!p0 $0xF7A, s2;
	p2 =	seq.s32 @!p0 s5, $0x0  }
0x1f: {  	s9 =	smul.u32 $0xF7A, s1;
	s8 =	simm.s32 @!p0 $0x1BF5;
	p2 =	por !p2, p0  }
0x20: {  	[sflag:s8] =	ssyncset.s32 @!p0 $0xFFFFF086;
	s6 =	sadd.s32 @!p0 s3, s7;
	s7 =	simm.s32 @!p0 $0x108  }
0x21: {  	s3 =	sadd.s32 s3, s9;
	s6 =	sadd.s32 @!p0 $0x88, s6;
	s7 =	simm.s32 @p2 $0x1082  }
0x22: {  	[simem:s7], [sflag:s8] =	dma.local @!p0 [hbm:s6], $0xF7A  }
0x23: {  	s9 =	sor.u32 $0xD0000000, s2;
	s6 =	simm.s32 $0x108;
	_ =	swait.ge @!p0 [sflag:s8], $0x0  }
0x24: {  	s3 =	sadd.s32 $0x88, s3;
	s6 =	simm.s32 @!p1 $0x1082;
	[sflag:s4] =	ssyncset.s32 $0xFFFFF086  }
0x25: {  	[simem:s6], [sflag:s4] =	dma.local [hbm:s3], $0xF7A  }
0x26: {  	[smem:$0x3F8C] =	sst s1;
	(tag) =	ssettag s2;
	_ =	strace s9  }
0x27: {  	s1 =	sld [smem:$0x3F9C]  }
0x28: {  	s2 =	sld [smem:$0x3F9D]  }
0x29: {  	s4 =	sld [smem:$0x3F9F]  }
0x2a: {  	p0 =	seq.s32 s5, $0x0;
	s5 =	sld [smem:$0x3FA0]  }
0x2b: {  	s6 =	sld [smem:$0x3FA1]  }
0x2c: {  	s7 =	sld [smem:$0x3FA2]  }
0x2d: {  	s3 =	simm.s32 $0x108;
	s8 =	sld [smem:$0x3FA3]  }
0x2e: {  	s3 =	simm.s32 @!p0 $0x1082;
	s9 =	sld [smem:$0x3FA4]  }
0x2f: {  	lr =	sadd.s32 s0, s3;
	s0 =	sld [smem:$0x3F9B]  }
0x30: {  	s3 =	sld [smem:$0x3F9E]  }
0x31: {  	[smem:$0x3FA7] =	sst s10  }
0x32: {  	s10 =	sld [smem:$0x3FA5];
	_ =	sdelay $0x3  }
0x33: {  	p0 =	seq.s32 s10, $0x1;
	s10 =	sld [smem:$0x3FA7];
	_ =	sdelay $0x3  }
0x34: {  	[smem:$0x3FA7] =	sst s10  }
0x35: {  	s10 =	sld [smem:$0x3FA6];
	_ =	sdelay $0x3  }
0x36: {  	p1 =	seq.s32 s10, $0x1;
	s10 =	sld [smem:$0x3FA7];
	_ =	sdelay $0x3  }
0x37: {  	[smem:$0x3FA7] =	sst s10  }
0x38: {  	s10 =	sld [smem:$0x3FA8]  }
0x39: {  	_ = 	snop;
	(pc) =	sbr.ind lr, $3  }
0x3a: {  	_ = 	snop  }
0x3b: {  	_ = 	snop  }
0x3c: {  	p2 =	seq.s32 s10, $0x1;
	s10 =	sld [smem:$0x3FA7]  }
0x3d: {  	_ =	shalt  }
0x3e: {  	_ =	shalt  }
0x3f: {  	_ =	shalt  }
0x40: {  	_ =	shalt  }
0x41: {  	_ =	shalt  }
0x42: {  	_ =	shalt  }
0x43: {  	_ =	shalt  }
0x44: {  	_ =	shalt  }
0x45: {  	_ =	shalt  }
0x46: {  	_ =	shalt  }
0x47: {  	_ =	shalt  }
0x48: {  	_ =	shalt  }
0x49: {  	_ =	shalt  }
0x4a: {  	_ =	shalt  }
0x4b: {  	_ =	shalt  }
0x4c: {  	_ =	shalt  }
0x4d: {  	_ =	shalt  }
0x4e: {  	_ =	shalt  }
0x4f: {  	_ =	shalt  }
0x50: {  	_ =	shalt  }
0x51: {  	_ =	shalt  }
0x52: {  	_ =	shalt  }
0x53: {  	_ =	shalt  }
0x54: {  	_ =	shalt  }
0x55: {  	_ =	shalt  }
0x56: {  	_ =	shalt  }
0x57: {  	_ =	shalt  }
0x58: {  	_ =	shalt  }
0x59: {  	_ =	shalt  }
0x5a: {  	_ =	shalt  }
0x5b: {  	_ =	shalt  }
0x5c: {  	_ =	shalt  }
0x5d: {  	_ =	shalt  }
0x5e: {  	_ =	shalt  }
0x5f: {  	_ =	shalt  }
0x60: {  	_ =	shalt  }
0x61: {  	_ =	shalt  }
0x62: {  	_ =	shalt  }
0x63: {  	_ =	shalt  }
0x64: {  	_ =	shalt  }
0x65: {  	_ =	shalt  }
0x66: {  	_ =	shalt  }
0x67: {  	_ =	shalt  }
0x68: {  	_ =	shalt  }
0x69: {  	_ =	shalt  }
0x6a: {  	_ =	shalt  }
0x6b: {  	_ =	shalt  }
0x6c: {  	_ =	shalt  }
0x6d: {  	_ =	shalt  }
0x6e: {  	_ =	shalt  }
0x6f: {  	_ =	shalt  }
0x70: {  	_ =	shalt  }
0x71: {  	_ =	shalt  }
0x72: {  	_ =	shalt  }
0x73: {  	_ =	shalt  }
0x74: {  	_ =	shalt  }
0x75: {  	_ =	shalt  }
0x76: {  	_ =	shalt  }
0x77: {  	_ =	shalt  }
0x78: {  	_ =	shalt  }
0x79: {  	_ =	shalt  }
0x7a: {  	_ =	shalt  }
0x7b: {  	_ =	shalt  }
0x7c: {  	_ =	shalt  }
0x7d: {  	_ =	shalt  }
0x7e: {  	_ =	shalt  }
0x7f: {  	_ =	shalt  }
0x80: {  	_ =	shalt  }
0x81: {  	_ =	shalt  }
0x82: {  	_ =	shalt  }
0x83: {  	_ =	shalt  }
0x84: {  	_ =	shalt  }
0x85: {  	_ =	shalt  }
0x86: {  	_ =	shalt  }
0x87: {  	_ =	shalt  }
.Lfunc_end0:
.L_simem_size_0:
called_computation.1_lowered:
.L_overlay_start_0:
0x88: {  	s2 =	sld [smem:$0x3FD9]  }
0x89: {  	s3 =	sld [smem:$0x3FFE];
	_ =	sdelay $0x1  }
0x8a: {  	s1 =	srdreg.scid  }
0x8b: {  	s0 =	sand.u32 $0x1, s1  }
0x8c: {  	s16 =	sshll.u32 s0, $0xA;
	s2 =	sadd.s32 s3, s2  }
0x8d: {  	s2 =	sadd.s32 s2, s16  }
0x8e: {  	[smem:$0x3FB3] =	sst s2  }
0x8f: {  	_ = 	snop  }
0x90: {  	(tm) =	ssettm $0x1  }
0x91: {  	s17 =	sld [smem:$0x3FFB];
	_ =	sdelay $0x3  }
0x92: {  	_ =	strace s17  }
0x93: {  	s2 =	sld [smem:$0x3FFC];
	_ =	sdelay $0x3  }
0x94: {  	_ =	strace s2  }
0x95: {  	s2 =	sld [smem:$0x3FFD];
	_ =	sdelay $0x3  }
0x96: {  	_ =	strace s2  }
0x97: {  	_ =	strace $0x8FFFFFFF  }
0x98: {  	s18 =	sld [smem:$0x3FDB];
	_ =	sdelay $0x1  }
0x99: {  	s19 =	simm.s32 $_scs_section_size  }
0x9a: {  	s4 =	simm.s32 $_size__tile_overlayer_lowered;
	s5 =	simm.s32 $_tile_overlayer_lowered  }
0x9b: {  	s22 =	simm.s32 $0x1BFF;
	s21 =	sshll.u32 s5, $0x1;
	s2 =	sadd.s32 s19, s18  }
0x9c: {  	s6 =	simm.s32 $0x0;
	s20 =	sshll.u32 s4, $0x1;
	s4 =	sadd.s32 s21, s2  }
0x9d: {  	[timem:s6], [sflag:s22] =	dma.local [hbm:s4], s20  }
0x9e: {  	_ =	swait.ge [sflag:s22], s20  }
0x9f: {  	s3 =	ssub.s32 $0x0, s20;
	[sflag:s22] =	ssyncset.done $0x0  }
0xa0: {  	[sflag:s22] =	ssyncadd.s32 s3;
	_ =	sdelay $0x1  }
0xa1: {  	s23 =	simm.s32 $0x1B8B  }
0xa2: {  	_ =	swait.ge [sflag:s23], $0x1  }
0xa3: {  	[sflag:s23] =	ssyncset.done $0x0  }
0xa4: {  	s25 =	simm.s32 $0x1B8E;
	s24 =	sld [smem:$0x3FFE];
	[sflag:s23] =	ssyncadd.s32 $0xFFFFFFFF  }
0xa5: {  	s26 =	simm.s32 $execute0_lowered;
	[smem:$0x3FD2] =	sst s25  }
0xa6: {  	s4 =	sshll.u32 s26, $0x1;
	_ =	strace $0x80000049;
	[dreg:$0x1] =	wrdreg $0xFFFFFFFF  }
0xa7: {  	s28 =	simm.s32 $_size_execute0_lowered;
	s2 =	sadd.s32 s2, s4;
	[dreg:$0x0] =	wrdreg $0x0  }
0xa8: {  	s4 =	sshll.u32 s28, $0x1;
	[dreg:$0x2] =	wrdreg s2  }
0xa9: {  	[dreg:$0x3] =	wrdreg s4  }
0xaa: {  	[dreg:$0x4] =	wrdreg $0xC0  }
0xab: {  	_ =	task [dreg:s6], $0x5FFFF  }
0xac: {  	[dreg:$0x1] =	wrdreg $0xFFFFFFFF  }
0xad: {  	[dreg:$0x0] =	wrdreg $0x60  }
0xae: {  	[dreg:$0x2] =	wrdreg s24  }
0xaf: {  	[dreg:$0x3] =	wrdreg $0xA1000  }
0xb0: {  	[dreg:$0x4] =	wrdreg $0x9  }
0xb1: {  	_ =	task.clear_ibuf [dreg:s6], $0x5FFFF;
	_ =	strace $0x90000049  }
0xb2: {  	s29 =	simm.s32 $0x9;
	_ =	strace $0x8000004B  }
0xb3: {  	_ =	swait.ge [sflag:s29], $0x1  }
0xb4: {  	[sflag:s29] =	ssyncadd.s32 $0xFFFFFFFF  }
0xb5: {  	_ =	strace $0x9000004B  }
0xb6: {  	_ =	sfence  }
0xb7: {  	s30 =	sld [smem:$0x0];
	_ =	sdelay $0x2  }
0xb8: {  	s31 =	sshll.u32 s1, $0xD;
	s1 =	sshrl.u32 s1, $0x2  }
0xb9: {  	s3 =	sand.u32 $0x4000, s31;
	s1 =	sadd.s32 s1, s30  }
0xba: {  	s0 =	sor.u32 s3, s0;
	s1 =	sshll.u32 s1, $0x11  }
0xbb: {  	s0 =	sor.u32 s1, s0  }
0xbc: {  	s0 =	sadd.s32 $0x8F2B, s0  }
0xbd: {  	[sflag:s0] =	ssyncadd.remote.s32 $0x1  }
0xbe: {  	_ =	sfence.sel $0xFFFF  }
0xbf: {  	[dreg:$0x0] =	wrdreg $0xFFFFFFFF;
	(pc) =	sbr.abs _section_cstart, $3  }
0xc0: {  	[dreg:$0x1] =	wrdreg $0xFFFFFFFF  }
0xc1: {  	_ =	task.clear_ibuf [dreg:s6], $0x2FFFF;
	_ =	strace $0x9FFFFFFF  }
0xc2: {  	(tm) =	ssettm $0x7FFFFFFF  }
0xc3: {  	_ =	shalt  }
tec
execute0_lowered:
.L_overlay_start_1:
0x0: {  	(tag) =	ssettag $0x1  }
0x1: {  	s0 =	rddreg [dreg:$0x0]  }
0x2: {  	s11 =	rddreg [dreg:$0x1];
	s1 =	srdreg.scid;
	s3 =	simm.s32 $0x0  }
0x3: {  	s10 =	stileid.u32;
	s28 =	simm.s32 $0x2100;
	s29 =	simm.s32 $0x2900  }
0x4: {  	s30 =	simm.s32 $0x3100;
	s31 =	simm.s32 $0x3900;
	s12 =	simm.s32 $0x50  }
0x5: {  	s1 =	sand.u32 $0x1, s1;
	[smem:$0x7FF] =	sst s3;
	s17 =	smul.u32 $0x13C00, s10  }
0x6: {  	s4 =	sadd.s32 $0x65C00, s0;
	s5 =	sadd.s32 $0x9DB800, s0;
	s18 =	smul.u32 $0x4F000, s10  }
0x7: {  	s6 =	sadd.s32 $0xDA00, s0;
	s7 =	sadd.s32 $0x3C00, s0;
	s8 =	sadd.s32 $0x102E00, s0  }
0x8: {  	s10 =	sshll.u32 s10, $0x1;
	s2 =	smul.u32 $0x13C000, s1;
	s3 =	sshrl.u32 s18, $0x2  }
0x9: {  	_ =	strace $0x8000004A;
	s19 =	ssub.s32 $0x2, s1;
	s14 =	sadd.s32 s3, s11  }
0xa: {  	s1 =	sor.u32 s1, s10;
	s3 =	sadd.s32 $0x2800, s14;
	[dreg:$0x3] =	wrdreg s14  }
0xb: {  	s10 =	simm.s32 $0x1;
	s20 =	sadd.s32 $0x5000, s14;
	[dreg:$0x4] =	wrdreg s3  }
0xc: {  	s9 =	sshrl.u32 s19, $0x1;
	s21 =	sadd.s32 $0x7800, s14;
	[dreg:$0x5] =	wrdreg s20  }
0xd: {  	s2 =	sadd.s32 s17, s2;
	s22 =	sadd.s32 $0xA000, s14;
	[dreg:$0x6] =	wrdreg s21  }
0xe: {  	s17 =	smul.u32 $0x2710, s1;
	s23 =	sadd.s32 $0xC800, s14;
	[dreg:$0x7] =	wrdreg s22  }
0xf: {  	s11 =	simm.s32 $0x7900;
	s24 =	sadd.s32 $0xF000, s14;
	[dreg:$0x8] =	wrdreg s23  }
0x10: {  	s2 =	sshrl.u32 s2, $0x3;
	s25 =	sadd.s32 $0x11800, s14;
	[dreg:$0x9] =	wrdreg s24  }
0x11: {  	s0 =	sadd.s32 s2, s0;
	s2 =	ssub.s32 s19, s9;
	[dreg:$0xa] =	wrdreg s25  }
0x12: {  	s20 =	simm.s32 $0x5100;
	s21 =	simm.s32 $0x2;
	s22 =	simm.s32 $0x80  }
0x13: {  	v3 =	vlaneseq.u32;
	v0 =	vimm.f32 $0.0e+00;
	s3 =	simm.s32 $0x0;
	s25 =	simm.s32 $0x0;
	s0 =	sadd.s32 $0xB3E00, s0  }
0x14: {  	vm0 =	vmmov $0xffff;
	vm1 =	vmmov $0xf;
	v2 =	vshrl.u32 v3, $0x3;
	s26 =	smax.u32 s2, $0x1;
	s2 =	simm.s32 $0x4900;
	[dreg:$0xb] =	wrdreg s0  }
0x15: {  	v1 =	vand.u32 $0x7, v3;
	v3 =	vor.u32 $0x8, v3;
	v2 =	vmul.u32 $0x8, v2;
	[dreg:$0xc] =	wrdreg s26;
	s26 =	simm.s32 $0x1900;
	s0 =	simm.s32 $0x4100  }
.LBB2_1:
0x16: {  	s24 =	simm.s32 $0x0  }
0x17: {  	s1 =	sand.u32 $0xFE00, s24  }
0x18: {  	[dreg:$0xd] =	wrdreg s3;
	s3 =	sand.u32 $0x70, s24;
	s9 =	sshrl.u32 s1, $0x2  }
0x19: {  	s1 =	simm.s32 $0x40;
	s9 =	sor.u32 s3, s9;
	s3 =	simm.s32 $0x0  }
.LBB2_2:
0x1a: {  	p0 =	sne.s32 s1, $0x9FC0  }
0x1b: {  	[tilespmem:s9+$0x5100] =	vst v0;
	s3 =	sadd.s32 $0x10, s3;
	s9 =	smov.u32 s1;
	s1 =	sadd.s32 $0x40, s1  }
.Ltmp0:
0x1c: {  	(pc) =	sbr.rel @p0 .LBB2_2-.Ltmp0, $4  }
0x1d: {  	_ = 	snop  }
0x1e: {  	s9 =	sand.u32 $0xFE00, s9  }
0x1f: {  	s13 =	sand.u32 $0x70, s3;
	s9 =	sshrl.u32 s9, $0x2  }
0x20: {  	s9 =	sor.u32 s13, s9  }
0x21: {  	[tilespmem:s9+$0x5100] =	vst v0  }
0x22: {  	[spmem:s14] =	stream.linear.scatter [tilespmem:s20], [sflag:$0x2], $0x2800, $0x38;
	[tilespmem:$0x1DD00] =	vst v63  }
0x23: {  	_ =	swait.ge [sflag:s21], $0x2800  }
0x24: {  	[sflag:s21] =	ssyncset.done $0x0  }
0x25: {  	s1 =	rddreg [dreg:$0x4];
	[sflag:s21] =	ssyncadd.s32 $0xFFFFD800  }
0x26: {  	[spmem:s1] =	stream.linear.scatter [tilespmem:s20], [sflag:$0x2], $0x2800, $0x38;
	[tilespmem:$0x1DD00] =	vst v63  }
0x27: {  	_ =	swait.ge [sflag:s21], $0x2800  }
0x28: {  	[sflag:s21] =	ssyncset.done $0x0  }
0x29: {  	s15 =	rddreg [dreg:$0x5];
	[sflag:s21] =	ssyncadd.s32 $0xFFFFD800  }
0x2a: {  	[spmem:s15] =	stream.linear.scatter [tilespmem:s20], [sflag:$0x2], $0x2800, $0x38;
	[tilespmem:$0x1DD00] =	vst v63  }
0x2b: {  	_ =	swait.ge [sflag:s21], $0x2800  }
0x2c: {  	[sflag:s21] =	ssyncset.done $0x0  }
0x2d: {  	s16 =	rddreg [dreg:$0x6];
	[sflag:s21] =	ssyncadd.s32 $0xFFFFD800  }
0x2e: {  	[spmem:s16] =	stream.linear.scatter [tilespmem:s20], [sflag:$0x2], $0x2800, $0x38;
	[tilespmem:$0x1DD00] =	vst v63  }
0x2f: {  	_ =	swait.ge [sflag:s21], $0x2800  }
0x30: {  	[sflag:s21] =	ssyncset.done $0x0  }
0x31: {  	s18 =	rddreg [dreg:$0x7];
	[sflag:s21] =	ssyncadd.s32 $0xFFFFD800  }
0x32: {  	[spmem:s18] =	stream.linear.scatter [tilespmem:s20], [sflag:$0x2], $0x2800, $0x38;
	[tilespmem:$0x1DD00] =	vst v63  }
0x33: {  	_ =	swait.ge [sflag:s21], $0x2800  }
0x34: {  	[sflag:s21] =	ssyncset.done $0x0  }
0x35: {  	s19 =	rddreg [dreg:$0x8];
	[sflag:s21] =	ssyncadd.s32 $0xFFFFD800  }
0x36: {  	[spmem:s19] =	stream.linear.scatter [tilespmem:s20], [sflag:$0x2], $0x2800, $0x38;
	[tilespmem:$0x1DD00] =	vst v63  }
0x37: {  	_ =	swait.ge [sflag:s21], $0x2800  }
0x38: {  	[sflag:s21] =	ssyncset.done $0x0  }
0x39: {  	s23 =	rddreg [dreg:$0x9];
	[sflag:s21] =	ssyncadd.s32 $0xFFFFD800  }
0x3a: {  	[spmem:s23] =	stream.linear.scatter [tilespmem:s20], [sflag:$0x2], $0x2800, $0x38;
	[tilespmem:$0x1DD00] =	vst v63  }
0x3b: {  	_ =	swait.ge [sflag:s21], $0x2800  }
0x3c: {  	[sflag:s21] =	ssyncset.done $0x0  }
0x3d: {  	s24 =	rddreg [dreg:$0xa];
	[sflag:s21] =	ssyncadd.s32 $0xFFFFD800  }
0x3e: {  	[spmem:s24] =	stream.linear.scatter [tilespmem:s20], [sflag:$0x2], $0x2400, $0x38;
	[tilespmem:$0x1DD00] =	vst v63  }
0x3f: {  	_ =	swait.ge [sflag:s21], $0x2400  }
0x40: {  	[sflag:s21] =	ssyncset.done $0x0  }
0x41: {  	[sflag:s21] =	ssyncadd.s32 $0xFFFFDC00  }
0x42: {  	s14 =	simm.s32 $0x0;
	s15 =	simm.s32 $0x0;
	[bflag:$0x0] =	sbarrier.arrive $0xFFFF  }
.LBB2_4:
0x43: {  	s1 =	smul.u32 $0x50, s15;
	_ =	sdelay $0x1  }
0x44: {  	s1 =	sadd.s32 s17, s1  }
0x45: {  	s3 =	sshrl.u32 s1, $0x3  }
0x46: {  	s9 =	sadd.s32 s6, s3  }
0x47: {  	[tilespmem:s14], [sflag:$0x2] =	stream.linear.gather [hbm4b:s9+s14], $0x50, $0x38;
	[tilespmem:$0x1DD00] =	vst v63  }
0x48: {  	_ =	swait.ge [sflag:s21], $0x50  }
0x49: {  	[sflag:s21] =	ssyncset.done $0x0  }
0x4a: {  	s3 =	sadd.s32 s7, s3;
	[sflag:s21] =	ssyncadd.s32 $0xFFFFFFB0  }
0x4b: {  	[tilespmem:s22], [sflag:$0x2] =	stream.linear.gather [hbm4b:s3+s14], $0x50, $0x38;
	[tilespmem:$0x1DD00] =	vst v63  }
0x4c: {  	_ =	swait.ge [sflag:s21], $0x50  }
0x4d: {  	[sflag:s21] =	ssyncset.done $0x0  }
0x4e: {  	[sflag:s21] =	ssyncadd.s32 $0xFFFFFFB0  }
0x4f: {  	v4 =	vld [tilespmem:$0x0];
	_ =	sdelay $0x4  }
0x50: {  	v5 =	vshll.u32 v4, $0x1  }
0x51: {  	v4 =	vand.u32 $0x7, v4;
	v5 =	vand.u32 $0xFFFFFFF0, v5  }
0x52: {  	v4 =	vor.u32 v4, v5  }
0x53: {  	v5 =	vperm.xlane v4, v1;
	_ =	sdelay $0x1  }
0x54: {  	v4 =	vperm.xlane v4, v3;
	v5 =	vadd.s32 v2, v5;
	_ =	sdelay $0x1  }
0x55: {  	v4 =	vadd.s32 v2, v4;
	_ =	sdelay $0x1  }
0x56: {  	s13 =	simm.s32 $0x100  }
0x57: {  	[tilespmem:s13], [sflag:$0x1] =	stream.indirect_vreg.gather [hbm4b:s4+s14], $0x80, v5, vm0, $0xb8;
	[tilespmem:$0x1DD00] =	vst v63  }
0x58: {  	s16 =	simm.s32 $0x900  }
0x59: {  	[tilespmem:s16], [sflag:$0x1] =	stream.indirect_vreg.gather [hbm4b:s4+s14], $0x80, v4, vm0, $0xb8;
	[tilespmem:$0x1DD00] =	vst v63  }
0x5a: {  	v4 =	vld [tilespmem:$0x10];
	_ =	sdelay $0x4  }
0x5b: {  	v5 =	vshll.u32 v4, $0x1  }
0x5c: {  	v4 =	vand.u32 $0x7, v4;
	v5 =	vand.u32 $0xFFFFFFF0, v5  }
0x5d: {  	v4 =	vor.u32 v4, v5  }
0x5e: {  	v5 =	vperm.xlane v4, v1;
	_ =	sdelay $0x1  }
0x5f: {  	v4 =	vperm.xlane v4, v3;
	v5 =	vadd.s32 v2, v5;
	_ =	sdelay $0x1  }
0x60: {  	v4 =	vadd.s32 v2, v4;
	_ =	sdelay $0x1  }
0x61: {  	s18 =	simm.s32 $0x1100  }
0x62: {  	[tilespmem:s18], [sflag:$0x1] =	stream.indirect_vreg.gather [hbm4b:s4+s14], $0x80, v5, vm0, $0xb8;
	[tilespmem:$0x1DD00] =	vst v63  }
0x63: {  	_ = 	snop  }
0x64: {  	[tilespmem:s26], [sflag:$0x1] =	stream.indirect_vreg.gather [hbm4b:s4+s14], $0x80, v4, vm0, $0xb8;
	[tilespmem:$0x1DD00] =	vst v63  }
0x65: {  	v4 =	vld [tilespmem:$0x20];
	_ =	sdelay $0x4  }
0x66: {  	v5 =	vshll.u32 v4, $0x1  }
0x67: {  	v4 =	vand.u32 $0x7, v4;
	v5 =	vand.u32 $0xFFFFFFF0, v5  }
0x68: {  	v4 =	vor.u32 v4, v5  }
0x69: {  	v5 =	vperm.xlane v4, v1;
	_ =	sdelay $0x1  }
0x6a: {  	v4 =	vperm.xlane v4, v3;
	v5 =	vadd.s32 v2, v5;
	_ =	sdelay $0x1  }
0x6b: {  	v4 =	vadd.s32 v2, v4;
	_ =	sdelay $0x2  }
0x6c: {  	[tilespmem:s28], [sflag:$0x1] =	stream.indirect_vreg.gather [hbm4b:s4+s14], $0x80, v5, vm0, $0xb8;
	[tilespmem:$0x1DD00] =	vst v63  }
0x6d: {  	_ = 	snop  }
0x6e: {  	[tilespmem:s29], [sflag:$0x1] =	stream.indirect_vreg.gather [hbm4b:s4+s14], $0x80, v4, vm0, $0xb8;
	[tilespmem:$0x1DD00] =	vst v63  }
0x6f: {  	v4 =	vld [tilespmem:$0x30];
	_ =	sdelay $0x4  }
0x70: {  	v5 =	vshll.u32 v4, $0x1  }
0x71: {  	v4 =	vand.u32 $0x7, v4;
	v5 =	vand.u32 $0xFFFFFFF0, v5  }
0x72: {  	v4 =	vor.u32 v4, v5  }
0x73: {  	v5 =	vperm.xlane v4, v1;
	_ =	sdelay $0x1  }
0x74: {  	v4 =	vperm.xlane v4, v3;
	v5 =	vadd.s32 v2, v5;
	_ =	sdelay $0x1  }
0x75: {  	v4 =	vadd.s32 v2, v4;
	_ =	sdelay $0x2  }
0x76: {  	[tilespmem:s30], [sflag:$0x1] =	stream.indirect_vreg.gather [hbm4b:s4+s14], $0x80, v5, vm0, $0xb8;
	[tilespmem:$0x1DD00] =	vst v63  }
0x77: {  	_ = 	snop  }
0x78: {  	[tilespmem:s31], [sflag:$0x1] =	stream.indirect_vreg.gather [hbm4b:s4+s14], $0x80, v4, vm0, $0xb8;
	[tilespmem:$0x1DD00] =	vst v63  }
0x79: {  	v4 =	vld [tilespmem:$0x40];
	_ =	sdelay $0x4  }
0x7a: {  	v5 =	vshll.u32 v4, $0x1  }
0x7b: {  	v4 =	vand.u32 $0x7, v4;
	v5 =	vand.u32 $0xFFFFFFF0, v5  }
0x7c: {  	v4 =	vor.u32 v4, v5  }
0x7d: {  	v5 =	vperm.xlane v4, v1;
	_ =	sdelay $0x1  }
0x7e: {  	v4 =	vperm.xlane v4, v3;
	v5 =	vadd.s32 v2, v5;
	_ =	sdelay $0x1  }
0x7f: {  	v4 =	vadd.s32 v2, v4;
	_ =	sdelay $0x2  }
0x80: {  	[tilespmem:s0], [sflag:$0x1] =	stream.indirect_vreg.gather [hbm4b:s4+s14], $0x80, v5, vm0, $0xb8;
	[tilespmem:$0x1DD00] =	vst v63  }
0x81: {  	s16 =	sshll.u32 s1, $0x4  }
0x82: {  	[tilespmem:s2], [sflag:$0x1] =	stream.indirect_vreg.gather [hbm4b:s4+s14], $0x80, v4, vm0, $0xb8;
	[tilespmem:$0x1DD00] =	vst v63  }
0x83: {  	s1 =	sadd.s32 s5, s16;
	s18 =	simm.s32 $0x7900  }
0x84: {  	[tilespmem:s18], [sflag:$0x2] =	stream.linear.gather [hbm4b:s1+s14], $0x2800, $0x38;
	[tilespmem:$0x1DD00] =	vst v63  }
0x85: {  	_ =	swait.ge [sflag:s21], $0x2800  }
0x86: {  	[sflag:s21] =	ssyncset.done $0x0  }
0x87: {  	[sflag:s21] =	ssyncadd.s32 $0xFFFFD800  }
0x88: {  	_ =	swait.ge [sflag:s10], $0x5000  }
0x89: {  	s19 =	sand.u32 $0x7800, s14;
	s23 =	sand.u32 $0x380, s14;
	[sflag:s10] =	ssyncset.done $0x0  }
0x8a: {  	s1 =	sor.u32 s23, s19;
	[sflag:s10] =	ssyncadd.s32 $0xFFFFB000  }
0x8b: {  	v4 =	vld [tilespmem:s1+$0x500];
	_ =	sdelay $0x4  }
0x8c: {  	(erf) = vrcp.f32 v4;
	_ =	sdelay $0x4  }
0x8d: {  	v4 =	vld [tilespmem:s18+$0x0];
	_ =	sdelay $0x3  }
0x8e: {  	v5 =	vpop (erf)  }
0x8f: {  	v4 =	vmul.f32 v5, v4;
	_ =	sdelay $0x1  }
0x90: {  	v5 =	vnsel vm1, $0x0, v4  }
0x91: {  	[tilespmem:s18+$0x0] =	vst v5  }
0x92: {  	v5 =	vld [tilespmem:s1+$0x100];
	_ =	sdelay $0x2  }
0x93: {  	v6 =	vbroadcast v4, $0x0;
	_ =	sdelay $0x1  }
0x94: {  	v5 =	vmul.f32 v6, v5  }
0x95: {  	s9 =	simm.s32 $0x5140  }
0x96: {  	[tilespmem:s9+$0xFFFFFFC0] =	vst v5  }
0x97: {  	v5 =	vld [tilespmem:s1+$0x110];
	_ =	sdelay $0x4  }
0x98: {  	v5 =	vmul.f32 v5, v6;
	_ =	sdelay $0x1  }
0x99: {  	[tilespmem:s9+$0xFFFFFFD0] =	vst v5  }
0x9a: {  	v5 =	vld [tilespmem:s1+$0x120];
	_ =	sdelay $0x2  }
0x9b: {  	v6 =	vbroadcast v4, $0x1;
	_ =	sdelay $0x1  }
0x9c: {  	v5 =	vmul.f32 v5, v6;
	_ =	sdelay $0x1  }
0x9d: {  	[tilespmem:s9+$0xFFFFFFE0] =	vst v5  }
0x9e: {  	v5 =	vld [tilespmem:s1+$0x130];
	_ =	sdelay $0x4  }
0x9f: {  	v5 =	vmul.f32 v5, v6;
	_ =	sdelay $0x1  }
0xa0: {  	[tilespmem:s9+$0xFFFFFFF0] =	vst v5  }
0xa1: {  	v5 =	vld [tilespmem:s1+$0x140];
	_ =	sdelay $0x2  }
0xa2: {  	v6 =	vbroadcast v4, $0x2;
	_ =	sdelay $0x1  }
0xa3: {  	v5 =	vmul.f32 v5, v6;
	_ =	sdelay $0x1  }
0xa4: {  	[tilespmem:s9+$0x0] =	vst v5  }
0xa5: {  	v5 =	vld [tilespmem:s1+$0x150];
	_ =	sdelay $0x4  }
0xa6: {  	v5 =	vmul.f32 v5, v6;
	_ =	sdelay $0x1  }
0xa7: {  	[tilespmem:s9+$0x10] =	vst v5  }
0xa8: {  	v5 =	vld [tilespmem:s1+$0x160];
	_ =	sdelay $0x2  }
0xa9: {  	v4 =	vbroadcast v4, $0x3;
	_ =	sdelay $0x1  }
0xaa: {  	v5 =	vmul.f32 v5, v4;
	_ =	sdelay $0x1  }
0xab: {  	[tilespmem:s9+$0x20] =	vst v5  }
0xac: {  	v5 =	vld [tilespmem:s1+$0x170];
	_ =	sdelay $0x2  }
0xad: {  	s24 =	simm.s32 $0x80  }
0xae: {  	s3 =	sand.u32 $0x380, s24;
	s13 =	simm.s32 $0x100  }
0xaf: {  	s23 =	sand.u32 $0x7800, s13;
	s19 =	simm.s32 $0x51C0;
	s1 =	simm.s32 $0x100;
	v4 =	vmul.f32 v5, v4  }
.LBB2_5:
0xb0: {  	s23 =	sor.u32 s3, s23;
	s18 =	sadd.s32 $0x80, s18  }
0xb1: {  	[tilespmem:s9+$0x30] =	vst v4;
	s3 =	smov.u32 s1;
	s24 =	sadd.s32 $0x80, s1;
	s9 =	smov.u32 s19  }
0xb2: {  	p0 =	sne.s32 s1, $0x2780;
	v4 =	vld [tilespmem:s23+$0x500];
	_ =	sdelay $0x4  }
0xb3: {  	(erf) = vrcp.f32 v4;
	_ =	sdelay $0x4  }
0xb4: {  	v4 =	vld [tilespmem:s18+$0x0];
	_ =	sdelay $0x3  }
0xb5: {  	v5 =	vpop (erf)  }
0xb6: {  	v4 =	vmul.f32 v5, v4;
	_ =	sdelay $0x1  }
0xb7: {  	v5 =	vnsel vm1, $0x0, v4;
	v6 =	vbroadcast v4, $0x0  }
0xb8: {  	[tilespmem:s18+$0x0] =	vst v5  }
0xb9: {  	v5 =	vld [tilespmem:s23+$0x100];
	_ =	sdelay $0x4  }
0xba: {  	v5 =	vmul.f32 v6, v5;
	_ =	sdelay $0x1  }
0xbb: {  	[tilespmem:s19+$0xFFFFFFC0] =	vst v5  }
0xbc: {  	v5 =	vld [tilespmem:s23+$0x110];
	_ =	sdelay $0x4  }
0xbd: {  	v5 =	vmul.f32 v5, v6;
	_ =	sdelay $0x1  }
0xbe: {  	[tilespmem:s19+$0xFFFFFFD0] =	vst v5  }
0xbf: {  	v5 =	vld [tilespmem:s23+$0x120];
	_ =	sdelay $0x2  }
0xc0: {  	v6 =	vbroadcast v4, $0x1;
	_ =	sdelay $0x1  }
0xc1: {  	v5 =	vmul.f32 v5, v6;
	_ =	sdelay $0x1  }
0xc2: {  	[tilespmem:s19+$0xFFFFFFE0] =	vst v5  }
0xc3: {  	v5 =	vld [tilespmem:s23+$0x130];
	_ =	sdelay $0x4  }
0xc4: {  	v5 =	vmul.f32 v5, v6;
	_ =	sdelay $0x1  }
0xc5: {  	[tilespmem:s19+$0xFFFFFFF0] =	vst v5  }
0xc6: {  	v5 =	vld [tilespmem:s23+$0x140];
	_ =	sdelay $0x2  }
0xc7: {  	v6 =	vbroadcast v4, $0x2;
	_ =	sdelay $0x1  }
0xc8: {  	v5 =	vmul.f32 v5, v6;
	_ =	sdelay $0x1  }
0xc9: {  	[tilespmem:s19+$0x0] =	vst v5  }
0xca: {  	v5 =	vld [tilespmem:s23+$0x150];
	_ =	sdelay $0x4  }
0xcb: {  	v5 =	vmul.f32 v5, v6;
	_ =	sdelay $0x1  }
0xcc: {  	[tilespmem:s19+$0x10] =	vst v5  }
0xcd: {  	v5 =	vld [tilespmem:s23+$0x160];
	_ =	sdelay $0x2  }
0xce: {  	v4 =	vbroadcast v4, $0x3;
	_ =	sdelay $0x1  }
0xcf: {  	v5 =	vmul.f32 v5, v4;
	_ =	sdelay $0x1  }
0xd0: {  	[tilespmem:s19+$0x20] =	vst v5  }
0xd1: {  	v5 =	vld [tilespmem:s23+$0x170];
	_ =	sdelay $0x1  }
.Ltmp1:
0xd2: {  	(pc) =	sbr.rel @p0 .LBB2_5-.Ltmp1, $3  }
0xd3: {  	_ =	sdelay $0x1  }
0xd4: {  	s13 =	sadd.s32 $0x100, s13;
	s3 =	sand.u32 $0x380, s3;
	v4 =	vmul.f32 v5, v4  }
0xd5: {  	s1 =	smov.u32 s24;
	s19 =	sadd.s32 $0x80, s19;
	s23 =	sand.u32 $0x7800, s13  }
0xd6: {  	s1 =	sor.u32 s3, s23;
	[tilespmem:s9+$0x30] =	vst v4  }
0xd7: {  	v4 =	vld [tilespmem:s1+$0x500];
	_ =	sdelay $0x4  }
0xd8: {  	(erf) = vrcp.f32 v4;
	_ =	sdelay $0x3  }
0xd9: {  	s18 =	sadd.s32 $0x80, s18  }
0xda: {  	v4 =	vld [tilespmem:s18+$0x0];
	_ =	sdelay $0x3  }
0xdb: {  	v5 =	vpop (erf)  }
0xdc: {  	v4 =	vmul.f32 v5, v4;
	_ =	sdelay $0x1  }
0xdd: {  	v5 =	vnsel vm1, $0x0, v4  }
0xde: {  	[tilespmem:s18+$0x0] =	vst v5  }
0xdf: {  	v5 =	vld [tilespmem:s1+$0x100];
	_ =	sdelay $0x2  }
0xe0: {  	v6 =	vbroadcast v4, $0x0;
	_ =	sdelay $0x1  }
0xe1: {  	v5 =	vmul.f32 v6, v5;
	_ =	sdelay $0x1  }
0xe2: {  	[tilespmem:s19+$0xFFFFFFC0] =	vst v5  }
0xe3: {  	v5 =	vld [tilespmem:s1+$0x110];
	_ =	sdelay $0x4  }
0xe4: {  	v5 =	vmul.f32 v5, v6;
	_ =	sdelay $0x1  }
0xe5: {  	[tilespmem:s19+$0xFFFFFFD0] =	vst v5  }
0xe6: {  	v5 =	vld [tilespmem:s1+$0x120];
	_ =	sdelay $0x2  }
0xe7: {  	v62 =	vbroadcast v4, $0x1;
	_ =	sdelay $0x1  }
0xe8: {  	v5 =	vmul.f32 v5, v62;
	_ =	sdelay $0x1  }
0xe9: {  	[tilespmem:s19+$0xFFFFFFE0] =	vst v5  }
0xea: {  	v5 =	vld [tilespmem:s1+$0x130];
	_ =	sdelay $0x4  }
0xeb: {  	v5 =	vmul.f32 v5, v62;
	_ =	sdelay $0x1  }
0xec: {  	[tilespmem:s19+$0xFFFFFFF0] =	vst v5  }
0xed: {  	v5 =	vld [tilespmem:s1+$0x140];
	_ =	sdelay $0x2  }
0xee: {  	v63 =	vbroadcast v4, $0x2;
	_ =	sdelay $0x1  }
0xef: {  	v5 =	vmul.f32 v5, v63;
	_ =	sdelay $0x1  }
0xf0: {  	[tilespmem:s19+$0x0] =	vst v5  }
0xf1: {  	v5 =	vld [tilespmem:s1+$0x150];
	_ =	sdelay $0x4  }
0xf2: {  	v5 =	vmul.f32 v5, v63;
	_ =	sdelay $0x1  }
0xf3: {  	[tilespmem:s19+$0x10] =	vst v5  }
0xf4: {  	v5 =	vld [tilespmem:s1+$0x160];
	_ =	sdelay $0x2  }
0xf5: {  	v4 =	vbroadcast v4, $0x3;
	_ =	sdelay $0x1  }
0xf6: {  	v5 =	vmul.f32 v5, v4;
	_ =	sdelay $0x1  }
0xf7: {  	[tilespmem:s19+$0x20] =	vst v5  }
0xf8: {  	v5 =	vld [tilespmem:s1+$0x170];
	_ =	sdelay $0x4  }
0xf9: {  	v4 =	vmul.f32 v5, v4;
	_ =	sdelay $0x1  }
0xfa: {  	s23 =	sadd.s32 s8, s16;
	[tilespmem:s19+$0x30] =	vst v4  }
0xfb: {  	[hbm4b:s23+s25] =	stream.linear.scatter [tilespmem:s11], [sflag:$0x2], $0x2800, $0x38;
	[tilespmem:$0x1DD00] =	vst v63  }
0xfc: {  	_ =	swait.ge [sflag:s21], $0x2800  }
0xfd: {  	s15 =	sadd.s32 $0x1, s15;
	[sflag:s21] =	ssyncset.done $0x0  }
0xfe: {  	p0 =	sne.s32 s15, $0x7D;
	[sflag:s21] =	ssyncadd.s32 $0xFFFFD800  }
.Ltmp2:
0xff: {  	s24 =	rddreg [dreg:$0x1];
	(pc) =	sbr.rel @p0 .LBB2_4-.Ltmp2, $4  }
0x100: {  	[spmem:s24] =	stream.indirect.scatter.add.f32 [tilespmem:s20], [sflag:$0x2], $0x80, s22, s12, $0xb8;
	[tilespmem:$0x1DD00] =	vst v63  }
0x101: {  	_ =	swait.ge [sflag:s21], $0x2800  }
0x102: {  	[sflag:s21] =	ssyncset.done $0x0  }
0x103: {  	[sflag:s21] =	ssyncadd.s32 $0xFFFFD800  }
0x104: {  	s1 =	stileid.u32;
	[bflag:$0x0] =	sbarrier.arrive $0xFFFF  }
0x105: {  	s1 =	sshll.u32 s1, $0x6;
	s14 =	rddreg [dreg:$0x3]  }
0x106: {  	s9 =	rddreg [dreg:$0xb];
	s1 =	sor.u32 $0x1C02, s1;
	s3 =	sshrl.u32 s14, $0x3  }
0x107: {  	[hbm:s9], [sflag:s1] =	dma.local [spmem:s3], $0x2780  }
0x108: {  	_ =	swait.ge [sflag:s21], $0x2780  }
0x109: {  	s23 =	rddreg [dreg:$0xd]  }
0x10a: {  	s24 =	rddreg [dreg:$0xc];
	s3 =	sadd.s32 $0x1, s23  }
0x10b: {  	p0 =	sne.s32 s3, s24  }
.Ltmp3:
0x10c: {  	_ = 	snop;
	(pc) =	sbr.rel @p0 .LBB2_1-.Ltmp3, $3  }
0x10d: {  	_ =	sdelay $0x1  }
0x10e: {  	[sflag:s21] =	ssyncset.done $0x0  }
0x10f: {  	[sflag:s21] =	ssyncadd.s32 $0xFFFFD880  }
0x110: {  	_ =	sfence.sel $0x180000  }
0x111: {  	[bflag:$0x0] =	sbarrier.arrive $0xFFFF  }
0x112: {  	_ =	strace $0x9000004A  }
0x113: {  	s0 =	stileid.u32;
	[bflag:$0x2] =	sbarrier.arrive $0xFFFF  }
0x114: {  	p0 =	sne.s32 s0, $0x0;
	s0 =	rddreg [dreg:$0x2]  }
0x115: {  	s0 =	sadd.s32 @!p0 $0x100000, s0  }
0x116: {  	[sflag:s0] =	ssyncadd.tile.s32 @!p0 $0x1;
	_ =	shalt  }
.Lfunc_end2:
_tile_overlayer_lowered:
.L_overlay_start_2:
0x117: {  	(tag) =	ssettag $0x2  }
0x118: {  	s0 =	rddreg [dreg:$0x0];
	s2 =	stileid.u32  }
0x119: {  	s1 =	rddreg [dreg:$0x1];
	p0 =	sne.s32 s2, $0x0  }
0x11a: {  	s3 =	rddreg [dreg:$0x2];
	[bflag:$0x3] =	sbarrier.arrive $0xFFFF;
	s2 =	simm.s32 @!p0 $0x1C02  }
0x11b: {  	[timem:s3], [sflag:s2] =	dma.local @!p0 [hbm:s0], s1  }
0x11c: {  	s0 =	simm.s32 @!p0 $0x2  }
0x11d: {  	_ =	swait.ge @!p0 [sflag:s0], s1  }
0x11e: {  	s1 =	ssub.s32 @!p0 $0x0, s1;
	[sflag:s0] =	ssyncset.done @!p0 $0x0  }
0x11f: {  	[sflag:s0] =	ssyncadd.s32 @!p0 s1  }
0x120: {  	[bflag:$0x3] =	sbarrier.arrive $0xFFFF  }
0x121: {  	_ =	shalt  }

// kernel: kernel.8.cloned.1.call-start
scs
__scs_entry_jumppad:
0x0: {  	(pc) =	sbr.rel $0x88, $3  }
0x1: {  	(tag) =	ssettag $0x0;
	lr =	simm.s32 $0x1  }
0x2: {  	[smem:$0x3F8C] =	sst lr;
	_ =	strace $0xD0000000  }
0x3: {  	_ = 	snop  }
0x4: {  	_ = 	snop  }
0x5: {  	_ = 	snop  }
0x6: {  	_ = 	snop  }
0x7: {  	_ = 	snop  }
__scs_overlays_trampoline_lowered:
0x8: {  	[smem:$0x3F9B] =	sst s0  }
0x9: {  	[smem:$0x3F9C] =	sst s1  }
0xa: {  	[smem:$0x3F9D] =	sst s2  }
0xb: {  	[smem:$0x3F9E] =	sst s3  }
0xc: {  	[smem:$0x3F9F] =	sst s4  }
0xd: {  	[smem:$0x3FA0] =	sst s5  }
0xe: {  	[smem:$0x3FA1] =	sst s6  }
0xf: {  	[smem:$0x3FA2] =	sst s7  }
0x10: {  	[smem:$0x3FA3] =	sst s8  }
0x11: {  	[smem:$0x3FA4] =	sst s9;
	s0 =	simm.s32 @!p0 $0x0  }
0x12: {  	s1 =	sld [smem:$0x3F8A];
	s0 =	simm.s32 @p0 $0x1  }
0x13: {  	[smem:$0x3FA5] =	sst s0;
	s0 =	simm.s32 @!p1 $0x0  }
0x14: {  	s2 =	sld [smem:$0x3F89];
	s0 =	simm.s32 @p1 $0x1  }
0x15: {  	[smem:$0x3FA6] =	sst s0;
	s0 =	simm.s32 @!p2 $0x0  }
0x16: {  	s3 =	sld [smem:$0x3FDB];
	s0 =	simm.s32 @p2 $0x1  }
0x17: {  	s4 =	simm.s32 $0x1BF5;
	[smem:$0x3FA8] =	sst s0  }
0x18: {  	s0 =	sld [smem:$0x3F8B];
	_ =	swait.ge [sflag:s4], $0x0  }
0x19: {  	s7 =	sld [smem:$0x3F8C]  }
0x1a: {  	s8 =	sadd.s32 $0xFFFFE003, lr  }
0x1b: {  	s9 =	sadd.s32 $0xFFFFFEF7, lr;
	s5 =	simm.s32 $0xFFFFFFFF;
	p2 =	slt.u32 s8, $0xFFFFF086  }
0x1c: {  	p1 =	slt.u32 s9, $0xF7A;
	s5 =	simm.s32 @!p2 $0x0  }
0x1d: {  	s5 =	simm.s32 @p1 $0x1;
	p0 =	seq.s32 s7, s2  }
0x1e: {  	s7 =	smul.u32 @!p0 $0xF7A, s2;
	p2 =	seq.s32 @!p0 s5, $0x0  }
0x1f: {  	s9 =	smul.u32 $0xF7A, s1;
	s8 =	simm.s32 @!p0 $0x1BF5;
	p2 =	por !p2, p0  }
0x20: {  	[sflag:s8] =	ssyncset.s32 @!p0 $0xFFFFF086;
	s6 =	sadd.s32 @!p0 s3, s7;
	s7 =	simm.s32 @!p0 $0x108  }
0x21: {  	s3 =	sadd.s32 s3, s9;
	s6 =	sadd.s32 @!p0 $0x88, s6;
	s7 =	simm.s32 @p2 $0x1082  }
0x22: {  	[simem:s7], [sflag:s8] =	dma.local @!p0 [hbm:s6], $0xF7A  }
0x23: {  	s9 =	sor.u32 $0xD0000000, s2;
	s6 =	simm.s32 $0x108;
	_ =	swait.ge @!p0 [sflag:s8], $0x0  }
0x24: {  	s3 =	sadd.s32 $0x88, s3;
	s6 =	simm.s32 @!p1 $0x1082;
	[sflag:s4] =	ssyncset.s32 $0xFFFFF086  }
0x25: {  	[simem:s6], [sflag:s4] =	dma.local [hbm:s3], $0xF7A  }
0x26: {  	[smem:$0x3F8C] =	sst s1;
	(tag) =	ssettag s2;
	_ =	strace s9  }
0x27: {  	s1 =	sld [smem:$0x3F9C]  }
0x28: {  	s2 =	sld [smem:$0x3F9D]  }
0x29: {  	s4 =	sld [smem:$0x3F9F]  }
0x2a: {  	p0 =	seq.s32 s5, $0x0;
	s5 =	sld [smem:$0x3FA0]  }
0x2b: {  	s6 =	sld [smem:$0x3FA1]  }
0x2c: {  	s7 =	sld [smem:$0x3FA2]  }
0x2d: {  	s3 =	simm.s32 $0x108;
	s8 =	sld [smem:$0x3FA3]  }
0x2e: {  	s3 =	simm.s32 @!p0 $0x1082;
	s9 =	sld [smem:$0x3FA4]  }
0x2f: {  	lr =	sadd.s32 s0, s3;
	s0 =	sld [smem:$0x3F9B]  }
0x30: {  	s3 =	sld [smem:$0x3F9E]  }
0x31: {  	[smem:$0x3FA7] =	sst s10  }
0x32: {  	s10 =	sld [smem:$0x3FA5];
	_ =	sdelay $0x3  }
0x33: {  	p0 =	seq.s32 s10, $0x1;
	s10 =	sld [smem:$0x3FA7];
	_ =	sdelay $0x3  }
0x34: {  	[smem:$0x3FA7] =	sst s10  }
0x35: {  	s10 =	sld [smem:$0x3FA6];
	_ =	sdelay $0x3  }
0x36: {  	p1 =	seq.s32 s10, $0x1;
	s10 =	sld [smem:$0x3FA7];
	_ =	sdelay $0x3  }
0x37: {  	[smem:$0x3FA7] =	sst s10  }
0x38: {  	s10 =	sld [smem:$0x3FA8]  }
0x39: {  	_ = 	snop;
	(pc) =	sbr.ind lr, $3  }
0x3a: {  	_ = 	snop  }
0x3b: {  	_ = 	snop  }
0x3c: {  	p2 =	seq.s32 s10, $0x1;
	s10 =	sld [smem:$0x3FA7]  }
0x3d: {  	_ =	shalt  }
0x3e: {  	_ =	shalt  }
0x3f: {  	_ =	shalt  }
0x40: {  	_ =	shalt  }
0x41: {  	_ =	shalt  }
0x42: {  	_ =	shalt  }
0x43: {  	_ =	shalt  }
0x44: {  	_ =	shalt  }
0x45: {  	_ =	shalt  }
0x46: {  	_ =	shalt  }
0x47: {  	_ =	shalt  }
0x48: {  	_ =	shalt  }
0x49: {  	_ =	shalt  }
0x4a: {  	_ =	shalt  }
0x4b: {  	_ =	shalt  }
0x4c: {  	_ =	shalt  }
0x4d: {  	_ =	shalt  }
0x4e: {  	_ =	shalt  }
0x4f: {  	_ =	shalt  }
0x50: {  	_ =	shalt  }
0x51: {  	_ =	shalt  }
0x52: {  	_ =	shalt  }
0x53: {  	_ =	shalt  }
0x54: {  	_ =	shalt  }
0x55: {  	_ =	shalt  }
0x56: {  	_ =	shalt  }
0x57: {  	_ =	shalt  }
0x58: {  	_ =	shalt  }
0x59: {  	_ =	shalt  }
0x5a: {  	_ =	shalt  }
0x5b: {  	_ =	shalt  }
0x5c: {  	_ =	shalt  }
0x5d: {  	_ =	shalt  }
0x5e: {  	_ =	shalt  }
0x5f: {  	_ =	shalt  }
0x60: {  	_ =	shalt  }
0x61: {  	_ =	shalt  }
0x62: {  	_ =	shalt  }
0x63: {  	_ =	shalt  }
0x64: {  	_ =	shalt  }
0x65: {  	_ =	shalt  }
0x66: {  	_ =	shalt  }
0x67: {  	_ =	shalt  }
0x68: {  	_ =	shalt  }
0x69: {  	_ =	shalt  }
0x6a: {  	_ =	shalt  }
0x6b: {  	_ =	shalt  }
0x6c: {  	_ =	shalt  }
0x6d: {  	_ =	shalt  }
0x6e: {  	_ =	shalt  }
0x6f: {  	_ =	shalt  }
0x70: {  	_ =	shalt  }
0x71: {  	_ =	shalt  }
0x72: {  	_ =	shalt  }
0x73: {  	_ =	shalt  }
0x74: {  	_ =	shalt  }
0x75: {  	_ =	shalt  }
0x76: {  	_ =	shalt  }
0x77: {  	_ =	shalt  }
0x78: {  	_ =	shalt  }
0x79: {  	_ =	shalt  }
0x7a: {  	_ =	shalt  }
0x7b: {  	_ =	shalt  }
0x7c: {  	_ =	shalt  }
0x7d: {  	_ =	shalt  }
0x7e: {  	_ =	shalt  }
0x7f: {  	_ =	shalt  }
0x80: {  	_ =	shalt  }
0x81: {  	_ =	shalt  }
0x82: {  	_ =	shalt  }
0x83: {  	_ =	shalt  }
0x84: {  	_ =	shalt  }
0x85: {  	_ =	shalt  }
0x86: {  	_ =	shalt  }
0x87: {  	_ =	shalt  }
.Lfunc_end0:
.L_simem_size_0:
called_computation_lowered:
.L_overlay_start_0:
0x88: {  	s2 =	sld [smem:$0x3FD9]  }
0x89: {  	s3 =	sld [smem:$0x3FFE];
	_ =	sdelay $0x1  }
0x8a: {  	s1 =	srdreg.scid  }
0x8b: {  	s0 =	sand.u32 $0x1, s1  }
0x8c: {  	s14 =	sshll.u32 s0, $0xA;
	s2 =	sadd.s32 s3, s2  }
0x8d: {  	s2 =	sadd.s32 s2, s14  }
0x8e: {  	[smem:$0x3FB3] =	sst s2  }
0x8f: {  	_ = 	snop  }
0x90: {  	s2 =	sld [smem:$0x3FD0];
	_ =	sdelay $0x2  }
0x91: {  	s15 =	simm.s32 $0xA;
	s4 =	simm.s32 $0x10  }
0x92: {  	[smem:s4], [sflag:s15] =	dma.local [hbm:s2], $0x1  }
0x93: {  	_ =	swait.eq [sflag:s15], $0x1  }
0x94: {  	[sflag:s15] =	ssyncset.done $0x0  }
0x95: {  	[sflag:s15] =	ssyncadd.s32 $0xFFFFFFFF  }
0x96: {  	s16 =	sld [smem:$0x10];
	(tm) =	ssettm $0x1  }
0x97: {  	s17 =	sld [smem:$0x3FFB];
	_ =	sdelay $0x3  }
0x98: {  	_ =	strace s17  }
0x99: {  	s3 =	sld [smem:$0x3FFC];
	_ =	sdelay $0x3  }
0x9a: {  	_ =	strace s3  }
0x9b: {  	s3 =	sld [smem:$0x3FFD];
	_ =	sdelay $0x3  }
0x9c: {  	_ =	strace s3  }
0x9d: {  	_ =	strace $0x8FFFFFFF  }
0x9e: {  	s18 =	sld [smem:$0x3FDB];
	_ =	sdelay $0x1  }
0x9f: {  	s19 =	simm.s32 $_scs_section_size  }
0xa0: {  	s5 =	simm.s32 $_size__tile_overlayer_lowered;
	s6 =	simm.s32 $_tile_overlayer_lowered  }
0xa1: {  	s22 =	simm.s32 $0x1BFF;
	s21 =	sshll.u32 s6, $0x1;
	s3 =	sadd.s32 s19, s18  }
0xa2: {  	s7 =	simm.s32 $0x0;
	s20 =	sshll.u32 s5, $0x1;
	s5 =	sadd.s32 s21, s3  }
0xa3: {  	[timem:s7], [sflag:s22] =	dma.local [hbm:s5], s20  }
0xa4: {  	_ =	swait.ge [sflag:s22], s20  }
0xa5: {  	s4 =	ssub.s32 $0x0, s20;
	[sflag:s22] =	ssyncset.done $0x0  }
0xa6: {  	[sflag:s22] =	ssyncadd.s32 s4;
	_ =	sdelay $0x1  }
0xa7: {  	s23 =	simm.s32 $0x1B8B  }
0xa8: {  	_ =	swait.ge [sflag:s23], $0x1  }
0xa9: {  	[sflag:s23] =	ssyncset.done $0x0  }
0xaa: {  	s25 =	simm.s32 $0x1B8E;
	s24 =	sld [smem:$0x3FFE];
	[sflag:s23] =	ssyncadd.s32 $0xFFFFFFFF  }
0xab: {  	s26 =	simm.s32 $execute0_lowered;
	[smem:$0x3FD2] =	sst s25  }
0xac: {  	s5 =	sshll.u32 s26, $0x1;
	_ =	strace $0x80000046;
	[dreg:$0x1] =	wrdreg $0xFFFFFFFF  }
0xad: {  	s28 =	simm.s32 $_size_execute0_lowered;
	s3 =	sadd.s32 s3, s5;
	[dreg:$0x0] =	wrdreg $0x0  }
0xae: {  	s5 =	sshll.u32 s28, $0x1;
	[dreg:$0x2] =	wrdreg s3  }
0xaf: {  	[dreg:$0x3] =	wrdreg s5  }
0xb0: {  	[dreg:$0x4] =	wrdreg $0xC0  }
0xb1: {  	_ =	task [dreg:s7], $0x5FFFF  }
0xb2: {  	[dreg:$0x1] =	wrdreg $0xFFFFFFFF  }
0xb3: {  	[dreg:$0x0] =	wrdreg $0x60  }
0xb4: {  	[dreg:$0x2] =	wrdreg s16  }
0xb5: {  	[dreg:$0x3] =	wrdreg s24  }
0xb6: {  	[dreg:$0x4] =	wrdreg $0xA1000  }
0xb7: {  	[dreg:$0x5] =	wrdreg $0x9  }
0xb8: {  	_ =	task.clear_ibuf [dreg:s7], $0x6FFFF;
	_ =	strace $0x90000046  }
0xb9: {  	s29 =	simm.s32 $0x9;
	_ =	strace $0x80000048  }
0xba: {  	_ =	swait.ge [sflag:s29], $0x1  }
0xbb: {  	[sflag:s29] =	ssyncadd.s32 $0xFFFFFFFF  }
0xbc: {  	_ =	strace $0x90000048  }
0xbd: {  	_ =	sfence  }
0xbe: {  	s30 =	sld [smem:$0x0];
	_ =	sdelay $0x2  }
0xbf: {  	s31 =	sshll.u32 s1, $0xD;
	s1 =	sshrl.u32 s1, $0x2  }
0xc0: {  	s3 =	sand.u32 $0x4000, s31;
	s1 =	sadd.s32 s1, s30  }
0xc1: {  	s0 =	sor.u32 s3, s0;
	s1 =	sshll.u32 s1, $0x11  }
0xc2: {  	s0 =	sor.u32 s1, s0  }
0xc3: {  	s0 =	sadd.s32 $0x8F2B, s0  }
0xc4: {  	[sflag:s0] =	ssyncadd.remote.s32 $0x1  }
0xc5: {  	_ =	sfence.sel $0xFFFF  }
0xc6: {  	[dreg:$0x0] =	wrdreg $0xFFFFFFFF;
	(pc) =	sbr.abs _section_cstart, $3  }
0xc7: {  	[dreg:$0x1] =	wrdreg $0xFFFFFFFF  }
0xc8: {  	_ =	task.clear_ibuf [dreg:s7], $0x2FFFF;
	_ =	strace $0x9FFFFFFF  }
0xc9: {  	(tm) =	ssettm $0x7FFFFFFF  }
tec
execute0_lowered:
.L_overlay_start_1:
0x0: {  	(tag) =	ssettag $0x1  }
0x1: {  	s1 =	rddreg [dreg:$0x0]  }
0x2: {  	s0 =	rddreg [dreg:$0x1]  }
0x3: {  	s2 =	rddreg [dreg:$0x2]  }
0x4: {  	s4 =	simm.s32 $0x0;
	s3 =	srdreg.scid;
	s13 =	stileid.u32  }
0x5: {  	[smem:$0x7FF] =	sst s4;
	s3 =	sand.u32 $0x1, s3;
	s10 =	smul.u32 $0x13C00, s13  }
0x6: {  	s5 =	sadd.s32 $0x17800, s0;
	s6 =	sadd.s32 $0x4F9800, s0;
	s11 =	smul.u32 $0x4F000, s13  }
0x7: {  	s7 =	sadd.s32 $0xDA00, s0;
	s9 =	smul.u32 $0x13C000, s3;
	s12 =	ssub.s32 $0x2, s3  }
0x8: {  	s8 =	sadd.s32 $0x3C00, s0;
	_ =	strace $0x80000047;
	s19 =	sshrl.u32 s12, $0x1  }
0x9: {  	s11 =	sshrl.u32 s11, $0x2;
	s10 =	sadd.s32 s10, s9;
	s12 =	ssub.s32 s12, s19  }
0xa: {  	s9 =	sadd.s32 $0x9DB800, s0;
	s10 =	sshrl.u32 s10, $0x3;
	s26 =	smax.u32 s12, $0x1  }
0xb: {  	s0 =	sadd.s32 s10, s0;
	s10 =	sadd.s32 s11, s2;
	[dreg:$0xd] =	wrdreg s26  }
0xc: {  	s28 =	simm.s32 $0x5100;
	s11 =	sadd.s32 $0x2800, s10;
	[dreg:$0x4] =	wrdreg s10  }
0xd: {  	s29 =	simm.s32 $0x1;
	s20 =	sadd.s32 $0x5000, s10;
	[dreg:$0x5] =	wrdreg s11  }
0xe: {  	s30 =	simm.s32 $0x2;
	s21 =	sadd.s32 $0x7800, s10;
	[dreg:$0x6] =	wrdreg s20  }
0xf: {  	s31 =	simm.s32 $0x0;
	s22 =	sadd.s32 $0xA000, s10;
	[dreg:$0x7] =	wrdreg s21  }
0x10: {  	s13 =	sshll.u32 s13, $0x1;
	s23 =	sadd.s32 $0xC800, s10;
	[dreg:$0x8] =	wrdreg s22  }
0x11: {  	s3 =	sor.u32 s3, s13;
	s24 =	sadd.s32 $0xF000, s10;
	[dreg:$0x9] =	wrdreg s23  }
0x12: {  	v0 =	vlaneseq.u32;
	s18 =	smul.u32 $0x2710, s3;
	s25 =	sadd.s32 $0x11800, s10;
	[dreg:$0xa] =	wrdreg s24  }
0x13: {  	vm0 =	vcmask $0x300;
	v1 =	vmul.u32 $0xFFFFFFFF, v0;
	s26 =	simm.s32 $0x2900;
	s0 =	sadd.s32 $0x65C00, s0;
	[dreg:$0xb] =	wrdreg s25  }
0x14: {  	vm1 =	vcmask $0x704;
	vm2 =	vcmask $0xB08;
	vm3 =	vcmask $0xF0C;
	[dreg:$0xc] =	wrdreg s0;
	s21 =	simm.s32 $0x7900;
	s22 =	simm.s32 $0x3  }
0x15: {  	vm4 =	vmmov $0xf;
	v0 =	vimm.f32 $0.0e+00;
	v1 =	vadd.s32 $0xF, v1;
	s23 =	simm.s32 $0x80;
	s24 =	simm.s32 $0x50;
	s25 =	simm.s32 $0x100  }
.LBB2_1:
0x16: {  	s0 =	sand.u32 $0xFE00, s4  }
0x17: {  	s3 =	sand.u32 $0x70, s4;
	s11 =	sshrl.u32 s0, $0x2  }
0x18: {  	s0 =	simm.s32 $0x40;
	s11 =	sor.u32 s3, s11;
	s3 =	simm.s32 $0x0  }
.LBB2_2:
0x19: {  	p0 =	sne.s32 s0, $0x9FC0  }
0x1a: {  	[tilespmem:s11+$0x7900] =	vst v0;
	s3 =	sadd.s32 $0x10, s3;
	s11 =	smov.u32 s0;
	s0 =	sadd.s32 $0x40, s0  }
.Ltmp0:
0x1b: {  	(pc) =	sbr.rel @p0 .LBB2_2-.Ltmp0, $4  }
0x1c: {  	_ = 	snop  }
0x1d: {  	s11 =	sand.u32 $0xFE00, s11  }
0x1e: {  	s12 =	sand.u32 $0x70, s3;
	s11 =	sshrl.u32 s11, $0x2  }
0x1f: {  	s11 =	sor.u32 s12, s11  }
0x20: {  	[tilespmem:s11+$0x7900] =	vst v0  }
0x21: {  	[spmem:s10] =	stream.linear.scatter [tilespmem:s21], [sflag:$0x3], $0x2800, $0x38;
	[tilespmem:$0x1DD00] =	vst v63  }
0x22: {  	_ =	swait.ge [sflag:s22], $0x2800  }
0x23: {  	[sflag:s22] =	ssyncset.done $0x0  }
0x24: {  	s0 =	rddreg [dreg:$0x5];
	[sflag:s22] =	ssyncadd.s32 $0xFFFFD800  }
0x25: {  	[spmem:s0] =	stream.linear.scatter [tilespmem:s21], [sflag:$0x3], $0x2800, $0x38;
	[tilespmem:$0x1DD00] =	vst v63  }
0x26: {  	_ =	swait.ge [sflag:s22], $0x2800  }
0x27: {  	[sflag:s22] =	ssyncset.done $0x0  }
0x28: {  	s14 =	rddreg [dreg:$0x6];
	[sflag:s22] =	ssyncadd.s32 $0xFFFFD800  }
0x29: {  	[spmem:s14] =	stream.linear.scatter [tilespmem:s21], [sflag:$0x3], $0x2800, $0x38;
	[tilespmem:$0x1DD00] =	vst v63  }
0x2a: {  	_ =	swait.ge [sflag:s22], $0x2800  }
0x2b: {  	[sflag:s22] =	ssyncset.done $0x0  }
0x2c: {  	s15 =	rddreg [dreg:$0x7];
	[sflag:s22] =	ssyncadd.s32 $0xFFFFD800  }
0x2d: {  	[spmem:s15] =	stream.linear.scatter [tilespmem:s21], [sflag:$0x3], $0x2800, $0x38;
	[tilespmem:$0x1DD00] =	vst v63  }
0x2e: {  	_ =	swait.ge [sflag:s22], $0x2800  }
0x2f: {  	[sflag:s22] =	ssyncset.done $0x0  }
0x30: {  	s16 =	rddreg [dreg:$0x8];
	[sflag:s22] =	ssyncadd.s32 $0xFFFFD800  }
0x31: {  	[spmem:s16] =	stream.linear.scatter [tilespmem:s21], [sflag:$0x3], $0x2800, $0x38;
	[tilespmem:$0x1DD00] =	vst v63  }
0x32: {  	_ =	swait.ge [sflag:s22], $0x2800  }
0x33: {  	[sflag:s22] =	ssyncset.done $0x0  }
0x34: {  	s17 =	rddreg [dreg:$0x9];
	[sflag:s22] =	ssyncadd.s32 $0xFFFFD800  }
0x35: {  	[spmem:s17] =	stream.linear.scatter [tilespmem:s21], [sflag:$0x3], $0x2800, $0x38;
	[tilespmem:$0x1DD00] =	vst v63  }
0x36: {  	_ =	swait.ge [sflag:s22], $0x2800  }
0x37: {  	[sflag:s22] =	ssyncset.done $0x0  }
0x38: {  	s19 =	rddreg [dreg:$0xa];
	[sflag:s22] =	ssyncadd.s32 $0xFFFFD800  }
0x39: {  	[spmem:s19] =	stream.linear.scatter [tilespmem:s21], [sflag:$0x3], $0x2800, $0x38;
	[tilespmem:$0x1DD00] =	vst v63  }
0x3a: {  	_ =	swait.ge [sflag:s22], $0x2800  }
0x3b: {  	[sflag:s22] =	ssyncset.done $0x0  }
0x3c: {  	s20 =	rddreg [dreg:$0xb];
	[sflag:s22] =	ssyncadd.s32 $0xFFFFD800  }
0x3d: {  	[spmem:s20] =	stream.linear.scatter [tilespmem:s21], [sflag:$0x3], $0x2400, $0x38;
	[tilespmem:$0x1DD00] =	vst v63  }
0x3e: {  	_ =	swait.ge [sflag:s22], $0x2400  }
0x3f: {  	[sflag:s22] =	ssyncset.done $0x0  }
0x40: {  	[sflag:s22] =	ssyncadd.s32 $0xFFFFDC00  }
0x41: {  	s3 =	simm.s32 $0x0;
	s0 =	simm.s32 $0x0;
	[bflag:$0x0] =	sbarrier.arrive $0xFFFF  }
.LBB2_4:
0x42: {  	s11 =	smul.u32 $0x50, s3;
	_ =	sdelay $0x1  }
0x43: {  	s11 =	sadd.s32 s18, s11  }
0x44: {  	s12 =	sshrl.u32 s11, $0x3  }
0x45: {  	s13 =	sadd.s32 s7, s12  }
0x46: {  	[tilespmem:s0], [sflag:$0x3] =	stream.linear.gather [hbm4b:s13+s0], $0x50, $0x38;
	[tilespmem:$0x1DD00] =	vst v63  }
0x47: {  	_ =	swait.ge [sflag:s22], $0x50  }
0x48: {  	[sflag:s22] =	ssyncset.done $0x0  }
0x49: {  	s12 =	sadd.s32 s8, s12;
	[sflag:s22] =	ssyncadd.s32 $0xFFFFFFB0  }
0x4a: {  	[tilespmem:s23], [sflag:$0x3] =	stream.linear.gather [hbm4b:s12+s0], $0x50, $0x38;
	[tilespmem:$0x1DD00] =	vst v63  }
0x4b: {  	_ =	swait.ge [sflag:s22], $0x50  }
0x4c: {  	[sflag:s22] =	ssyncset.done $0x0  }
0x4d: {  	[sflag:s22] =	ssyncadd.s32 $0xFFFFFFB0  }
0x4e: {  	[tilespmem:s25], [sflag:$0x1] =	stream.indirect.gather [hbm4b:s1+s24], $0x80, s0, s24, $0xb8;
	[tilespmem:$0x1DD00] =	vst v63  }
0x4f: {  	s11 =	sshll.u32 s11, $0x4  }
0x50: {  	[tilespmem:s26], [sflag:$0x2] =	stream.indirect.gather [hbm4b:s5+s24], $0x80, s23, s24, $0xb8;
	[tilespmem:$0x1DD00] =	vst v63  }
0x51: {  	s19 =	sadd.s32 s6, s11  }
0x52: {  	[tilespmem:s28], [sflag:$0x3] =	stream.linear.gather [hbm4b:s19+s0], $0x2800, $0x38;
	[tilespmem:$0x1DD00] =	vst v63  }
0x53: {  	_ =	swait.ge [sflag:s22], $0x2800  }
0x54: {  	[sflag:s22] =	ssyncset.done $0x0  }
0x55: {  	[sflag:s22] =	ssyncadd.s32 $0xFFFFD800  }
0x56: {  	_ =	swait.ge [sflag:s29], $0x2800  }
0x57: {  	[sflag:s29] =	ssyncset.done $0x0  }
0x58: {  	[sflag:s29] =	ssyncadd.s32 $0xFFFFD800  }
0x59: {  	_ =	swait.ge [sflag:s30], $0x2800  }
0x5a: {  	[sflag:s30] =	ssyncset.done $0x0  }
0x5b: {  	s12 =	simm.s32 $0x0;
	[sflag:s30] =	ssyncadd.s32 $0xFFFFD800  }
0x5c: {  	v2 =	vld [tilespmem:s12+$0x100]  }
0x5d: {  	v3 =	vld [tilespmem:s12+$0x2900]  }
0x5e: {  	v4 =	vld [tilespmem:s12+$0x110]  }
0x5f: {  	v5 =	vld [tilespmem:s12+$0x2910]  }
0x60: {  	v6 =	vld [tilespmem:s12+$0x120]  }
0x61: {  	v7 =	vld [tilespmem:s12+$0x2920]  }
0x62: {  	v8 =	vld [tilespmem:s12+$0x130]  }
0x63: {  	v9 =	vld [tilespmem:s12+$0x2930]  }
0x64: {  	v2 =	vmul.f32 v3, v2;
	v3 =	vmul.f32 v5, v4;
	v4 =	vld [tilespmem:s12+$0x140]  }
0x65: {  	v5 =	vld [tilespmem:s12+$0x2940]  }
0x66: {  	v2 =	vadd.f32 v3, v2;
	v3 =	vmul.f32 v7, v6;
	v6 =	vld [tilespmem:s12+$0x150]  }
0x67: {  	v7 =	vld [tilespmem:s12+$0x2950]  }
0x68: {  	v2 =	vadd.f32 v3, v2;
	v3 =	vmul.f32 v9, v8;
	v8 =	vld [tilespmem:s12+$0x160]  }
0x69: {  	v9 =	vld [tilespmem:s12+$0x2960]  }
0x6a: {  	v2 =	vadd.f32 v3, v2;
	v3 =	vmul.f32 v5, v4;
	v4 =	vld [tilespmem:s12+$0x170]  }
0x6b: {  	v5 =	vld [tilespmem:s12+$0x2970]  }
0x6c: {  	v2 =	vadd.f32 v3, v2;
	v3 =	vmul.f32 v7, v6;
	_ =	sdelay $0x1  }
0x6d: {  	v2 =	vadd.f32 v3, v2;
	v3 =	vmul.f32 v9, v8;
	_ =	sdelay $0x1  }
0x6e: {  	v2 =	vadd.f32 v3, v2;
	v3 =	vmul.f32 v5, v4;
	_ =	sdelay $0x1  }
0x6f: {  	v2 =	vadd.f32 v3, v2;
	_ =	sdelay $0x1  }
0x70: {  	v3 =	vperm.xlane v2, v1;
	_ =	sdelay $0x1  }
0x71: {  	s13 =	simm.s32 $0x80;
	v2 =	vadd.f32 v2, v3  }
0x72: {  	v6 =	vld [tilespmem:s13+$0x2910]  }
0x73: {  	v4 =	vld [tilespmem:s13+$0x2900];
	(v2sf) =	vpush v2, $0x3  }
0x74: {  	v5 =	vld [tilespmem:s13+$0x110];
	(v2sf) =	vpush v2, $0x2  }
0x75: {  	v3 =	vld [tilespmem:s13+$0x100];
	(v2sf) =	vpush v2, $0x0  }
0x76: {  	v7 =	vld [tilespmem:s13+$0x120];
	(v2sf) =	vpush v2, $0x8  }
0x77: {  	v8 =	vld [tilespmem:s13+$0x2920];
	(v2sf) =	vpush v2, $0x1  }
0x78: {  	v10 =	vld [tilespmem:s13+$0x2930];
	(v2sf) =	vpush v2, $0x9  }
0x79: {  	v9 =	vld [tilespmem:s13+$0x130]  }
0x7a: {  	v3 =	vmul.f32 v4, v3;
	v4 =	vmul.f32 v6, v5;
	v5 =	vld [tilespmem:s13+$0x140];
	(v2sf) =	vpush v2, $0xA  }
0x7b: {  	v6 =	vld [tilespmem:s13+$0x2940]  }
0x7c: {  	v3 =	vadd.f32 v4, v3;
	v4 =	vmul.f32 v8, v7;
	v7 =	vld [tilespmem:s13+$0x150];
	(v2sf) =	vpush v2, $0xB  }
0x7d: {  	v2 =	vld [tilespmem:s13+$0x2950]  }
0x7e: {  	v8 =	vld [tilespmem:s13+$0x160];
	v3 =	vadd.f32 v4, v3;
	v4 =	vmul.f32 v10, v9  }
0x7f: {  	v9 =	vld [tilespmem:s13+$0x2960]  }
0x80: {  	v3 =	vadd.f32 v4, v3;
	v4 =	vmul.f32 v6, v5;
	v5 =	vld [tilespmem:s13+$0x170]  }
0x81: {  	v6 =	vld [tilespmem:s13+$0x2970]  }
0x82: {  	v3 =	vadd.f32 v4, v3;
	v2 =	vmul.f32 v2, v7;
	s15 =	spop (v2sf)  }
0x83: {  	s14 =	spop (v2sf)  }
0x84: {  	v2 =	vadd.f32 v2, v3;
	v3 =	vmul.f32 v9, v8;
	s16 =	spop (v2sf)  }
0x85: {  	s17 =	spop (v2sf)  }
0x86: {  	v2 =	vadd.f32 v3, v2;
	v3 =	vmul.f32 v6, v5;
	s16 =	sadd.f32 s17, s16;
	s20 =	spop (v2sf)  }
0x87: {  	v4 =	vld [tilespmem:s12+$0x5100];
	s19 =	spop (v2sf)  }
0x88: {  	v2 =	vadd.f32 v3, v2;
	s16 =	smul.f32 $1.767766920e-01, s16;
	s17 =	sadd.f32 s19, s20  }
0x89: {  	s10 =	spop (v2sf)  }
0x8a: {  	v3 =	vperm.xlane v2, v1;
	s20 =	sadd.f32 s10, s14;
	v5 =	vmov s16;
	s17 =	smul.f32 $1.767766920e-01, s17  }
0x8b: {  	s10 =	spop (v2sf);
	v5 =	vnsel vm0, $0x0, v5  }
0x8c: {  	s14 =	simm.s32 $0x100;
	v2 =	vadd.f32 v2, v3;
	s15 =	sadd.f32 s10, s15;
	s20 =	smul.f32 $1.767766920e-01, s20;
	v5 =	vadd.f32 v5, v4;
	v4 =	vmov s17  }
0x8d: {  	v3 =	vld [tilespmem:s14+$0x100];
	v6 =	vnsel vm1, $0x0, v4  }
0x8e: {  	(v2sf) =	vpush v2, $0x3;
	s15 =	smul.f32 $1.767766920e-01, s15;
	v4 =	vld [tilespmem:s14+$0x2900];
	v7 =	vmov s20;
	v6 =	vadd.f32 v5, v6  }
0x8f: {  	(v2sf) =	vpush v2, $0x2;
	v5 =	vld [tilespmem:s14+$0x110];
	v8 =	vnsel vm2, $0x0, v7  }
0x90: {  	(v2sf) =	vpush v2, $0x0;
	v7 =	vld [tilespmem:s14+$0x2910];
	v9 =	vadd.f32 v6, v8;
	v8 =	vmov s15  }
0x91: {  	(v2sf) =	vpush v2, $0x8;
	v6 =	vld [tilespmem:s14+$0x120];
	v10 =	vnsel vm3, $0x0, v8  }
0x92: {  	(v2sf) =	vpush v2, $0x1;
	s15 =	simm.s32 $0x600;
	v8 =	vld [tilespmem:s14+$0x2920];
	v9 =	vadd.f32 v9, v10  }
.LBB2_5:
0x93: {  	p0 =	sne.s32 s15, $0x9E00;
	v10 =	vld [tilespmem:s14+$0x130];
	(v2sf) =	vpush v2, $0x9  }
0x94: {  	v11 =	vld [tilespmem:s14+$0x2930];
	v9 =	vmul.f32 $1.442695020e+00, v9  }
0x95: {  	v3 =	vmul.f32 v4, v3;
	v4 =	vmul.f32 v7, v5;
	v5 =	vld [tilespmem:s14+$0x140];
	(v2sf) =	vpush v2, $0xA  }
0x96: {  	v7 =	vld [tilespmem:s14+$0x2940];
	(erf) = vpow2.f32 v9  }
0x97: {  	v3 =	vadd.f32 v4, v3;
	v4 =	vmul.f32 v8, v6;
	v6 =	vld [tilespmem:s14+$0x150];
	(v2sf) =	vpush v2, $0xB  }
0x98: {  	v2 =	vld [tilespmem:s14+$0x2950]  }
0x99: {  	v3 =	vadd.f32 v4, v3;
	v4 =	vmul.f32 v11, v10;
	v8 =	vld [tilespmem:s14+$0x160]  }
0x9a: {  	v9 =	vld [tilespmem:s14+$0x2960]  }
0x9b: {  	v3 =	vadd.f32 v4, v3;
	v4 =	vmul.f32 v7, v5;
	v5 =	vld [tilespmem:s14+$0x170]  }
0x9c: {  	v7 =	vld [tilespmem:s14+$0x2970]  }
0x9d: {  	v3 =	vadd.f32 v4, v3;
	v2 =	vmul.f32 v2, v6;
	s16 =	spop (v2sf)  }
0x9e: {  	s17 =	spop (v2sf)  }
0x9f: {  	v2 =	vadd.f32 v2, v3;
	v3 =	vmul.f32 v9, v8;
	s19 =	spop (v2sf);
	v4 =	vpop (erf)  }
0xa0: {  	s20 =	spop (v2sf);
	v4 =	vnsel vm4, $0x0, v4  }
0xa1: {  	v2 =	vadd.f32 v3, v2;
	v3 =	vmul.f32 v7, v5;
	s19 =	sadd.f32 s20, s19;
	s20 =	spop (v2sf);
	[tilespmem:s12+$0x5100] =	vst v4  }
0xa2: {  	v5 =	vld [tilespmem:s13+$0x5100];
	s10 =	spop (v2sf);
	[tilespmem:s12+$0x7900] =	vst v4;
	s12 =	smov.u32 s13;
	s13 =	smov.u32 s14  }
0xa3: {  	v2 =	vadd.f32 v3, v2;
	s14 =	smul.f32 $1.767766920e-01, s19;
	s10 =	sadd.f32 s10, s20  }
0xa4: {  	s19 =	spop (v2sf)  }
0xa5: {  	v3 =	vperm.xlane v2, v1;
	v4 =	vmov s14;
	s10 =	smul.f32 $1.767766920e-01, s10;
	s17 =	sadd.f32 s19, s17  }
0xa6: {  	v4 =	vnsel vm0, $0x0, v4;
	s19 =	spop (v2sf)  }
0xa7: {  	v5 =	vadd.f32 v4, v5;
	v4 =	vmov s10;
	s10 =	smul.f32 $1.767766920e-01, s17;
	s16 =	sadd.f32 s19, s16  }
0xa8: {  	s14 =	sshra.s32 s15, $0x2;
	v2 =	vadd.f32 v2, v3  }
0xa9: {  	v3 =	vld [tilespmem:s14+$0x100];
	v6 =	vnsel vm1, $0x0, v4;
	v7 =	vmov s10;
	s10 =	smul.f32 $1.767766920e-01, s16  }
.Ltmp1:
0xaa: {  	v4 =	vld [tilespmem:s14+$0x2900];
	(v2sf) =	vpush v2, $0x3;
	v6 =	vadd.f32 v5, v6;
	(pc) =	sbr.rel @p0 .LBB2_5-.Ltmp1, $4  }
0xab: {  	v5 =	vld [tilespmem:s14+$0x110];
	(v2sf) =	vpush v2, $0x2;
	v8 =	vnsel vm2, $0x0, v7  }
0xac: {  	v7 =	vld [tilespmem:s14+$0x2910];
	(v2sf) =	vpush v2, $0x0;
	v9 =	vadd.f32 v6, v8;
	v8 =	vmov s10  }
0xad: {  	v6 =	vld [tilespmem:s14+$0x120];
	(v2sf) =	vpush v2, $0x8;
	v10 =	vnsel vm3, $0x0, v8  }
0xae: {  	s15 =	sadd.s32 $0x200, s15;
	v8 =	vld [tilespmem:s14+$0x2920];
	(v2sf) =	vpush v2, $0x1;
	v9 =	vadd.f32 v9, v10  }
0xaf: {  	v10 =	vld [tilespmem:s14+$0x130];
	(v2sf) =	vpush v2, $0x9  }
0xb0: {  	v11 =	vld [tilespmem:s14+$0x2930];
	v9 =	vmul.f32 $1.442695020e+00, v9  }
0xb1: {  	v3 =	vmul.f32 v4, v3;
	v44 =	vld [tilespmem:s14+$0x140];
	(v2sf) =	vpush v2, $0xA;
	v43 =	vmul.f32 v7, v5  }
0xb2: {  	v45 =	vld [tilespmem:s14+$0x2940];
	(erf) = vpow2.f32 v9  }
0xb3: {  	v47 =	vld [tilespmem:s14+$0x150];
	(v2sf) =	vpush v2, $0xB;
	v3 =	vadd.f32 v43, v3;
	v46 =	vmul.f32 v8, v6  }
0xb4: {  	v2 =	vld [tilespmem:s14+$0x2950]  }
0xb5: {  	v49 =	vld [tilespmem:s14+$0x160];
	v48 =	vmul.f32 v11, v10;
	v3 =	vadd.f32 v46, v3  }
0xb6: {  	v50 =	vld [tilespmem:s14+$0x2960]  }
0xb7: {  	v52 =	vld [tilespmem:s14+$0x170];
	v51 =	vmul.f32 v45, v44;
	v3 =	vadd.f32 v48, v3  }
0xb8: {  	v53 =	vld [tilespmem:s14+$0x2970]  }
0xb9: {  	v2 =	vmul.f32 v2, v47;
	v3 =	vadd.f32 v51, v3;
	s10 =	spop (v2sf)  }
0xba: {  	s15 =	spop (v2sf)  }
0xbb: {  	v2 =	vadd.f32 v2, v3;
	v3 =	vmul.f32 v50, v49;
	s16 =	spop (v2sf);
	v54 =	vpop (erf)  }
0xbc: {  	s17 =	spop (v2sf);
	v4 =	vnsel vm4, $0x0, v54  }
0xbd: {  	v2 =	vadd.f32 v3, v2;
	v3 =	vmul.f32 v53, v52;
	s16 =	sadd.f32 s17, s16;
	s20 =	spop (v2sf);
	[tilespmem:s12+$0x5100] =	vst v4  }
0xbe: {  	v55 =	vld [tilespmem:s13+$0x5100];
	s19 =	spop (v2sf)  }
0xbf: {  	v2 =	vadd.f32 v3, v2;
	s16 =	smul.f32 $1.767766920e-01, s16;
	s17 =	sadd.f32 s19, s20  }
0xc0: {  	s20 =	spop (v2sf)  }
0xc1: {  	s15 =	sadd.f32 s20, s15;
	v3 =	vperm.xlane v2, v1;
	v56 =	vmov s16;
	s17 =	smul.f32 $1.767766920e-01, s17  }
0xc2: {  	s20 =	spop (v2sf);
	v6 =	vnsel vm0, $0x0, v56  }
0xc3: {  	s10 =	sadd.f32 s20, s10;
	s15 =	smul.f32 $1.767766920e-01, s15;
	v2 =	vadd.f32 v2, v3;
	v3 =	vadd.f32 v6, v55;
	v57 =	vmov s17  }
0xc4: {  	v5 =	vnsel vm1, $0x0, v57  }
0xc5: {  	s10 =	smul.f32 $1.767766920e-01, s10;
	v58 =	vmov s15;
	(v2sf) =	vpush v2, $0x3;
	v3 =	vadd.f32 v3, v5  }
0xc6: {  	v5 =	vnsel vm2, $0x0, v58;
	(v2sf) =	vpush v2, $0x2  }
0xc7: {  	v59 =	vmov s10;
	(v2sf) =	vpush v2, $0x0;
	v3 =	vadd.f32 v3, v5  }
0xc8: {  	v5 =	vnsel vm3, $0x0, v59;
	(v2sf) =	vpush v2, $0x8  }
0xc9: {  	(v2sf) =	vpush v2, $0x1;
	v3 =	vadd.f32 v3, v5  }
0xca: {  	(v2sf) =	vpush v2, $0x9  }
0xcb: {  	v3 =	vmul.f32 $1.442695020e+00, v3  }
0xcc: {  	(v2sf) =	vpush v2, $0xA  }
0xcd: {  	(erf) = vpow2.f32 v3  }
0xce: {  	(v2sf) =	vpush v2, $0xB;
	_ =	sdelay $0x5  }
0xcf: {  	s10 =	spop (v2sf)  }
0xd0: {  	s15 =	spop (v2sf)  }
0xd1: {  	s19 =	spop (v2sf);
	v2 =	vpop (erf)  }
0xd2: {  	[tilespmem:s12+$0x7900] =	vst v4;
	s20 =	spop (v2sf);
	v2 =	vnsel vm4, $0x0, v2  }
0xd3: {  	s12 =	sadd.f32 s20, s19;
	s17 =	spop (v2sf);
	[tilespmem:s13+$0x5100] =	vst v2  }
0xd4: {  	v3 =	vld [tilespmem:s14+$0x5100];
	s19 =	spop (v2sf)  }
0xd5: {  	s12 =	smul.f32 $1.767766920e-01, s12;
	s16 =	sadd.f32 s19, s17  }
0xd6: {  	s20 =	spop (v2sf)  }
0xd7: {  	s15 =	sadd.f32 s20, s15;
	v60 =	vmov s12;
	s16 =	smul.f32 $1.767766920e-01, s16  }
0xd8: {  	s17 =	spop (v2sf);
	v4 =	vnsel vm0, $0x0, v60  }
0xd9: {  	s10 =	sadd.f32 s17, s10;
	s19 =	smul.f32 $1.767766920e-01, s15;
	v3 =	vadd.f32 v4, v3;
	v61 =	vmov s16  }
0xda: {  	v4 =	vnsel vm1, $0x0, v61  }
0xdb: {  	s10 =	smul.f32 $1.767766920e-01, s10;
	v62 =	vmov s19;
	v3 =	vadd.f32 v3, v4  }
0xdc: {  	v4 =	vnsel vm2, $0x0, v62  }
0xdd: {  	v63 =	vmov s10;
	v3 =	vadd.f32 v3, v4  }
0xde: {  	v4 =	vnsel vm3, $0x0, v63  }
0xdf: {  	v3 =	vadd.f32 v3, v4;
	_ =	sdelay $0x1  }
0xe0: {  	v3 =	vmul.f32 $1.442695020e+00, v3;
	_ =	sdelay $0x1  }
0xe1: {  	(erf) = vpow2.f32 v3;
	_ =	sdelay $0x8  }
0xe2: {  	v3 =	vpop (erf)  }
0xe3: {  	[tilespmem:s13+$0x7900] =	vst v2;
	v2 =	vnsel vm4, $0x0, v3  }
0xe4: {  	[tilespmem:s14+$0x5100] =	vst v2  }
0xe5: {  	s20 =	sadd.s32 s9, s11;
	[tilespmem:s14+$0x7900] =	vst v2  }
0xe6: {  	[hbm4b:s20+s4] =	stream.linear.scatter [tilespmem:s28], [sflag:$0x3], $0x2800, $0x38;
	[tilespmem:$0x1DD00] =	vst v63  }
0xe7: {  	s3 =	sadd.s32 $0x1, s3;
	_ =	swait.ge [sflag:s22], $0x2800  }
0xe8: {  	p0 =	sne.s32 s3, $0x7D;
	[sflag:s22] =	ssyncset.done $0x0  }
.Ltmp2:
0xe9: {  	[sflag:s22] =	ssyncadd.s32 $0xFFFFD800;
	(pc) =	sbr.rel @p0 .LBB2_4-.Ltmp2, $4  }
0xea: {  	[spmem:s2] =	stream.indirect.scatter.add.f32 [tilespmem:s21], [sflag:$0x3], $0x80, s4, s24, $0xb8;
	[tilespmem:$0x1DD00] =	vst v63  }
0xeb: {  	_ =	swait.ge [sflag:s22], $0x2800  }
0xec: {  	[sflag:s22] =	ssyncset.done $0x0  }
0xed: {  	[sflag:s22] =	ssyncadd.s32 $0xFFFFD800  }
0xee: {  	s0 =	stileid.u32;
	[bflag:$0x0] =	sbarrier.arrive $0xFFFF  }
0xef: {  	s0 =	sshll.u32 s0, $0x6;
	s10 =	rddreg [dreg:$0x4]  }
0xf0: {  	s11 =	rddreg [dreg:$0xc];
	s0 =	sor.u32 $0x1C03, s0;
	s3 =	sshrl.u32 s10, $0x3  }
0xf1: {  	[hbm:s11], [sflag:s0] =	dma.local [spmem:s3], $0x2780  }
0xf2: {  	_ =	swait.ge [sflag:s22], $0x2780  }
0xf3: {  	s31 =	sadd.s32 $0x1, s31;
	s20 =	rddreg [dreg:$0xd]  }
0xf4: {  	p0 =	sne.s32 s31, s20  }
.Ltmp3:
0xf5: {  	_ = 	snop;
	(pc) =	sbr.rel @p0 .LBB2_1-.Ltmp3, $3  }
0xf6: {  	_ =	sdelay $0x1  }
0xf7: {  	[sflag:s22] =	ssyncset.done $0x0  }
0xf8: {  	[sflag:s22] =	ssyncadd.s32 $0xFFFFD880  }
0xf9: {  	_ =	sfence.sel $0x180000  }
0xfa: {  	[bflag:$0x0] =	sbarrier.arrive $0xFFFF  }
0xfb: {  	_ =	strace $0x90000047  }
0xfc: {  	s0 =	stileid.u32;
	[bflag:$0x2] =	sbarrier.arrive $0xFFFF  }
0xfd: {  	p0 =	sne.s32 s0, $0x0;
	s0 =	rddreg [dreg:$0x3]  }
0xfe: {  	s0 =	sadd.s32 @!p0 $0x100000, s0  }
0xff: {  	[sflag:s0] =	ssyncadd.tile.s32 @!p0 $0x1;
	_ =	shalt  }
.Lfunc_end2:
_tile_overlayer_lowered:
.L_overlay_start_2:
0x100: {  	(tag) =	ssettag $0x2  }
0x101: {  	s0 =	rddreg [dreg:$0x0];
	s2 =	stileid.u32  }
0x102: {  	s1 =	rddreg [dreg:$0x1];
	p0 =	sne.s32 s2, $0x0  }
0x103: {  	s3 =	rddreg [dreg:$0x2];
	[bflag:$0x3] =	sbarrier.arrive $0xFFFF;
	s2 =	simm.s32 @!p0 $0x1C03  }
0x104: {  	[timem:s3], [sflag:s2] =	dma.local @!p0 [hbm:s0], s1  }
0x105: {  	s0 =	simm.s32 @!p0 $0x3  }
0x106: {  	_ =	swait.ge @!p0 [sflag:s0], s1  }
0x107: {  	s1 =	ssub.s32 @!p0 $0x0, s1;
	[sflag:s0] =	ssyncset.done @!p0 $0x0  }
0x108: {  	[sflag:s0] =	ssyncadd.s32 @!p0 s1  }
0x109: {  	[bflag:$0x3] =	sbarrier.arrive $0xFFFF  }
0x10a: {  	_ =	shalt  }

</sc_bundles>
